<compile_context>
chip_gen: v7x
topology: tpu7x:2x2x1
jax: 0.10.2.dev20260603
libtpu: 0.0.44.dev20260713+nightly
codegen_flags: <defaults>
</compile_context>

<pallas_src>
import functools

import jax
import jax.numpy as jnp
from jax import lax
from jax.experimental import pallas as pl
from jax.experimental.pallas import tpu as pltpu
from jax.experimental.pallas import tpu_sc as plsc

N_NODES = 100000
N_EDGES = 1600000
HID = 16
NC = 2
NS = 16
NW = NC * NS
BLK = 128
NB = 391
E_PAD = NW * NB * BLK
N_PAD = 100352
CHUNK = N_PAD // NS
ZROWS = 784
NODE_BLK = 1024
NODE_GRID = N_PAD // NODE_BLK
EDGE_BLK = 4096
F32 = jnp.float32

_sc_mesh = plsc.VectorSubcoreMesh(
    core_axis_name="c", subcore_axis_name="s", num_cores=NC, num_subcores=NS)



def _zero_shared(zbuf, dst, sid):
    def zrow(j, _):
        zbuf[j] = jnp.zeros((16,), F32)
        return 0
    lax.fori_loop(0, BLK, zrow, 0)
    def zcp(r, _):
        pltpu.sync_copy(zbuf, dst.at[pl.ds(sid * CHUNK + r * BLK, BLK)])
        return 0
    lax.fori_loop(0, CHUNK // BLK, zcp, 0)


def _phase1_body(with_deg, A_hbm, B_hbm, eproj_hbm, src_hbm, tgt_hbm,
                 acc_out, deg_out, idxs, idxt, arows, brows, erows,
                 hrows, ones, zdeg, acc_sh, deg_sh, sem):
    cid = lax.axis_index("c")
    sid = lax.axis_index("s")
    wid = cid * NS + sid

    _zero_shared(hrows, acc_sh, sid)
    if with_deg:
        def zd(j, _):
            zdeg[pl.ds(j * 16, 16)] = jnp.zeros((16,), F32)
            return 0
        lax.fori_loop(0, ZROWS // 16, zd, 0)
        def zdc(r, _):
            pltpu.sync_copy(zdeg, deg_sh.at[pl.ds(sid * CHUNK + r * ZROWS,
                                                  ZROWS)])
            return 0
        lax.fori_loop(0, CHUNK // ZROWS, zdc, 0)
        def so(j, _):
            ones[pl.ds(j * 16, 16)] = jnp.full((16,), 1.0, F32)
            return 0
        lax.fori_loop(0, BLK // 16, so, 0)
    plsc.subcore_barrier()

    base0 = wid * NB * BLK

    def block(b, _):
        base = base0 + b * BLK
        pltpu.sync_copy(src_hbm.at[pl.ds(base, BLK)], idxs)
        pltpu.sync_copy(tgt_hbm.at[pl.ds(base, BLK)], idxt)
        ca = pltpu.async_copy(A_hbm.at[idxs], arows, sem)
        cb = pltpu.async_copy(B_hbm.at[idxt], brows, sem)
        ce = pltpu.async_copy(eproj_hbm.at[pl.ds(base, BLK)], erows, sem)
        ca.wait()
        cb.wait()
        ce.wait()

        def row(j, _):
            hrows[j] = jnp.maximum(arows[j] + brows[j] + erows[j], 0.0)
            return 0
        lax.fori_loop(0, BLK, row, 0, unroll=4)
        pltpu.sync_copy(hrows, acc_sh.at[idxs], add=True)
        if with_deg:
            pltpu.sync_copy(ones, deg_sh.at[idxs], add=True)
        return 0

    lax.fori_loop(0, NB, block, 0)
    plsc.subcore_barrier()

    lo = sid * CHUNK
    pltpu.sync_copy(acc_sh.at[pl.ds(lo, CHUNK)],
                    acc_out.at[cid, pl.ds(lo, CHUNK)])
    if with_deg:
        pltpu.sync_copy(deg_sh.at[pl.ds(lo, CHUNK)],
                        deg_out.at[cid, pl.ds(lo, CHUNK)])


def _build_phase1(with_deg):
    out_type = [jax.ShapeDtypeStruct((NC, N_PAD, HID), F32)]
    if with_deg:
        out_type.append(jax.ShapeDtypeStruct((NC, N_PAD), F32))
    scratch = [
        pltpu.VMEM((BLK,), jnp.int32),
        pltpu.VMEM((BLK,), jnp.int32),
        pltpu.VMEM((BLK, HID), F32),
        pltpu.VMEM((BLK, HID), F32),
        pltpu.VMEM((BLK, HID), F32),
        pltpu.VMEM((BLK, HID), F32),
        pltpu.VMEM((BLK,), F32),
        pltpu.VMEM((ZROWS,), F32),
        pltpu.VMEM_SHARED((N_PAD, HID), F32),
    ]
    if with_deg:
        scratch.append(pltpu.VMEM_SHARED((N_PAD,), F32))
        scratch.append(pltpu.SemaphoreType.DMA)

        def body(A, B, ep, s, t, acc_o, deg_o, *scr):
            _phase1_body(True, A, B, ep, s, t, acc_o, deg_o, *scr)
    else:
        scratch.append(pltpu.SemaphoreType.DMA)

        def body(A, B, ep, s, t, acc_o, *scr):
            _phase1_body(False, A, B, ep, s, t, acc_o, None,
                         *scr[:-1], None, scr[-1])
    return pl.kernel(body, out_type=out_type, mesh=_sc_mesh,
                     scratch_types=scratch,
                     compiler_params=pltpu.CompilerParams(
                         use_tc_tiling_on_sc=False))


_phase1_deg = _build_phase1(True)
_phase1_nodeg = _build_phase1(False)


def _phase2_body(y_hbm, src_hbm, tgt_hbm, msg_out,
                 idxs, idxt, yrows, msg_sh, sem):
    cid = lax.axis_index("c")
    sid = lax.axis_index("s")
    wid = cid * NS + sid

    _zero_shared(yrows, msg_sh, sid)
    plsc.subcore_barrier()

    base0 = wid * NB * BLK

    def block(b, _):
        base = base0 + b * BLK
        pltpu.sync_copy(src_hbm.at[pl.ds(base, BLK)], idxs)
        pltpu.sync_copy(tgt_hbm.at[pl.ds(base, BLK)], idxt)
        pltpu.async_copy(y_hbm.at[idxs], yrows, sem).wait()
        pltpu.sync_copy(yrows, msg_sh.at[idxt], add=True)
        return 0

    lax.fori_loop(0, NB, block, 0)
    plsc.subcore_barrier()

    lo = sid * CHUNK
    pltpu.sync_copy(msg_sh.at[pl.ds(lo, CHUNK)],
                    msg_out.at[cid, pl.ds(lo, CHUNK)])


_phase2 = pl.kernel(
    _phase2_body,
    out_type=jax.ShapeDtypeStruct((NC, N_PAD, HID), F32),
    mesh=_sc_mesh,
    scratch_types=[
        pltpu.VMEM((BLK,), jnp.int32),
        pltpu.VMEM((BLK,), jnp.int32),
        pltpu.VMEM((BLK, HID), F32),
        pltpu.VMEM_SHARED((N_PAD, HID), F32),
        pltpu.SemaphoreType.DMA,
    ],
    compiler_params=pltpu.CompilerParams(use_tc_tiling_on_sc=False))



def _eproj_kbody(ea_ref, w_ref, out_ref):
    out_ref[...] = jnp.dot(ea_ref[...], w_ref[...],
                           preferred_element_type=F32,
                           precision=jax.lax.Precision.HIGHEST)


def _eproj_call(ea_pad, W1e):
    return pl.pallas_call(
        _eproj_kbody,
        grid=(E_PAD // EDGE_BLK,),
        in_specs=[
            pl.BlockSpec((EDGE_BLK, 4), lambda i: (i, 0)),
            pl.BlockSpec((4, HID), lambda i: (0, 0)),
        ],
        out_specs=pl.BlockSpec((EDGE_BLK, HID), lambda i: (i, 0)),
        out_shape=jax.ShapeDtypeStruct((E_PAD, HID), F32),
    )(ea_pad, W1e)


def _prep_kbody(h0_ref, run_ref, elev_ref, ws_ref, wt_ref, b1_ref,
                a_ref, b_ref):
    nf = jnp.concatenate([h0_ref[...], run_ref[...], elev_ref[...]], axis=1)
    a_ref[...] = jnp.dot(nf, ws_ref[...], preferred_element_type=F32,
                           precision=jax.lax.Precision.HIGHEST) + b1_ref[...]
    b_ref[...] = jnp.dot(nf, wt_ref[...], preferred_element_type=F32,
                           precision=jax.lax.Precision.HIGHEST)


def _prep_call(h0, run6, elev, W1s, W1t, b1):
    return pl.pallas_call(
        _prep_kbody,
        grid=(NODE_GRID,),
        in_specs=[
            pl.BlockSpec((NODE_BLK, 4), lambda i: (i, 0)),
            pl.BlockSpec((NODE_BLK, 6), lambda i: (i, 0)),
            pl.BlockSpec((NODE_BLK, 1), lambda i: (i, 0)),
            pl.BlockSpec((11, HID), lambda i: (0, 0)),
            pl.BlockSpec((11, HID), lambda i: (0, 0)),
            pl.BlockSpec((1, HID), lambda i: (0, 0)),
        ],
        out_specs=[
            pl.BlockSpec((NODE_BLK, HID), lambda i: (i, 0)),
            pl.BlockSpec((NODE_BLK, HID), lambda i: (i, 0)),
        ],
        out_shape=[
            jax.ShapeDtypeStruct((N_PAD, HID), F32),
            jax.ShapeDtypeStruct((N_PAD, HID), F32),
        ],
    )(h0, run6, elev, W1s, W1t, b1)


def _mid_kbody(acc_ref, deg_ref, w2_ref, b2_ref, wn_ref, ws_ref,
               y_ref, zs_ref):
    a = acc_ref[0] + acc_ref[1]
    d = deg_ref[0] + deg_ref[1]
    cx = (jnp.dot(a, w2_ref[...], preferred_element_type=F32,
                           precision=jax.lax.Precision.HIGHEST)
          + d[:, None] * b2_ref[...])
    y_ref[...] = jnp.dot(cx, wn_ref[...], preferred_element_type=F32,
                           precision=jax.lax.Precision.HIGHEST)
    zs_ref[...] = jnp.dot(cx, ws_ref[...], preferred_element_type=F32,
                           precision=jax.lax.Precision.HIGHEST)


def _mid_call(acc, deg, W2, b2, Wn, Ws):
    return pl.pallas_call(
        _mid_kbody,
        grid=(NODE_GRID,),
        in_specs=[
            pl.BlockSpec((NC, NODE_BLK, HID), lambda i: (0, i, 0)),
            pl.BlockSpec((NC, NODE_BLK), lambda i: (0, i)),
            pl.BlockSpec((HID, HID), lambda i: (0, 0)),
            pl.BlockSpec((1, HID), lambda i: (0, 0)),
            pl.BlockSpec((HID, HID), lambda i: (0, 0)),
            pl.BlockSpec((HID, HID), lambda i: (0, 0)),
        ],
        out_specs=[
            pl.BlockSpec((NODE_BLK, HID), lambda i: (i, 0)),
            pl.BlockSpec((NODE_BLK, HID), lambda i: (i, 0)),
        ],
        out_shape=[
            jax.ShapeDtypeStruct((N_PAD, HID), F32),
            jax.ShapeDtypeStruct((N_PAD, HID), F32),
        ],
    )(acc, deg, W2, b2, Wn, Ws)


def _post_kbody(compute_next, zs_ref, msg_ref, bp_ref, wd_ref, bd_ref,
                h0_ref, elev_ref, gl_ref, runn_ref, ws_ref, wt_ref, b1_ref,
                mask_ref, pred_ref, h0n_ref, a_ref, b_ref):
    processed = jnp.maximum(
        zs_ref[...] + msg_ref[0] + msg_ref[1] + bp_ref[...], 0.0)
    dec = jnp.dot(processed, wd_ref[...], preferred_element_type=F32,
                           precision=jax.lax.Precision.HIGHEST) + bd_ref[...]
    elev = elev_ref[...]
    prev_y = h0_ref[:, 3:4] - elev
    ph = 0.5 * dec + 0.5 * prev_y + elev
    phc = jnp.minimum(ph, gl_ref[...])
    phlc = jnp.maximum(phc, elev)
    pred_ref[...] = phlc * mask_ref[...]
    if compute_next:
        h0n = jnp.concatenate([h0_ref[:, 2:4], phc], axis=1)
        h0n_ref[...] = h0n
        nf = jnp.concatenate([h0n, runn_ref[...], elev], axis=1)
        a_ref[...] = jnp.dot(nf, ws_ref[...], preferred_element_type=F32,
                           precision=jax.lax.Precision.HIGHEST) + b1_ref[...]
        b_ref[...] = jnp.dot(nf, wt_ref[...], preferred_element_type=F32,
                           precision=jax.lax.Precision.HIGHEST)


def _post_call(compute_next, zs, msg, bp, Wd, bd, h0, elev, gl, runn,
               W1s, W1t, b1, mask):
    out_specs = [pl.BlockSpec((NODE_BLK, 2), lambda i: (i, 0))]
    out_shape = [jax.ShapeDtypeStruct((N_PAD, 2), F32)]
    if compute_next:
        out_specs += [
            pl.BlockSpec((NODE_BLK, 4), lambda i: (i, 0)),
            pl.BlockSpec((NODE_BLK, HID), lambda i: (i, 0)),
            pl.BlockSpec((NODE_BLK, HID), lambda i: (i, 0)),
        ]
        out_shape += [
            jax.ShapeDtypeStruct((N_PAD, 4), F32),
            jax.ShapeDtypeStruct((N_PAD, HID), F32),
            jax.ShapeDtypeStruct((N_PAD, HID), F32),
        ]
        body = functools.partial(_post_kbody, True)
    else:
        def body(*refs):
            _post_kbody(False, *refs[:14], None, None, None)
    return pl.pallas_call(
        body,
        grid=(NODE_GRID,),
        in_specs=[
            pl.BlockSpec((NODE_BLK, HID), lambda i: (i, 0)),
            pl.BlockSpec((NC, NODE_BLK, HID), lambda i: (0, i, 0)),
            pl.BlockSpec((1, HID), lambda i: (0, 0)),
            pl.BlockSpec((HID, 2), lambda i: (0, 0)),
            pl.BlockSpec((1, 2), lambda i: (0, 0)),
            pl.BlockSpec((NODE_BLK, 4), lambda i: (i, 0)),
            pl.BlockSpec((NODE_BLK, 1), lambda i: (i, 0)),
            pl.BlockSpec((NODE_BLK, 1), lambda i: (i, 0)),
            pl.BlockSpec((NODE_BLK, 6), lambda i: (i, 0)),
            pl.BlockSpec((11, HID), lambda i: (0, 0)),
            pl.BlockSpec((11, HID), lambda i: (0, 0)),
            pl.BlockSpec((1, HID), lambda i: (0, 0)),
            pl.BlockSpec((1, 2), lambda i: (0, 0)),
        ],
        out_specs=out_specs,
        out_shape=out_shape,
    )(zs, msg, bp, Wd, bd, h0, elev, gl, runn, W1s, W1t, b1, mask)



def kernel(norm_h_x, norm_ground_level, norm_runoff, norm_elevation,
           edge_index, norm_edge_attr, steps_ahead,
           W_mix1, b_mix1, W_mix2, b_mix2,
           W_self, W_nbr, b_proc, W_dec, b_dec):
    n = norm_h_x.shape[0]
    pad_n = ((0, N_PAD - n), (0, 0))
    h0 = jnp.pad(norm_h_x, pad_n)
    gl = jnp.pad(norm_ground_level, pad_n)
    elev = jnp.pad(norm_elevation, pad_n)
    runoff = jnp.pad(norm_runoff, pad_n)

    src = edge_index[0].astype(jnp.int32)
    tgt = edge_index[1].astype(jnp.int32)
    epad = E_PAD - src.shape[0]
    src = jnp.concatenate([src, jnp.full((epad,), n, jnp.int32)])
    tgt = jnp.concatenate([tgt, jnp.full((epad,), n, jnp.int32)])
    ea_pad = jnp.pad(norm_edge_attr, ((0, epad), (0, 0)))

    W1e = W_mix1[0:4]
    W1s = W_mix1[4:15]
    W1t = W_mix1[15:26]
    b1 = b_mix1.reshape(1, HID)
    b2 = b_mix2.reshape(1, HID)
    bp = b_proc.reshape(1, HID)
    bd = b_dec.reshape(1, 2)

    eproj = _eproj_call(ea_pad, W1e)
    A, B = _prep_call(h0[:, :4], runoff[:, 0:6], elev, W1s, W1t, b1)

    steps_static = norm_runoff.shape[1] - 4
    preds = []
    deg = None
    for step in range(0, steps_static, 2):
        if deg is None:
            acc, deg = _phase1_deg(A, B, eproj, src, tgt)
        else:
            (acc,) = _phase1_nodeg(A, B, eproj, src, tgt)
        y, zs = _mid_call(acc, deg, W_mix2, b2, W_nbr, W_self)
        msg = _phase2(y, src, tgt)
        mask = ((step + jnp.arange(2)) < steps_ahead).astype(F32).reshape(1, 2)
        last = step + 2 >= steps_static
        if last:
            (pred,) = _post_call(False, zs, msg, bp, W_dec, bd, h0, elev, gl,
                                 runoff[:, 0:6], W1s, W1t, b1, mask)
        else:
            pred, h0, A, B = _post_call(
                True, zs, msg, bp, W_dec, bd, h0, elev, gl,
                runoff[:, step + 2:step + 8], W1s, W1t, b1, mask)
        preds.append(pred[:n])
    return jnp.concatenate(preds, axis=1)

# --- scband reference (transcript-rebuilt; emitter-appended) ---
"""Pipeline reference for scband-epdbase-model-with-elevation-48000554500265 (READ-ONLY COPY).

The authoritative reference and input builder live on the scoring server;
editing this copy changes nothing except your own understanding.
"""

import jax, jax.numpy as jnp
import numpy as np

PRED_STEPS = 2
STEPS_BEHIND = 4
SKIP_ALPHA = 0.5
HIDDEN = 16
N_NODES = 100000
N_EDGES = 1600000
D_EDGE = 4
NODE_FEAT = STEPS_BEHIND + (STEPS_BEHIND + PRED_STEPS) + 1  # 11
MIX_IN = D_EDGE + 2 * NODE_FEAT  # 26


def setup_inputs(seed: int = 0) -> dict:
    key = jax.random.key(seed)
    ks = jax.random.split(key, 16)
    inp = {}
    inp['norm_h_x'] = jax.random.normal(ks[0], (N_NODES, STEPS_BEHIND), dtype=jnp.float32)
    inp['norm_ground_level'] = jax.random.normal(ks[1], (N_NODES, 1), dtype=jnp.float32)
    inp['norm_runoff'] = jax.random.normal(ks[2], (N_NODES, STEPS_BEHIND + 4), dtype=jnp.float32)
    inp['norm_elevation'] = jax.random.normal(ks[3], (N_NODES, 1), dtype=jnp.float32)
    inp['edge_index'] = jax.random.randint(ks[4], (2, N_EDGES), 0, N_NODES, dtype=jnp.int64 if jax.config.jax_enable_x64 else jnp.int32)
    inp['norm_edge_attr'] = jax.random.normal(ks[5], (N_EDGES, D_EDGE), dtype=jnp.float32)
    inp['steps_ahead'] = 4
    s1 = 1.0 / np.sqrt(MIX_IN)
    s2 = 1.0 / np.sqrt(HIDDEN)
    inp['W_mix1'] = jax.random.normal(ks[6], (MIX_IN, HIDDEN), dtype=jnp.float32) * s1
    inp['b_mix1'] = jnp.zeros((HIDDEN,), dtype=jnp.float32)
    inp['W_mix2'] = jax.random.normal(ks[7], (HIDDEN, HIDDEN), dtype=jnp.float32) * s2
    inp['b_mix2'] = jnp.zeros((HIDDEN,), dtype=jnp.float32)
    inp['W_self'] = jax.random.normal(ks[8], (HIDDEN, HIDDEN), dtype=jnp.float32) * s2
    inp['W_nbr'] = jax.random.normal(ks[9], (HIDDEN, HIDDEN), dtype=jnp.float32) * s2
    inp['b_proc'] = jnp.zeros((HIDDEN,), dtype=jnp.float32)
    inp['W_dec'] = jax.random.normal(ks[10], (HIDDEN, PRED_STEPS), dtype=jnp.float32) * s2
    inp['b_dec'] = jnp.zeros((PRED_STEPS,), dtype=jnp.float32)
    return inp


def reference(norm_h_x, norm_ground_level, norm_runoff, norm_elevation,
              edge_index, norm_edge_attr, steps_ahead,
              W_mix1, b_mix1, W_mix2, b_mix2,
              W_self, W_nbr, b_proc, W_dec, b_dec):
    n = norm_h_x.shape[0]
    src = edge_index[0]
    tgt = edge_index[1]
    h0 = norm_h_x
    preds = []
    steps_ahead_static = norm_runoff.shape[1] - STEPS_BEHIND
    for step in range(0, steps_ahead_static, PRED_STEPS):
        runoff_step = norm_runoff[:, step:step + STEPS_BEHIND + PRED_STEPS]
        node_features = jnp.concatenate((h0, runoff_step, norm_elevation), axis=1)
        edge_features = norm_edge_attr
        mixed = jnp.concatenate([edge_features, node_features[src], node_features[tgt]], axis=1)
        # edgeEncoderMix: 2-layer MLP
        h1 = jax.nn.relu(mixed @ W_mix1 + b_mix1)
        coded_e = h1 @ W_mix2 + b_mix2
        # scatter-sum edge codes to source nodes
        coded_x = jax.ops.segment_sum(coded_e, src, num_segments=n)
        # processor: one round of message passing over edge_index
        msg = jax.ops.segment_sum(coded_x[src] @ W_nbr, tgt, num_segments=n)
        processed = jax.nn.relu(coded_x @ W_self + msg + b_proc)
        # nodeDecoder
        decoded = processed @ W_dec + b_dec  # [N, PRED_STEPS]
        # skip connection
        prev_y = h0[:, -1].reshape(-1, 1) - norm_elevation
        pred_y_skipped = SKIP_ALPHA * decoded + (1.0 - SKIP_ALPHA) * prev_y
        pred_head = pred_y_skipped + norm_elevation
        pred_head_clipped = jnp.minimum(pred_head, norm_ground_level)
        pred_head_lower_clipped = jnp.maximum(pred_head_clipped, norm_elevation)
        cols_valid = (step + jnp.arange(PRED_STEPS)) < steps_ahead
        preds.append(jnp.where(cols_valid[None, :], pred_head_lower_clipped,
                               jnp.zeros_like(pred_head_lower_clipped)))
        h0 = jnp.concatenate((h0, pred_head_clipped), axis=1)[:, -STEPS_BEHIND:]
    return jnp.concatenate(preds, axis=1)

if __name__ == "__main__":
    import jax
    _d = setup_inputs()
    print(jax.jit(kernel)(*tuple(_d.values())))

</pallas_src>

<mosaic_0001>
#map = affine_map<(d0, d1) -> (0, 0)>
#map1 = affine_map<(d0, d1) -> (0)>
#map2 = affine_map<(d0, d1) -> (0, 0, 0)>
module attributes {stable_mosaic.version = 14 : i64} {
  func.func @_phase2_body(%arg0: i32, %arg1: i32, %arg2: memref<100352x16xf32, #tpu.memory_space<hbm>>, %arg3: memref<1601536xi32, #tpu.memory_space<hbm>>, %arg4: memref<1601536xi32, #tpu.memory_space<hbm>>, %arg5: memref<2x100352x16xf32, #tpu.memory_space<hbm>>, %arg6: memref<128xi32, #tpu.memory_space<vmem>>, %arg7: memref<128xi32, #tpu.memory_space<vmem>>, %arg8: memref<128x16xf32, #tpu.memory_space<vmem>>, %arg9: memref<100352x16xf32, #tpu.memory_space<vmem_shared>>, %arg10: memref<!tpu.dma_semaphore, #tpu.memory_space<semaphore_mem>>) attributes {dimension_semantics = [#tpu.dimension_semantics<core_parallel>, #tpu.dimension_semantics<subcore_parallel>], iteration_bounds = array<i64: 2, 16>, scalar_prefetch = 0 : i64, scratch_operands = 5 : i64, tpu.core_type = #tpu.core_type<sc_vector_subcore>, window_params = [{transform_indices = #map}, {transform_indices = #map1}, {transform_indices = #map1}, {transform_indices = #map2}]} {
    %mul3A = arith.constant 16 : i32
    %mul3A_0 = arith.muli %arg0, %mul3A : i32
    %add3A = arith.addi %mul3A_0, %arg1 : i32
    %scan3A = arith.constant 0 : i32
    %scan3A_1 = arith.constant 0 : i32
    %scan3A_2 = arith.constant 128 : i32
    %scan3A_3 = arith.addi %scan3A_1, %scan3A_2 : i32
    %scan3A_4 = arith.constant 1 : i32
    %scan3A_5 = scf.for %scan3A_28 = %scan3A_1 to %scan3A_3 step %scan3A_4 iter_args(%scan3A_29 = %scan3A) -> (i32)  : i32 {
      %broadcast_in_dim3A = arith.constant 0.000000e+00 : f32
      %broadcast_in_dim3A_30 = vector.broadcast %broadcast_in_dim3A : f32 to vector<16xf32>
      %swap3A = arith.index_cast %scan3A_28 : i32 to index
      %swap3A_31 = arith.constant 0 : index
      %swap3A_32 = tpu.vector_load %arg8[%swap3A, %swap3A_31] {strides = array<i32>} : memref<128x16xf32, #tpu.memory_space<vmem>>, vector<1x16xf32>,
      %swap3A_33 = vector.shape_cast %swap3A_32 : vector<1x16xf32> to vector<16xf32>
      %swap3A_34 = vector.shape_cast %broadcast_in_dim3A_30 : vector<16xf32> to vector<1x16xf32>
      tpu.vector_store %arg8[%swap3A, %swap3A_31], %swap3A_34 {strides = array<i32>} : memref<128x16xf32, #tpu.memory_space<vmem>>, vector<1x16xf32>,
      %scan3A_35 = arith.constant 0 : i32
      scf.yield %scan3A_35 : i32
    }
    %scan3A_6 = arith.constant 128 : i32
    %scan3A_7 = arith.constant 0 : i32
    %scan3A_8 = arith.constant 0 : i32
    %scan3A_9 = arith.constant 49 : i32
    %scan3A_10 = arith.addi %scan3A_8, %scan3A_9 : i32
    %scan3A_11 = arith.constant 1 : i32
    %scan3A_12 = scf.for %scan3A_28 = %scan3A_8 to %scan3A_10 step %scan3A_11 iter_args(%scan3A_29 = %scan3A_7) -> (i32)  : i32 {
      %mul3A_30 = arith.constant 6272 : i32
      %mul3A_31 = arith.muli %arg1, %mul3A_30 : i32
      %mul3A_32 = arith.constant 128 : i32
      %mul3A_33 = arith.muli %scan3A_28, %mul3A_32 : i32
      %add3A_34 = arith.addi %mul3A_31, %mul3A_33 : i32
      "tpu.region"() ({
        %run_scoped3A = tpu.sem_alloc : memref<!tpu.dma_semaphore, #tpu.memory_space<semaphore_mem>>
        %dma_start3A = arith.constant 0 : i32
        %dma_start3A_36 = tpu.memref_slice %arg9[%add3A_34, %dma_start3A] : memref<100352x16xf32, #tpu.memory_space<vmem_shared>> -> memref<128x16xf32, #tpu.memory_space<vmem_shared>>
        %dma_start3A_37 = arith.constant 0 : i32
        %dma_start3A_38 = tpu.memref_slice %arg9[%add3A_34, %dma_start3A_37] : memref<100352x16xf32, #tpu.memory_space<vmem_shared>> -> memref<128x16xf32, #tpu.memory_space<vmem_shared>>
        tpu.enqueue_dma source(%arg8 : memref<128x16xf32, #tpu.memory_space<vmem>>) target(%dma_start3A_38 : memref<128x16xf32, #tpu.memory_space<vmem_shared>>) target_semaphore(%run_scoped3A : memref<!tpu.dma_semaphore, #tpu.memory_space<semaphore_mem>>)
        %dma_wait3A = arith.constant 0 : i32
        %dma_wait3A_39 = tpu.memref_slice %arg9[%add3A_34, %dma_wait3A] : memref<100352x16xf32, #tpu.memory_space<vmem_shared>> -> memref<128x16xf32, #tpu.memory_space<vmem_shared>>
        %dma_wait3A_40 = arith.constant 0 : i32
        %dma_wait3A_41 = tpu.memref_slice %arg9[%add3A_34, %dma_wait3A_40] : memref<100352x16xf32, #tpu.memory_space<vmem_shared>> -> memref<128x16xf32, #tpu.memory_space<vmem_shared>>
        tpu.wait_dma2 semaphore(%run_scoped3A : memref<!tpu.dma_semaphore, #tpu.memory_space<semaphore_mem>>) src(%arg8 : memref<128x16xf32, #tpu.memory_space<vmem>>) dst(%dma_wait3A_41 : memref<128x16xf32, #tpu.memory_space<vmem_shared>>)
        tpu.yield
      }) : () -> ()
      %scan3A_35 = arith.constant 0 : i32
      scf.yield %scan3A_35 : i32
    }
    %scan3A_13 = arith.constant 49 : i32
    %barrier3A = arith.constant 0 : index
    tpu.barrier barrier_id(%barrier3A)
    %mul3A_14 = arith.constant 391 : i32
    %mul3A_15 = arith.muli %add3A, %mul3A_14 : i32
    %mul3A_16 = arith.constant 128 : i32
    %mul3A_17 = arith.muli %mul3A_15, %mul3A_16 : i32
    %scan3A_18 = arith.constant 0 : i32
    %scan3A_19 = arith.constant 0 : i32
    %scan3A_20 = arith.constant 391 : i32
    %scan3A_21 = arith.addi %scan3A_19, %scan3A_20 : i32
    %scan3A_22 = arith.constant 1 : i32
    %scan3A_23 = scf.for %scan3A_28 = %scan3A_19 to %scan3A_21 step %scan3A_22 iter_args(%scan3A_29 = %scan3A_18) -> (i32)  : i32 {
      %mul3A_30 = arith.constant 128 : i32
      %mul3A_31 = arith.muli %scan3A_28, %mul3A_30 : i32
      %add3A_32 = arith.addi %mul3A_17, %mul3A_31 : i32
      "tpu.region"() ({
        %run_scoped3A = tpu.sem_alloc : memref<!tpu.dma_semaphore, #tpu.memory_space<semaphore_mem>>
        %dma_start3A_38 = tpu.memref_slice %arg3[%add3A_32] : memref<1601536xi32, #tpu.memory_space<hbm>> -> memref<128xi32, #tpu.memory_space<hbm>>
        %dma_start3A_39 = tpu.memref_slice %arg3[%add3A_32] : memref<1601536xi32, #tpu.memory_space<hbm>> -> memref<128xi32, #tpu.memory_space<hbm>>
        tpu.enqueue_dma source(%dma_start3A_39 : memref<128xi32, #tpu.memory_space<hbm>>) target(%arg6 : memref<128xi32, #tpu.memory_space<vmem>>) target_semaphore(%run_scoped3A : memref<!tpu.dma_semaphore, #tpu.memory_space<semaphore_mem>>)
        %dma_wait3A_40 = tpu.memref_slice %arg3[%add3A_32] : memref<1601536xi32, #tpu.memory_space<hbm>> -> memref<128xi32, #tpu.memory_space<hbm>>
        %dma_wait3A_41 = tpu.memref_slice %arg3[%add3A_32] : memref<1601536xi32, #tpu.memory_space<hbm>> -> memref<128xi32, #tpu.memory_space<hbm>>
        tpu.wait_dma2 semaphore(%run_scoped3A : memref<!tpu.dma_semaphore, #tpu.memory_space<semaphore_mem>>) src(%dma_wait3A_41 : memref<128xi32, #tpu.memory_space<hbm>>) dst(%arg6 : memref<128xi32, #tpu.memory_space<vmem>>)
        tpu.yield
      }) : () -> ()
      "tpu.region"() ({
        %run_scoped3A = tpu.sem_alloc : memref<!tpu.dma_semaphore, #tpu.memory_space<semaphore_mem>>
        %dma_start3A_38 = tpu.memref_slice %arg4[%add3A_32] : memref<1601536xi32, #tpu.memory_space<hbm>> -> memref<128xi32, #tpu.memory_space<hbm>>
        %dma_start3A_39 = tpu.memref_slice %arg4[%add3A_32] : memref<1601536xi32, #tpu.memory_space<hbm>> -> memref<128xi32, #tpu.memory_space<hbm>>
        tpu.enqueue_dma source(%dma_start3A_39 : memref<128xi32, #tpu.memory_space<hbm>>) target(%arg7 : memref<128xi32, #tpu.memory_space<vmem>>) target_semaphore(%run_scoped3A : memref<!tpu.dma_semaphore, #tpu.memory_space<semaphore_mem>>)
        %dma_wait3A_40 = tpu.memref_slice %arg4[%add3A_32] : memref<1601536xi32, #tpu.memory_space<hbm>> -> memref<128xi32, #tpu.memory_space<hbm>>
        %dma_wait3A_41 = tpu.memref_slice %arg4[%add3A_32] : memref<1601536xi32, #tpu.memory_space<hbm>> -> memref<128xi32, #tpu.memory_space<hbm>>
        tpu.wait_dma2 semaphore(%run_scoped3A : memref<!tpu.dma_semaphore, #tpu.memory_space<semaphore_mem>>) src(%dma_wait3A_41 : memref<128xi32, #tpu.memory_space<hbm>>) dst(%arg7 : memref<128xi32, #tpu.memory_space<vmem>>)
        tpu.yield
      }) : () -> ()
      %dma_start3A = arith.constant 0 : i32
      %dma_start3A_33 = arith.constant 0 : i32
      %dma_start3A_34 = tpu.memref_slice %arg2[%dma_start3A, %dma_start3A_33] : memref<100352x16xf32, #tpu.memory_space<hbm>> -> memref<100352x16xf32, #tpu.memory_space<hbm>>
      tpu.enqueue_indirect_dma source(%dma_start3A_34 : memref<100352x16xf32, #tpu.memory_space<hbm>>) target(%arg8 : memref<128x16xf32, #tpu.memory_space<vmem>>) offsets(%arg6 : memref<128xi32, #tpu.memory_space<vmem>>) semaphore(%arg10 : memref<!tpu.dma_semaphore, #tpu.memory_space<semaphore_mem>>)
      %dma_wait3A = arith.constant 0 : i32
      %dma_wait3A_35 = arith.constant 0 : i32
      %dma_wait3A_36 = tpu.memref_slice %arg2[%dma_wait3A, %dma_wait3A_35] : memref<100352x16xf32, #tpu.memory_space<hbm>> -> memref<100352x16xf32, #tpu.memory_space<hbm>>
      tpu.wait_indirect_dma semaphore(%arg10 : memref<!tpu.dma_semaphore, #tpu.memory_space<semaphore_mem>>) src(%dma_wait3A_36 : memref<100352x16xf32, #tpu.memory_space<hbm>>) dst(%arg8 : memref<128x16xf32, #tpu.memory_space<vmem>>)
      "tpu.region"() ({
        %run_scoped3A = tpu.sem_alloc : memref<!tpu.dma_semaphore, #tpu.memory_space<semaphore_mem>>
        %dma_start3A_38 = arith.constant 0 : i32
        %dma_start3A_39 = arith.constant 0 : i32
        %dma_start3A_40 = tpu.memref_slice %arg9[%dma_start3A_38, %dma_start3A_39] : memref<100352x16xf32, #tpu.memory_space<vmem_shared>> -> memref<100352x16xf32, #tpu.memory_space<vmem_shared>>
        tpu.enqueue_indirect_dma source(%arg8 : memref<128x16xf32, #tpu.memory_space<vmem>>) target(%dma_start3A_40 : memref<100352x16xf32, #tpu.memory_space<vmem_shared>>) offsets(%arg7 : memref<128xi32, #tpu.memory_space<vmem>>) semaphore(%run_scoped3A : memref<!tpu.dma_semaphore, #tpu.memory_space<semaphore_mem>>) {add = true}
        %dma_wait3A_41 = arith.constant 0 : i32
        %dma_wait3A_42 = arith.constant 0 : i32
        %dma_wait3A_43 = tpu.memref_slice %arg9[%dma_wait3A_41, %dma_wait3A_42] : memref<100352x16xf32, #tpu.memory_space<vmem_shared>> -> memref<100352x16xf32, #tpu.memory_space<vmem_shared>>
        tpu.wait_indirect_dma semaphore(%run_scoped3A : memref<!tpu.dma_semaphore, #tpu.memory_space<semaphore_mem>>) src(%arg8 : memref<128x16xf32, #tpu.memory_space<vmem>>) dst(%dma_wait3A_43 : memref<100352x16xf32, #tpu.memory_space<vmem_shared>>)
        tpu.yield
      }) : () -> ()
      %scan3A_37 = arith.constant 0 : i32
      scf.yield %scan3A_37 : i32
    }
    %scan3A_24 = arith.constant 391 : i32
    %barrier3A_25 = arith.constant 0 : index
    tpu.barrier barrier_id(%barrier3A_25)
    %mul3A_26 = arith.constant 6272 : i32
    %mul3A_27 = arith.muli %arg1, %mul3A_26 : i32
    "tpu.region"() ({
      %run_scoped3A = tpu.sem_alloc : memref<!tpu.dma_semaphore, #tpu.memory_space<semaphore_mem>>
      %dma_start3A = arith.constant 0 : i32
      %dma_start3A_28 = tpu.memref_slice %arg5[%arg0, %mul3A_27, %dma_start3A] : memref<2x100352x16xf32, #tpu.memory_space<hbm>> -> memref<1x6272x16xf32, #tpu.memory_space<hbm>>
      %dma_start3A_29 = tpu.memref_squeeze %dma_start3A_28 : memref<1x6272x16xf32, #tpu.memory_space<hbm>> -> memref<6272x16xf32, #tpu.memory_space<hbm>>
      %dma_start3A_30 = arith.constant 0 : i32
      %dma_start3A_31 = tpu.memref_slice %arg9[%mul3A_27, %dma_start3A_30] : memref<100352x16xf32, #tpu.memory_space<vmem_shared>> -> memref<6272x16xf32, #tpu.memory_space<vmem_shared>>
      tpu.enqueue_dma source(%dma_start3A_31 : memref<6272x16xf32, #tpu.memory_space<vmem_shared>>) target(%dma_start3A_29 : memref<6272x16xf32, #tpu.memory_space<hbm>>) target_semaphore(%run_scoped3A : memref<!tpu.dma_semaphore, #tpu.memory_space<semaphore_mem>>)
      %dma_wait3A = arith.constant 0 : i32
      %dma_wait3A_32 = tpu.memref_slice %arg5[%arg0, %mul3A_27, %dma_wait3A] : memref<2x100352x16xf32, #tpu.memory_space<hbm>> -> memref<1x6272x16xf32, #tpu.memory_space<hbm>>
      %dma_wait3A_33 = tpu.memref_squeeze %dma_wait3A_32 : memref<1x6272x16xf32, #tpu.memory_space<hbm>> -> memref<6272x16xf32, #tpu.memory_space<hbm>>
      %dma_wait3A_34 = arith.constant 0 : i32
      %dma_wait3A_35 = tpu.memref_slice %arg9[%mul3A_27, %dma_wait3A_34] : memref<100352x16xf32, #tpu.memory_space<vmem_shared>> -> memref<6272x16xf32, #tpu.memory_space<vmem_shared>>
      tpu.wait_dma2 semaphore(%run_scoped3A : memref<!tpu.dma_semaphore, #tpu.memory_space<semaphore_mem>>) src(%dma_wait3A_35 : memref<6272x16xf32, #tpu.memory_space<vmem_shared>>) dst(%dma_wait3A_33 : memref<6272x16xf32, #tpu.memory_space<hbm>>)
      tpu.yield
    }) : () -> ()
    return
  }
}

#map = affine_map<(d0, d1) -> (0, 0)>
#map1 = affine_map<(d0, d1) -> (0)>
#map2 = affine_map<(d0, d1) -> (0, 0, 0)>
module attributes {stable_mosaic.version = 14 : i64} {
  func.func @body(%arg0: i32, %arg1: i32, %arg2: memref<100352x16xf32, #tpu.memory_space<hbm>>, %arg3: memref<100352x16xf32, #tpu.memory_space<hbm>>, %arg4: memref<1601536x16xf32, #tpu.memory_space<hbm>>, %arg5: memref<1601536xi32, #tpu.memory_space<hbm>>, %arg6: memref<1601536xi32, #tpu.memory_space<hbm>>, %arg7: memref<2x100352x16xf32, #tpu.memory_space<hbm>>, %arg8: memref<128xi32, #tpu.memory_space<vmem>>, %arg9: memref<128xi32, #tpu.memory_space<vmem>>, %arg10: memref<128x16xf32, #tpu.memory_space<vmem>>, %arg11: memref<128x16xf32, #tpu.memory_space<vmem>>, %arg12: memref<128x16xf32, #tpu.memory_space<vmem>>, %arg13: memref<128x16xf32, #tpu.memory_space<vmem>>, %arg14: memref<128xf32, #tpu.memory_space<vmem>>, %arg15: memref<784xf32, #tpu.memory_space<vmem>>, %arg16: memref<100352x16xf32, #tpu.memory_space<vmem_shared>>, %arg17: memref<!tpu.dma_semaphore, #tpu.memory_space<semaphore_mem>>) attributes {dimension_semantics = [#tpu.dimension_semantics<core_parallel>, #tpu.dimension_semantics<subcore_parallel>], iteration_bounds = array<i64: 2, 16>, scalar_prefetch = 0 : i64, scratch_operands = 10 : i64, tpu.core_type = #tpu.core_type<sc_vector_subcore>, window_params = [{transform_indices = #map}, {transform_indices = #map}, {transform_indices = #map}, {transform_indices = #map1}, {transform_indices = #map1}, {transform_indices = #map2}]} {
    %mul3A = arith.constant 16 : i32
    %mul3A_0 = arith.muli %arg0, %mul3A : i32
    %add3A = arith.addi %mul3A_0, %arg1 : i32
    %scan3A = arith.constant 0 : i32
    %scan3A_1 = arith.constant 0 : i32
    %scan3A_2 = arith.constant 128 : i32
    %scan3A_3 = arith.addi %scan3A_1, %scan3A_2 : i32
    %scan3A_4 = arith.constant 1 : i32
    %scan3A_5 = scf.for %scan3A_28 = %scan3A_1 to %scan3A_3 step %scan3A_4 iter_args(%scan3A_29 = %scan3A) -> (i32)  : i32 {
      %broadcast_in_dim3A = arith.constant 0.000000e+00 : f32
      %broadcast_in_dim3A_30 = vector.broadcast %broadcast_in_dim3A : f32 to vector<16xf32>
      %swap3A = arith.index_cast %scan3A_28 : i32 to index
      %swap3A_31 = arith.constant 0 : index
      %swap3A_32 = tpu.vector_load %arg13[%swap3A, %swap3A_31] {strides = array<i32>} : memref<128x16xf32, #tpu.memory_space<vmem>>, vector<1x16xf32>,
      %swap3A_33 = vector.shape_cast %swap3A_32 : vector<1x16xf32> to vector<16xf32>
      %swap3A_34 = vector.shape_cast %broadcast_in_dim3A_30 : vector<16xf32> to vector<1x16xf32>
      tpu.vector_store %arg13[%swap3A, %swap3A_31], %swap3A_34 {strides = array<i32>} : memref<128x16xf32, #tpu.memory_space<vmem>>, vector<1x16xf32>,
      %scan3A_35 = arith.constant 0 : i32
      scf.yield %scan3A_35 : i32
    }
    %scan3A_6 = arith.constant 128 : i32
    %scan3A_7 = arith.constant 0 : i32
    %scan3A_8 = arith.constant 0 : i32
    %scan3A_9 = arith.constant 49 : i32
    %scan3A_10 = arith.addi %scan3A_8, %scan3A_9 : i32
    %scan3A_11 = arith.constant 1 : i32
    %scan3A_12 = scf.for %scan3A_28 = %scan3A_8 to %scan3A_10 step %scan3A_11 iter_args(%scan3A_29 = %scan3A_7) -> (i32)  : i32 {
      %mul3A_30 = arith.constant 6272 : i32
      %mul3A_31 = arith.muli %arg1, %mul3A_30 : i32
      %mul3A_32 = arith.constant 128 : i32
      %mul3A_33 = arith.muli %scan3A_28, %mul3A_32 : i32
      %add3A_34 = arith.addi %mul3A_31, %mul3A_33 : i32
      "tpu.region"() ({
        %run_scoped3A = tpu.sem_alloc : memref<!tpu.dma_semaphore, #tpu.memory_space<semaphore_mem>>
        %dma_start3A = arith.constant 0 : i32
        %dma_start3A_36 = tpu.memref_slice %arg16[%add3A_34, %dma_start3A] : memref<100352x16xf32, #tpu.memory_space<vmem_shared>> -> memref<128x16xf32, #tpu.memory_space<vmem_shared>>
        %dma_start3A_37 = arith.constant 0 : i32
        %dma_start3A_38 = tpu.memref_slice %arg16[%add3A_34, %dma_start3A_37] : memref<100352x16xf32, #tpu.memory_space<vmem_shared>> -> memref<128x16xf32, #tpu.memory_space<vmem_shared>>
        tpu.enqueue_dma source(%arg13 : memref<128x16xf32, #tpu.memory_space<vmem>>) target(%dma_start3A_38 : memref<128x16xf32, #tpu.memory_space<vmem_shared>>) target_semaphore(%run_scoped3A : memref<!tpu.dma_semaphore, #tpu.memory_space<semaphore_mem>>)
        %dma_wait3A = arith.constant 0 : i32
        %dma_wait3A_39 = tpu.memref_slice %arg16[%add3A_34, %dma_wait3A] : memref<100352x16xf32, #tpu.memory_space<vmem_shared>> -> memref<128x16xf32, #tpu.memory_space<vmem_shared>>
        %dma_wait3A_40 = arith.constant 0 : i32
        %dma_wait3A_41 = tpu.memref_slice %arg16[%add3A_34, %dma_wait3A_40] : memref<100352x16xf32, #tpu.memory_space<vmem_shared>> -> memref<128x16xf32, #tpu.memory_space<vmem_shared>>
        tpu.wait_dma2 semaphore(%run_scoped3A : memref<!tpu.dma_semaphore, #tpu.memory_space<semaphore_mem>>) src(%arg13 : memref<128x16xf32, #tpu.memory_space<vmem>>) dst(%dma_wait3A_41 : memref<128x16xf32, #tpu.memory_space<vmem_shared>>)
        tpu.yield
      }) : () -> ()
      %scan3A_35 = arith.constant 0 : i32
      scf.yield %scan3A_35 : i32
    }
    %scan3A_13 = arith.constant 49 : i32
    %barrier3A = arith.constant 0 : index
    tpu.barrier barrier_id(%barrier3A)
    %mul3A_14 = arith.constant 391 : i32
    %mul3A_15 = arith.muli %add3A, %mul3A_14 : i32
    %mul3A_16 = arith.constant 128 : i32
    %mul3A_17 = arith.muli %mul3A_15, %mul3A_16 : i32
    %scan3A_18 = arith.constant 0 : i32
    %scan3A_19 = arith.constant 0 : i32
    %scan3A_20 = arith.constant 391 : i32
    %scan3A_21 = arith.addi %scan3A_19, %scan3A_20 : i32
    %scan3A_22 = arith.constant 1 : i32
    %scan3A_23 = scf.for %scan3A_28 = %scan3A_19 to %scan3A_21 step %scan3A_22 iter_args(%scan3A_29 = %scan3A_18) -> (i32)  : i32 {
      %mul3A_30 = arith.constant 128 : i32
      %mul3A_31 = arith.muli %scan3A_28, %mul3A_30 : i32
      %add3A_32 = arith.addi %mul3A_17, %mul3A_31 : i32
      "tpu.region"() ({
        %run_scoped3A = tpu.sem_alloc : memref<!tpu.dma_semaphore, #tpu.memory_space<semaphore_mem>>
        %dma_start3A_59 = tpu.memref_slice %arg5[%add3A_32] : memref<1601536xi32, #tpu.memory_space<hbm>> -> memref<128xi32, #tpu.memory_space<hbm>>
        %dma_start3A_60 = tpu.memref_slice %arg5[%add3A_32] : memref<1601536xi32, #tpu.memory_space<hbm>> -> memref<128xi32, #tpu.memory_space<hbm>>
        tpu.enqueue_dma source(%dma_start3A_60 : memref<128xi32, #tpu.memory_space<hbm>>) target(%arg8 : memref<128xi32, #tpu.memory_space<vmem>>) target_semaphore(%run_scoped3A : memref<!tpu.dma_semaphore, #tpu.memory_space<semaphore_mem>>)
        %dma_wait3A_61 = tpu.memref_slice %arg5[%add3A_32] : memref<1601536xi32, #tpu.memory_space<hbm>> -> memref<128xi32, #tpu.memory_space<hbm>>
        %dma_wait3A_62 = tpu.memref_slice %arg5[%add3A_32] : memref<1601536xi32, #tpu.memory_space<hbm>> -> memref<128xi32, #tpu.memory_space<hbm>>
        tpu.wait_dma2 semaphore(%run_scoped3A : memref<!tpu.dma_semaphore, #tpu.memory_space<semaphore_mem>>) src(%dma_wait3A_62 : memref<128xi32, #tpu.memory_space<hbm>>) dst(%arg8 : memref<128xi32, #tpu.memory_space<vmem>>)
        tpu.yield
      }) : () -> ()
      "tpu.region"() ({
        %run_scoped3A = tpu.sem_alloc : memref<!tpu.dma_semaphore, #tpu.memory_space<semaphore_mem>>
        %dma_start3A_59 = tpu.memref_slice %arg6[%add3A_32] : memref<1601536xi32, #tpu.memory_space<hbm>> -> memref<128xi32, #tpu.memory_space<hbm>>
        %dma_start3A_60 = tpu.memref_slice %arg6[%add3A_32] : memref<1601536xi32, #tpu.memory_space<hbm>> -> memref<128xi32, #tpu.memory_space<hbm>>
        tpu.enqueue_dma source(%dma_start3A_60 : memref<128xi32, #tpu.memory_space<hbm>>) target(%arg9 : memref<128xi32, #tpu.memory_space<vmem>>) target_semaphore(%run_scoped3A : memref<!tpu.dma_semaphore, #tpu.memory_space<semaphore_mem>>)
        %dma_wait3A_61 = tpu.memref_slice %arg6[%add3A_32] : memref<1601536xi32, #tpu.memory_space<hbm>> -> memref<128xi32, #tpu.memory_space<hbm>>
        %dma_wait3A_62 = tpu.memref_slice %arg6[%add3A_32] : memref<1601536xi32, #tpu.memory_space<hbm>> -> memref<128xi32, #tpu.memory_space<hbm>>
        tpu.wait_dma2 semaphore(%run_scoped3A : memref<!tpu.dma_semaphore, #tpu.memory_space<semaphore_mem>>) src(%dma_wait3A_62 : memref<128xi32, #tpu.memory_space<hbm>>) dst(%arg9 : memref<128xi32, #tpu.memory_space<vmem>>)
        tpu.yield
      }) : () -> ()
      %dma_start3A = arith.constant 0 : i32
      %dma_start3A_33 = arith.constant 0 : i32
      %dma_start3A_34 = tpu.memref_slice %arg2[%dma_start3A, %dma_start3A_33] : memref<100352x16xf32, #tpu.memory_space<hbm>> -> memref<100352x16xf32, #tpu.memory_space<hbm>>
      tpu.enqueue_indirect_dma source(%dma_start3A_34 : memref<100352x16xf32, #tpu.memory_space<hbm>>) target(%arg10 : memref<128x16xf32, #tpu.memory_space<vmem>>) offsets(%arg8 : memref<128xi32, #tpu.memory_space<vmem>>) semaphore(%arg17 : memref<!tpu.dma_semaphore, #tpu.memory_space<semaphore_mem>>)
      %dma_start3A_35 = arith.constant 0 : i32
      %dma_start3A_36 = arith.constant 0 : i32
      %dma_start3A_37 = tpu.memref_slice %arg3[%dma_start3A_35, %dma_start3A_36] : memref<100352x16xf32, #tpu.memory_space<hbm>> -> memref<100352x16xf32, #tpu.memory_space<hbm>>
      tpu.enqueue_indirect_dma source(%dma_start3A_37 : memref<100352x16xf32, #tpu.memory_space<hbm>>) target(%arg11 : memref<128x16xf32, #tpu.memory_space<vmem>>) offsets(%arg9 : memref<128xi32, #tpu.memory_space<vmem>>) semaphore(%arg17 : memref<!tpu.dma_semaphore, #tpu.memory_space<semaphore_mem>>)
      %dma_start3A_38 = arith.constant 0 : i32
      %dma_start3A_39 = tpu.memref_slice %arg4[%add3A_32, %dma_start3A_38] : memref<1601536x16xf32, #tpu.memory_space<hbm>> -> memref<128x16xf32, #tpu.memory_space<hbm>>
      %dma_start3A_40 = arith.constant 0 : i32
      %dma_start3A_41 = tpu.memref_slice %arg4[%add3A_32, %dma_start3A_40] : memref<1601536x16xf32, #tpu.memory_space<hbm>> -> memref<128x16xf32, #tpu.memory_space<hbm>>
      tpu.enqueue_dma source(%dma_start3A_41 : memref<128x16xf32, #tpu.memory_space<hbm>>) target(%arg12 : memref<128x16xf32, #tpu.memory_space<vmem>>) target_semaphore(%arg17 : memref<!tpu.dma_semaphore, #tpu.memory_space<semaphore_mem>>)
      %dma_wait3A = arith.constant 0 : i32
      %dma_wait3A_42 = arith.constant 0 : i32
      %dma_wait3A_43 = tpu.memref_slice %arg2[%dma_wait3A, %dma_wait3A_42] : memref<100352x16xf32, #tpu.memory_space<hbm>> -> memref<100352x16xf32, #tpu.memory_space<hbm>>
      tpu.wait_indirect_dma semaphore(%arg17 : memref<!tpu.dma_semaphore, #tpu.memory_space<semaphore_mem>>) src(%dma_wait3A_43 : memref<100352x16xf32, #tpu.memory_space<hbm>>) dst(%arg10 : memref<128x16xf32, #tpu.memory_space<vmem>>)
      %dma_wait3A_44 = arith.constant 0 : i32
      %dma_wait3A_45 = arith.constant 0 : i32
      %dma_wait3A_46 = tpu.memref_slice %arg3[%dma_wait3A_44, %dma_wait3A_45] : memref<100352x16xf32, #tpu.memory_space<hbm>> -> memref<100352x16xf32, #tpu.memory_space<hbm>>
      tpu.wait_indirect_dma semaphore(%arg17 : memref<!tpu.dma_semaphore, #tpu.memory_space<semaphore_mem>>) src(%dma_wait3A_46 : memref<100352x16xf32, #tpu.memory_space<hbm>>) dst(%arg11 : memref<128x16xf32, #tpu.memory_space<vmem>>)
      %dma_wait3A_47 = arith.constant 0 : i32
      %dma_wait3A_48 = tpu.memref_slice %arg4[%add3A_32, %dma_wait3A_47] : memref<1601536x16xf32, #tpu.memory_space<hbm>> -> memref<128x16xf32, #tpu.memory_space<hbm>>
      %dma_wait3A_49 = arith.constant 0 : i32
      %dma_wait3A_50 = tpu.memref_slice %arg4[%add3A_32, %dma_wait3A_49] : memref<1601536x16xf32, #tpu.memory_space<hbm>> -> memref<128x16xf32, #tpu.memory_space<hbm>>
      tpu.wait_dma2 semaphore(%arg17 : memref<!tpu.dma_semaphore, #tpu.memory_space<semaphore_mem>>) src(%dma_wait3A_50 : memref<128x16xf32, #tpu.memory_space<hbm>>) dst(%arg12 : memref<128x16xf32, #tpu.memory_space<vmem>>)
      %scan3A_51 = arith.constant 0 : i32
      %scan3A_52 = arith.constant 0 : i32
      %scan3A_53 = arith.constant 128 : i32
      %scan3A_54 = arith.addi %scan3A_52, %scan3A_53 : i32
      %scan3A_55 = arith.constant 4 : i32
      %scan3A_56 = scf.for %scan3A_59 = %scan3A_52 to %scan3A_54 step %scan3A_55 iter_args(%scan3A_60 = %scan3A_51) -> (i32)  : i32 {
        %get3A = arith.index_cast %scan3A_59 : i32 to index
        %get3A_61 = arith.constant 0 : index
        %get3A_62 = tpu.vector_load %arg10[%get3A, %get3A_61] {strides = array<i32>} : memref<128x16xf32, #tpu.memory_space<vmem>>, vector<1x16xf32>,
        %get3A_63 = vector.shape_cast %get3A_62 : vector<1x16xf32> to vector<16xf32>
        %get3A_64 = arith.index_cast %scan3A_59 : i32 to index
        %get3A_65 = arith.constant 0 : index
        %get3A_66 = tpu.vector_load %arg11[%get3A_64, %get3A_65] {strides = array<i32>} : memref<128x16xf32, #tpu.memory_space<vmem>>, vector<1x16xf32>,
        %get3A_67 = vector.shape_cast %get3A_66 : vector<1x16xf32> to vector<16xf32>
        %add3A_68 = arith.addf %get3A_63, %get3A_67 : vector<16xf32>
        %get3A_69 = arith.index_cast %scan3A_59 : i32 to index
        %get3A_70 = arith.constant 0 : index
        %get3A_71 = tpu.vector_load %arg12[%get3A_69, %get3A_70] {strides = array<i32>} : memref<128x16xf32, #tpu.memory_space<vmem>>, vector<1x16xf32>,
        %get3A_72 = vector.shape_cast %get3A_71 : vector<1x16xf32> to vector<16xf32>
        %add3A_73 = arith.addf %add3A_68, %get3A_72 : vector<16xf32>
        %max3A = arith.constant 0.000000e+00 : f32
        %max3A_74 = vector.broadcast %max3A : f32 to vector<16xf32>
        %max3A_75 = arith.maximumf %add3A_73, %max3A_74 : vector<16xf32>
        %swap3A = arith.index_cast %scan3A_59 : i32 to index
        %swap3A_76 = arith.constant 0 : index
        %swap3A_77 = tpu.vector_load %arg13[%swap3A, %swap3A_76] {strides = array<i32>} : memref<128x16xf32, #tpu.memory_space<vmem>>, vector<1x16xf32>,
        %swap3A_78 = vector.shape_cast %swap3A_77 : vector<1x16xf32> to vector<16xf32>
        %swap3A_79 = vector.shape_cast %max3A_75 : vector<16xf32> to vector<1x16xf32>
        tpu.vector_store %arg13[%swap3A, %swap3A_76], %swap3A_79 {strides = array<i32>} : memref<128x16xf32, #tpu.memory_space<vmem>>, vector<1x16xf32>,
        %scan3A_80 = arith.constant 0 : i32
        %scan3A_81 = arith.constant 1 : i32
        %scan3A_82 = arith.addi %scan3A_59, %scan3A_81 : i32
        %get3A_83 = arith.index_cast %scan3A_82 : i32 to index
        %get3A_84 = arith.constant 0 : index
        %get3A_85 = tpu.vector_load %arg10[%get3A_83, %get3A_84] {strides = array<i32>} : memref<128x16xf32, #tpu.memory_space<vmem>>, vector<1x16xf32>,
        %get3A_86 = vector.shape_cast %get3A_85 : vector<1x16xf32> to vector<16xf32>
        %get3A_87 = arith.index_cast %scan3A_82 : i32 to index
        %get3A_88 = arith.constant 0 : index
        %get3A_89 = tpu.vector_load %arg11[%get3A_87, %get3A_88] {strides = array<i32>} : memref<128x16xf32, #tpu.memory_space<vmem>>, vector<1x16xf32>,
        %get3A_90 = vector.shape_cast %get3A_89 : vector<1x16xf32> to vector<16xf32>
        %add3A_91 = arith.addf %get3A_86, %get3A_90 : vector<16xf32>
        %get3A_92 = arith.index_cast %scan3A_82 : i32 to index
        %get3A_93 = arith.constant 0 : index
        %get3A_94 = tpu.vector_load %arg12[%get3A_92, %get3A_93] {strides = array<i32>} : memref<128x16xf32, #tpu.memory_space<vmem>>, vector<1x16xf32>,
        %get3A_95 = vector.shape_cast %get3A_94 : vector<1x16xf32> to vector<16xf32>
        %add3A_96 = arith.addf %add3A_91, %get3A_95 : vector<16xf32>
        %max3A_97 = arith.constant 0.000000e+00 : f32
        %max3A_98 = vector.broadcast %max3A_97 : f32 to vector<16xf32>
        %max3A_99 = arith.maximumf %add3A_96, %max3A_98 : vector<16xf32>
        %swap3A_100 = arith.index_cast %scan3A_82 : i32 to index
        %swap3A_101 = arith.constant 0 : index
        %swap3A_102 = tpu.vector_load %arg13[%swap3A_100, %swap3A_101] {strides = array<i32>} : memref<128x16xf32, #tpu.memory_space<vmem>>, vector<1x16xf32>,
        %swap3A_103 = vector.shape_cast %swap3A_102 : vector<1x16xf32> to vector<16xf32>
        %swap3A_104 = vector.shape_cast %max3A_99 : vector<16xf32> to vector<1x16xf32>
        tpu.vector_store %arg13[%swap3A_100, %swap3A_101], %swap3A_104 {strides = array<i32>} : memref<128x16xf32, #tpu.memory_space<vmem>>, vector<1x16xf32>,
        %scan3A_105 = arith.constant 0 : i32
        %scan3A_106 = arith.constant 2 : i32
        %scan3A_107 = arith.addi %scan3A_59, %scan3A_106 : i32
        %get3A_108 = arith.index_cast %scan3A_107 : i32 to index
        %get3A_109 = arith.constant 0 : index
        %get3A_110 = tpu.vector_load %arg10[%get3A_108, %get3A_109] {strides = array<i32>} : memref<128x16xf32, #tpu.memory_space<vmem>>, vector<1x16xf32>,
        %get3A_111 = vector.shape_cast %get3A_110 : vector<1x16xf32> to vector<16xf32>
        %get3A_112 = arith.index_cast %scan3A_107 : i32 to index
        %get3A_113 = arith.constant 0 : index
        %get3A_114 = tpu.vector_load %arg11[%get3A_112, %get3A_113] {strides = array<i32>} : memref<128x16xf32, #tpu.memory_space<vmem>>, vector<1x16xf32>,
        %get3A_115 = vector.shape_cast %get3A_114 : vector<1x16xf32> to vector<16xf32>
        %add3A_116 = arith.addf %get3A_111, %get3A_115 : vector<16xf32>
        %get3A_117 = arith.index_cast %scan3A_107 : i32 to index
        %get3A_118 = arith.constant 0 : index
        %get3A_119 = tpu.vector_load %arg12[%get3A_117, %get3A_118] {strides = array<i32>} : memref<128x16xf32, #tpu.memory_space<vmem>>, vector<1x16xf32>,
        %get3A_120 = vector.shape_cast %get3A_119 : vector<1x16xf32> to vector<16xf32>
        %add3A_121 = arith.addf %add3A_116, %get3A_120 : vector<16xf32>
        %max3A_122 = arith.constant 0.000000e+00 : f32
        %max3A_123 = vector.broadcast %max3A_122 : f32 to vector<16xf32>
        %max3A_124 = arith.maximumf %add3A_121, %max3A_123 : vector<16xf32>
        %swap3A_125 = arith.index_cast %scan3A_107 : i32 to index
        %swap3A_126 = arith.constant 0 : index
        %swap3A_127 = tpu.vector_load %arg13[%swap3A_125, %swap3A_126] {strides = array<i32>} : memref<128x16xf32, #tpu.memory_space<vmem>>, vector<1x16xf32>,
        %swap3A_128 = vector.shape_cast %swap3A_127 : vector<1x16xf32> to vector<16xf32>
        %swap3A_129 = vector.shape_cast %max3A_124 : vector<16xf32> to vector<1x16xf32>
        tpu.vector_store %arg13[%swap3A_125, %swap3A_126], %swap3A_129 {strides = array<i32>} : memref<128x16xf32, #tpu.memory_space<vmem>>, vector<1x16xf32>,
        %scan3A_130 = arith.constant 0 : i32
        %scan3A_131 = arith.constant 3 : i32
        %scan3A_132 = arith.addi %scan3A_59, %scan3A_131 : i32
        %get3A_133 = arith.index_cast %scan3A_132 : i32 to index
        %get3A_134 = arith.constant 0 : index
        %get3A_135 = tpu.vector_load %arg10[%get3A_133, %get3A_134] {strides = array<i32>} : memref<128x16xf32, #tpu.memory_space<vmem>>, vector<1x16xf32>,
        %get3A_136 = vector.shape_cast %get3A_135 : vector<1x16xf32> to vector<16xf32>
        %get3A_137 = arith.index_cast %scan3A_132 : i32 to index
        %get3A_138 = arith.constant 0 : index
        %get3A_139 = tpu.vector_load %arg11[%get3A_137, %get3A_138] {strides = array<i32>} : memref<128x16xf32, #tpu.memory_space<vmem>>, vector<1x16xf32>,
        %get3A_140 = vector.shape_cast %get3A_139 : vector<1x16xf32> to vector<16xf32>
        %add3A_141 = arith.addf %get3A_136, %get3A_140 : vector<16xf32>
        %get3A_142 = arith.index_cast %scan3A_132 : i32 to index
        %get3A_143 = arith.constant 0 : index
        %get3A_144 = tpu.vector_load %arg12[%get3A_142, %get3A_143] {strides = array<i32>} : memref<128x16xf32, #tpu.memory_space<vmem>>, vector<1x16xf32>,
        %get3A_145 = vector.shape_cast %get3A_144 : vector<1x16xf32> to vector<16xf32>
        %add3A_146 = arith.addf %add3A_141, %get3A_145 : vector<16xf32>
        %max3A_147 = arith.constant 0.000000e+00 : f32
        %max3A_148 = vector.broadcast %max3A_147 : f32 to vector<16xf32>
        %max3A_149 = arith.maximumf %add3A_146, %max3A_148 : vector<16xf32>
        %swap3A_150 = arith.index_cast %scan3A_132 : i32 to index
        %swap3A_151 = arith.constant 0 : index
        %swap3A_152 = tpu.vector_load %arg13[%swap3A_150, %swap3A_151] {strides = array<i32>} : memref<128x16xf32, #tpu.memory_space<vmem>>, vector<1x16xf32>,
        %swap3A_153 = vector.shape_cast %swap3A_152 : vector<1x16xf32> to vector<16xf32>
        %swap3A_154 = vector.shape_cast %max3A_149 : vector<16xf32> to vector<1x16xf32>
        tpu.vector_store %arg13[%swap3A_150, %swap3A_151], %swap3A_154 {strides = array<i32>} : memref<128x16xf32, #tpu.memory_space<vmem>>, vector<1x16xf32>,
        %scan3A_155 = arith.constant 0 : i32
        scf.yield %scan3A_155 : i32
      }
      %scan3A_57 = arith.constant 128 : i32
      "tpu.region"() ({
        %run_scoped3A = tpu.sem_alloc : memref<!tpu.dma_semaphore, #tpu.memory_space<semaphore_mem>>
        %dma_start3A_59 = arith.constant 0 : i32
        %dma_start3A_60 = arith.constant 0 : i32
        %dma_start3A_61 = tpu.memref_slice %arg16[%dma_start3A_59, %dma_start3A_60] : memref<100352x16xf32, #tpu.memory_space<vmem_shared>> -> memref<100352x16xf32, #tpu.memory_space<vmem_shared>>
        tpu.enqueue_indirect_dma source(%arg13 : memref<128x16xf32, #tpu.memory_space<vmem>>) target(%dma_start3A_61 : memref<100352x16xf32, #tpu.memory_space<vmem_shared>>) offsets(%arg8 : memref<128xi32, #tpu.memory_space<vmem>>) semaphore(%run_scoped3A : memref<!tpu.dma_semaphore, #tpu.memory_space<semaphore_mem>>) {add = true}
        %dma_wait3A_62 = arith.constant 0 : i32
        %dma_wait3A_63 = arith.constant 0 : i32
        %dma_wait3A_64 = tpu.memref_slice %arg16[%dma_wait3A_62, %dma_wait3A_63] : memref<100352x16xf32, #tpu.memory_space<vmem_shared>> -> memref<100352x16xf32, #tpu.memory_space<vmem_shared>>
        tpu.wait_indirect_dma semaphore(%run_scoped3A : memref<!tpu.dma_semaphore, #tpu.memory_space<semaphore_mem>>) src(%arg13 : memref<128x16xf32, #tpu.memory_space<vmem>>) dst(%dma_wait3A_64 : memref<100352x16xf32, #tpu.memory_space<vmem_shared>>)
        tpu.yield
      }) : () -> ()
      %scan3A_58 = arith.constant 0 : i32
      scf.yield %scan3A_58 : i32
    }
    %scan3A_24 = arith.constant 391 : i32
    %barrier3A_25 = arith.constant 0 : index
    tpu.barrier barrier_id(%barrier3A_25)
    %mul3A_26 = arith.constant 6272 : i32
    %mul3A_27 = arith.muli %arg1, %mul3A_26 : i32
    "tpu.region"() ({
      %run_scoped3A = tpu.sem_alloc : memref<!tpu.dma_semaphore, #tpu.memory_space<semaphore_mem>>
      %dma_start3A = arith.constant 0 : i32
      %dma_start3A_28 = tpu.memref_slice %arg7[%arg0, %mul3A_27, %dma_start3A] : memref<2x100352x16xf32, #tpu.memory_space<hbm>> -> memref<1x6272x16xf32, #tpu.memory_space<hbm>>
      %dma_start3A_29 = tpu.memref_squeeze %dma_start3A_28 : memref<1x6272x16xf32, #tpu.memory_space<hbm>> -> memref<6272x16xf32, #tpu.memory_space<hbm>>
      %dma_start3A_30 = arith.constant 0 : i32
      %dma_start3A_31 = tpu.memref_slice %arg16[%mul3A_27, %dma_start3A_30] : memref<100352x16xf32, #tpu.memory_space<vmem_shared>> -> memref<6272x16xf32, #tpu.memory_space<vmem_shared>>
      tpu.enqueue_dma source(%dma_start3A_31 : memref<6272x16xf32, #tpu.memory_space<vmem_shared>>) target(%dma_start3A_29 : memref<6272x16xf32, #tpu.memory_space<hbm>>) target_semaphore(%run_scoped3A : memref<!tpu.dma_semaphore, #tpu.memory_space<semaphore_mem>>)
      %dma_wait3A = arith.constant 0 : i32
      %dma_wait3A_32 = tpu.memref_slice %arg7[%arg0, %mul3A_27, %dma_wait3A] : memref<2x100352x16xf32, #tpu.memory_space<hbm>> -> memref<1x6272x16xf32, #tpu.memory_space<hbm>>
      %dma_wait3A_33 = tpu.memref_squeeze %dma_wait3A_32 : memref<1x6272x16xf32, #tpu.memory_space<hbm>> -> memref<6272x16xf32, #tpu.memory_space<hbm>>
      %dma_wait3A_34 = arith.constant 0 : i32
      %dma_wait3A_35 = tpu.memref_slice %arg16[%mul3A_27, %dma_wait3A_34] : memref<100352x16xf32, #tpu.memory_space<vmem_shared>> -> memref<6272x16xf32, #tpu.memory_space<vmem_shared>>
      tpu.wait_dma2 semaphore(%run_scoped3A : memref<!tpu.dma_semaphore, #tpu.memory_space<semaphore_mem>>) src(%dma_wait3A_35 : memref<6272x16xf32, #tpu.memory_space<vmem_shared>>) dst(%dma_wait3A_33 : memref<6272x16xf32, #tpu.memory_space<hbm>>)
      tpu.yield
    }) : () -> ()
    return
  }
}

#map = affine_map<(d0, d1) -> (0, 0)>
#map1 = affine_map<(d0, d1) -> (0)>
#map2 = affine_map<(d0, d1) -> (0, 0, 0)>
module attributes {stable_mosaic.version = 14 : i64} {
  func.func @_phase2_body(%arg0: i32, %arg1: i32, %arg2: memref<100352x16xf32, #tpu.memory_space<hbm>>, %arg3: memref<1601536xi32, #tpu.memory_space<hbm>>, %arg4: memref<1601536xi32, #tpu.memory_space<hbm>>, %arg5: memref<2x100352x16xf32, #tpu.memory_space<hbm>>, %arg6: memref<128xi32, #tpu.memory_space<vmem>>, %arg7: memref<128xi32, #tpu.memory_space<vmem>>, %arg8: memref<128x16xf32, #tpu.memory_space<vmem>>, %arg9: memref<100352x16xf32, #tpu.memory_space<vmem_shared>>, %arg10: memref<!tpu.dma_semaphore, #tpu.memory_space<semaphore_mem>>) attributes {dimension_semantics = [#tpu.dimension_semantics<core_parallel>, #tpu.dimension_semantics<subcore_parallel>], iteration_bounds = array<i64: 2, 16>, scalar_prefetch = 0 : i64, scratch_operands = 5 : i64, tpu.core_type = #tpu.core_type<sc_vector_subcore>, window_params = [{transform_indices = #map}, {transform_indices = #map1}, {transform_indices = #map1}, {transform_indices = #map2}]} {
    %mul3A = arith.constant 16 : i32
    %mul3A_0 = arith.muli %arg0, %mul3A : i32
    %add3A = arith.addi %mul3A_0, %arg1 : i32
    %scan3A = arith.constant 0 : i32
    %scan3A_1 = arith.constant 0 : i32
    %scan3A_2 = arith.constant 128 : i32
    %scan3A_3 = arith.addi %scan3A_1, %scan3A_2 : i32
    %scan3A_4 = arith.constant 1 : i32
    %scan3A_5 = scf.for %scan3A_28 = %scan3A_1 to %scan3A_3 step %scan3A_4 iter_args(%scan3A_29 = %scan3A) -> (i32)  : i32 {
      %broadcast_in_dim3A = arith.constant 0.000000e+00 : f32
      %broadcast_in_dim3A_30 = vector.broadcast %broadcast_in_dim3A : f32 to vector<16xf32>
      %swap3A = arith.index_cast %scan3A_28 : i32 to index
      %swap3A_31 = arith.constant 0 : index
      %swap3A_32 = tpu.vector_load %arg8[%swap3A, %swap3A_31] {strides = array<i32>} : memref<128x16xf32, #tpu.memory_space<vmem>>, vector<1x16xf32>,
      %swap3A_33 = vector.shape_cast %swap3A_32 : vector<1x16xf32> to vector<16xf32>
      %swap3A_34 = vector.shape_cast %broadcast_in_dim3A_30 : vector<16xf32> to vector<1x16xf32>
      tpu.vector_store %arg8[%swap3A, %swap3A_31], %swap3A_34 {strides = array<i32>} : memref<128x16xf32, #tpu.memory_space<vmem>>, vector<1x16xf32>,
      %scan3A_35 = arith.constant 0 : i32
      scf.yield %scan3A_35 : i32
    }
    %scan3A_6 = arith.constant 128 : i32
    %scan3A_7 = arith.constant 0 : i32
    %scan3A_8 = arith.constant 0 : i32
    %scan3A_9 = arith.constant 49 : i32
    %scan3A_10 = arith.addi %scan3A_8, %scan3A_9 : i32
    %scan3A_11 = arith.constant 1 : i32
    %scan3A_12 = scf.for %scan3A_28 = %scan3A_8 to %scan3A_10 step %scan3A_11 iter_args(%scan3A_29 = %scan3A_7) -> (i32)  : i32 {
      %mul3A_30 = arith.constant 6272 : i32
      %mul3A_31 = arith.muli %arg1, %mul3A_30 : i32
      %mul3A_32 = arith.constant 128 : i32
      %mul3A_33 = arith.muli %scan3A_28, %mul3A_32 : i32
      %add3A_34 = arith.addi %mul3A_31, %mul3A_33 : i32
      "tpu.region"() ({
        %run_scoped3A = tpu.sem_alloc : memref<!tpu.dma_semaphore, #tpu.memory_space<semaphore_mem>>
        %dma_start3A = arith.constant 0 : i32
        %dma_start3A_36 = tpu.memref_slice %arg9[%add3A_34, %dma_start3A] : memref<100352x16xf32, #tpu.memory_space<vmem_shared>> -> memref<128x16xf32, #tpu.memory_space<vmem_shared>>
        %dma_start3A_37 = arith.constant 0 : i32
        %dma_start3A_38 = tpu.memref_slice %arg9[%add3A_34, %dma_start3A_37] : memref<100352x16xf32, #tpu.memory_space<vmem_shared>> -> memref<128x16xf32, #tpu.memory_space<vmem_shared>>
        tpu.enqueue_dma source(%arg8 : memref<128x16xf32, #tpu.memory_space<vmem>>) target(%dma_start3A_38 : memref<128x16xf32, #tpu.memory_space<vmem_shared>>) target_semaphore(%run_scoped3A : memref<!tpu.dma_semaphore, #tpu.memory_space<semaphore_mem>>)
        %dma_wait3A = arith.constant 0 : i32
        %dma_wait3A_39 = tpu.memref_slice %arg9[%add3A_34, %dma_wait3A] : memref<100352x16xf32, #tpu.memory_space<vmem_shared>> -> memref<128x16xf32, #tpu.memory_space<vmem_shared>>
        %dma_wait3A_40 = arith.constant 0 : i32
        %dma_wait3A_41 = tpu.memref_slice %arg9[%add3A_34, %dma_wait3A_40] : memref<100352x16xf32, #tpu.memory_space<vmem_shared>> -> memref<128x16xf32, #tpu.memory_space<vmem_shared>>
        tpu.wait_dma2 semaphore(%run_scoped3A : memref<!tpu.dma_semaphore, #tpu.memory_space<semaphore_mem>>) src(%arg8 : memref<128x16xf32, #tpu.memory_space<vmem>>) dst(%dma_wait3A_41 : memref<128x16xf32, #tpu.memory_space<vmem_shared>>)
        tpu.yield
      }) : () -> ()
      %scan3A_35 = arith.constant 0 : i32
      scf.yield %scan3A_35 : i32
    }
    %scan3A_13 = arith.constant 49 : i32
    %barrier3A = arith.constant 0 : index
    tpu.barrier barrier_id(%barrier3A)
    %mul3A_14 = arith.constant 391 : i32
    %mul3A_15 = arith.muli %add3A, %mul3A_14 : i32
    %mul3A_16 = arith.constant 128 : i32
    %mul3A_17 = arith.muli %mul3A_15, %mul3A_16 : i32
    %scan3A_18 = arith.constant 0 : i32
    %scan3A_19 = arith.constant 0 : i32
    %scan3A_20 = arith.constant 391 : i32
    %scan3A_21 = arith.addi %scan3A_19, %scan3A_20 : i32
    %scan3A_22 = arith.constant 1 : i32
    %scan3A_23 = scf.for %scan3A_28 = %scan3A_19 to %scan3A_21 step %scan3A_22 iter_args(%scan3A_29 = %scan3A_18) -> (i32)  : i32 {
      %mul3A_30 = arith.constant 128 : i32
      %mul3A_31 = arith.muli %scan3A_28, %mul3A_30 : i32
      %add3A_32 = arith.addi %mul3A_17, %mul3A_31 : i32
      "tpu.region"() ({
        %run_scoped3A = tpu.sem_alloc : memref<!tpu.dma_semaphore, #tpu.memory_space<semaphore_mem>>
        %dma_start3A_38 = tpu.memref_slice %arg3[%add3A_32] : memref<1601536xi32, #tpu.memory_space<hbm>> -> memref<128xi32, #tpu.memory_space<hbm>>
        %dma_start3A_39 = tpu.memref_slice %arg3[%add3A_32] : memref<1601536xi32, #tpu.memory_space<hbm>> -> memref<128xi32, #tpu.memory_space<hbm>>
        tpu.enqueue_dma source(%dma_start3A_39 : memref<128xi32, #tpu.memory_space<hbm>>) target(%arg6 : memref<128xi32, #tpu.memory_space<vmem>>) target_semaphore(%run_scoped3A : memref<!tpu.dma_semaphore, #tpu.memory_space<semaphore_mem>>)
        %dma_wait3A_40 = tpu.memref_slice %arg3[%add3A_32] : memref<1601536xi32, #tpu.memory_space<hbm>> -> memref<128xi32, #tpu.memory_space<hbm>>
        %dma_wait3A_41 = tpu.memref_slice %arg3[%add3A_32] : memref<1601536xi32, #tpu.memory_space<hbm>> -> memref<128xi32, #tpu.memory_space<hbm>>
        tpu.wait_dma2 semaphore(%run_scoped3A : memref<!tpu.dma_semaphore, #tpu.memory_space<semaphore_mem>>) src(%dma_wait3A_41 : memref<128xi32, #tpu.memory_space<hbm>>) dst(%arg6 : memref<128xi32, #tpu.memory_space<vmem>>)
        tpu.yield
      }) : () -> ()
      "tpu.region"() ({
        %run_scoped3A = tpu.sem_alloc : memref<!tpu.dma_semaphore, #tpu.memory_space<semaphore_mem>>
        %dma_start3A_38 = tpu.memref_slice %arg4[%add3A_32] : memref<1601536xi32, #tpu.memory_space<hbm>> -> memref<128xi32, #tpu.memory_space<hbm>>
        %dma_start3A_39 = tpu.memref_slice %arg4[%add3A_32] : memref<1601536xi32, #tpu.memory_space<hbm>> -> memref<128xi32, #tpu.memory_space<hbm>>
        tpu.enqueue_dma source(%dma_start3A_39 : memref<128xi32, #tpu.memory_space<hbm>>) target(%arg7 : memref<128xi32, #tpu.memory_space<vmem>>) target_semaphore(%run_scoped3A : memref<!tpu.dma_semaphore, #tpu.memory_space<semaphore_mem>>)
        %dma_wait3A_40 = tpu.memref_slice %arg4[%add3A_32] : memref<1601536xi32, #tpu.memory_space<hbm>> -> memref<128xi32, #tpu.memory_space<hbm>>
        %dma_wait3A_41 = tpu.memref_slice %arg4[%add3A_32] : memref<1601536xi32, #tpu.memory_space<hbm>> -> memref<128xi32, #tpu.memory_space<hbm>>
        tpu.wait_dma2 semaphore(%run_scoped3A : memref<!tpu.dma_semaphore, #tpu.memory_space<semaphore_mem>>) src(%dma_wait3A_41 : memref<128xi32, #tpu.memory_space<hbm>>) dst(%arg7 : memref<128xi32, #tpu.memory_space<vmem>>)
        tpu.yield
      }) : () -> ()
      %dma_start3A = arith.constant 0 : i32
      %dma_start3A_33 = arith.constant 0 : i32
      %dma_start3A_34 = tpu.memref_slice %arg2[%dma_start3A, %dma_start3A_33] : memref<100352x16xf32, #tpu.memory_space<hbm>> -> memref<100352x16xf32, #tpu.memory_space<hbm>>
      tpu.enqueue_indirect_dma source(%dma_start3A_34 : memref<100352x16xf32, #tpu.memory_space<hbm>>) target(%arg8 : memref<128x16xf32, #tpu.memory_space<vmem>>) offsets(%arg6 : memref<128xi32, #tpu.memory_space<vmem>>) semaphore(%arg10 : memref<!tpu.dma_semaphore, #tpu.memory_space<semaphore_mem>>)
      %dma_wait3A = arith.constant 0 : i32
      %dma_wait3A_35 = arith.constant 0 : i32
      %dma_wait3A_36 = tpu.memref_slice %arg2[%dma_wait3A, %dma_wait3A_35] : memref<100352x16xf32, #tpu.memory_space<hbm>> -> memref<100352x16xf32, #tpu.memory_space<hbm>>
      tpu.wait_indirect_dma semaphore(%arg10 : memref<!tpu.dma_semaphore, #tpu.memory_space<semaphore_mem>>) src(%dma_wait3A_36 : memref<100352x16xf32, #tpu.memory_space<hbm>>) dst(%arg8 : memref<128x16xf32, #tpu.memory_space<vmem>>)
      "tpu.region"() ({
        %run_scoped3A = tpu.sem_alloc : memref<!tpu.dma_semaphore, #tpu.memory_space<semaphore_mem>>
        %dma_start3A_38 = arith.constant 0 : i32
        %dma_start3A_39 = arith.constant 0 : i32
        %dma_start3A_40 = tpu.memref_slice %arg9[%dma_start3A_38, %dma_start3A_39] : memref<100352x16xf32, #tpu.memory_space<vmem_shared>> -> memref<100352x16xf32, #tpu.memory_space<vmem_shared>>
        tpu.enqueue_indirect_dma source(%arg8 : memref<128x16xf32, #tpu.memory_space<vmem>>) target(%dma_start3A_40 : memref<100352x16xf32, #tpu.memory_space<vmem_shared>>) offsets(%arg7 : memref<128xi32, #tpu.memory_space<vmem>>) semaphore(%run_scoped3A : memref<!tpu.dma_semaphore, #tpu.memory_space<semaphore_mem>>) {add = true}
        %dma_wait3A_41 = arith.constant 0 : i32
        %dma_wait3A_42 = arith.constant 0 : i32
        %dma_wait3A_43 = tpu.memref_slice %arg9[%dma_wait3A_41, %dma_wait3A_42] : memref<100352x16xf32, #tpu.memory_space<vmem_shared>> -> memref<100352x16xf32, #tpu.memory_space<vmem_shared>>
        tpu.wait_indirect_dma semaphore(%run_scoped3A : memref<!tpu.dma_semaphore, #tpu.memory_space<semaphore_mem>>) src(%arg8 : memref<128x16xf32, #tpu.memory_space<vmem>>) dst(%dma_wait3A_43 : memref<100352x16xf32, #tpu.memory_space<vmem_shared>>)
        tpu.yield
      }) : () -> ()
      %scan3A_37 = arith.constant 0 : i32
      scf.yield %scan3A_37 : i32
    }
    %scan3A_24 = arith.constant 391 : i32
    %barrier3A_25 = arith.constant 0 : index
    tpu.barrier barrier_id(%barrier3A_25)
    %mul3A_26 = arith.constant 6272 : i32
    %mul3A_27 = arith.muli %arg1, %mul3A_26 : i32
    "tpu.region"() ({
      %run_scoped3A = tpu.sem_alloc : memref<!tpu.dma_semaphore, #tpu.memory_space<semaphore_mem>>
      %dma_start3A = arith.constant 0 : i32
      %dma_start3A_28 = tpu.memref_slice %arg5[%arg0, %mul3A_27, %dma_start3A] : memref<2x100352x16xf32, #tpu.memory_space<hbm>> -> memref<1x6272x16xf32, #tpu.memory_space<hbm>>
      %dma_start3A_29 = tpu.memref_squeeze %dma_start3A_28 : memref<1x6272x16xf32, #tpu.memory_space<hbm>> -> memref<6272x16xf32, #tpu.memory_space<hbm>>
      %dma_start3A_30 = arith.constant 0 : i32
      %dma_start3A_31 = tpu.memref_slice %arg9[%mul3A_27, %dma_start3A_30] : memref<100352x16xf32, #tpu.memory_space<vmem_shared>> -> memref<6272x16xf32, #tpu.memory_space<vmem_shared>>
      tpu.enqueue_dma source(%dma_start3A_31 : memref<6272x16xf32, #tpu.memory_space<vmem_shared>>) target(%dma_start3A_29 : memref<6272x16xf32, #tpu.memory_space<hbm>>) target_semaphore(%run_scoped3A : memref<!tpu.dma_semaphore, #tpu.memory_space<semaphore_mem>>)
      %dma_wait3A = arith.constant 0 : i32
      %dma_wait3A_32 = tpu.memref_slice %arg5[%arg0, %mul3A_27, %dma_wait3A] : memref<2x100352x16xf32, #tpu.memory_space<hbm>> -> memref<1x6272x16xf32, #tpu.memory_space<hbm>>
      %dma_wait3A_33 = tpu.memref_squeeze %dma_wait3A_32 : memref<1x6272x16xf32, #tpu.memory_space<hbm>> -> memref<6272x16xf32, #tpu.memory_space<hbm>>
      %dma_wait3A_34 = arith.constant 0 : i32
      %dma_wait3A_35 = tpu.memref_slice %arg9[%mul3A_27, %dma_wait3A_34] : memref<100352x16xf32, #tpu.memory_space<vmem_shared>> -> memref<6272x16xf32, #tpu.memory_space<vmem_shared>>
      tpu.wait_dma2 semaphore(%run_scoped3A : memref<!tpu.dma_semaphore, #tpu.memory_space<semaphore_mem>>) src(%dma_wait3A_35 : memref<6272x16xf32, #tpu.memory_space<vmem_shared>>) dst(%dma_wait3A_33 : memref<6272x16xf32, #tpu.memory_space<hbm>>)
      tpu.yield
    }) : () -> ()
    return
  }
}

#map = affine_map<(d0, d1) -> (0, 0)>
#map1 = affine_map<(d0, d1) -> (0)>
#map2 = affine_map<(d0, d1) -> (0, 0, 0)>
module attributes {stable_mosaic.version = 14 : i64} {
  func.func @body(%arg0: i32, %arg1: i32, %arg2: memref<100352x16xf32, #tpu.memory_space<hbm>>, %arg3: memref<100352x16xf32, #tpu.memory_space<hbm>>, %arg4: memref<1601536x16xf32, #tpu.memory_space<hbm>>, %arg5: memref<1601536xi32, #tpu.memory_space<hbm>>, %arg6: memref<1601536xi32, #tpu.memory_space<hbm>>, %arg7: memref<2x100352x16xf32, #tpu.memory_space<hbm>>, %arg8: memref<2x100352xf32, #tpu.memory_space<hbm>>, %arg9: memref<128xi32, #tpu.memory_space<vmem>>, %arg10: memref<128xi32, #tpu.memory_space<vmem>>, %arg11: memref<128x16xf32, #tpu.memory_space<vmem>>, %arg12: memref<128x16xf32, #tpu.memory_space<vmem>>, %arg13: memref<128x16xf32, #tpu.memory_space<vmem>>, %arg14: memref<128x16xf32, #tpu.memory_space<vmem>>, %arg15: memref<128xf32, #tpu.memory_space<vmem>>, %arg16: memref<784xf32, #tpu.memory_space<vmem>>, %arg17: memref<100352x16xf32, #tpu.memory_space<vmem_shared>>, %arg18: memref<100352xf32, #tpu.memory_space<vmem_shared>>, %arg19: memref<!tpu.dma_semaphore, #tpu.memory_space<semaphore_mem>>) attributes {dimension_semantics = [#tpu.dimension_semantics<core_parallel>, #tpu.dimension_semantics<subcore_parallel>], iteration_bounds = array<i64: 2, 16>, scalar_prefetch = 0 : i64, scratch_operands = 11 : i64, tpu.core_type = #tpu.core_type<sc_vector_subcore>, window_params = [{transform_indices = #map}, {transform_indices = #map}, {transform_indices = #map}, {transform_indices = #map1}, {transform_indices = #map1}, {transform_indices = #map2}, {transform_indices = #map}]} {
    %mul3A = arith.constant 16 : i32
    %mul3A_0 = arith.muli %arg0, %mul3A : i32
    %add3A = arith.addi %mul3A_0, %arg1 : i32
    %scan3A = arith.constant 0 : i32
    %scan3A_1 = arith.constant 0 : i32
    %scan3A_2 = arith.constant 128 : i32
    %scan3A_3 = arith.addi %scan3A_1, %scan3A_2 : i32
    %scan3A_4 = arith.constant 1 : i32
    %scan3A_5 = scf.for %scan3A_49 = %scan3A_1 to %scan3A_3 step %scan3A_4 iter_args(%scan3A_50 = %scan3A) -> (i32)  : i32 {
      %broadcast_in_dim3A = arith.constant 0.000000e+00 : f32
      %broadcast_in_dim3A_51 = vector.broadcast %broadcast_in_dim3A : f32 to vector<16xf32>
      %swap3A = arith.index_cast %scan3A_49 : i32 to index
      %swap3A_52 = arith.constant 0 : index
      %swap3A_53 = tpu.vector_load %arg14[%swap3A, %swap3A_52] {strides = array<i32>} : memref<128x16xf32, #tpu.memory_space<vmem>>, vector<1x16xf32>,
      %swap3A_54 = vector.shape_cast %swap3A_53 : vector<1x16xf32> to vector<16xf32>
      %swap3A_55 = vector.shape_cast %broadcast_in_dim3A_51 : vector<16xf32> to vector<1x16xf32>
      tpu.vector_store %arg14[%swap3A, %swap3A_52], %swap3A_55 {strides = array<i32>} : memref<128x16xf32, #tpu.memory_space<vmem>>, vector<1x16xf32>,
      %scan3A_56 = arith.constant 0 : i32
      scf.yield %scan3A_56 : i32
    }
    %scan3A_6 = arith.constant 128 : i32
    %scan3A_7 = arith.constant 0 : i32
    %scan3A_8 = arith.constant 0 : i32
    %scan3A_9 = arith.constant 49 : i32
    %scan3A_10 = arith.addi %scan3A_8, %scan3A_9 : i32
    %scan3A_11 = arith.constant 1 : i32
    %scan3A_12 = scf.for %scan3A_49 = %scan3A_8 to %scan3A_10 step %scan3A_11 iter_args(%scan3A_50 = %scan3A_7) -> (i32)  : i32 {
      %mul3A_51 = arith.constant 6272 : i32
      %mul3A_52 = arith.muli %arg1, %mul3A_51 : i32
      %mul3A_53 = arith.constant 128 : i32
      %mul3A_54 = arith.muli %scan3A_49, %mul3A_53 : i32
      %add3A_55 = arith.addi %mul3A_52, %mul3A_54 : i32
      "tpu.region"() ({
        %run_scoped3A = tpu.sem_alloc : memref<!tpu.dma_semaphore, #tpu.memory_space<semaphore_mem>>
        %dma_start3A = arith.constant 0 : i32
        %dma_start3A_57 = tpu.memref_slice %arg17[%add3A_55, %dma_start3A] : memref<100352x16xf32, #tpu.memory_space<vmem_shared>> -> memref<128x16xf32, #tpu.memory_space<vmem_shared>>
        %dma_start3A_58 = arith.constant 0 : i32
        %dma_start3A_59 = tpu.memref_slice %arg17[%add3A_55, %dma_start3A_58] : memref<100352x16xf32, #tpu.memory_space<vmem_shared>> -> memref<128x16xf32, #tpu.memory_space<vmem_shared>>
        tpu.enqueue_dma source(%arg14 : memref<128x16xf32, #tpu.memory_space<vmem>>) target(%dma_start3A_59 : memref<128x16xf32, #tpu.memory_space<vmem_shared>>) target_semaphore(%run_scoped3A : memref<!tpu.dma_semaphore, #tpu.memory_space<semaphore_mem>>)
        %dma_wait3A = arith.constant 0 : i32
        %dma_wait3A_60 = tpu.memref_slice %arg17[%add3A_55, %dma_wait3A] : memref<100352x16xf32, #tpu.memory_space<vmem_shared>> -> memref<128x16xf32, #tpu.memory_space<vmem_shared>>
        %dma_wait3A_61 = arith.constant 0 : i32
        %dma_wait3A_62 = tpu.memref_slice %arg17[%add3A_55, %dma_wait3A_61] : memref<100352x16xf32, #tpu.memory_space<vmem_shared>> -> memref<128x16xf32, #tpu.memory_space<vmem_shared>>
        tpu.wait_dma2 semaphore(%run_scoped3A : memref<!tpu.dma_semaphore, #tpu.memory_space<semaphore_mem>>) src(%arg14 : memref<128x16xf32, #tpu.memory_space<vmem>>) dst(%dma_wait3A_62 : memref<128x16xf32, #tpu.memory_space<vmem_shared>>)
        tpu.yield
      }) : () -> ()
      %scan3A_56 = arith.constant 0 : i32
      scf.yield %scan3A_56 : i32
    }
    %scan3A_13 = arith.constant 49 : i32
    %scan3A_14 = arith.constant 0 : i32
    %scan3A_15 = arith.constant 0 : i32
    %scan3A_16 = arith.constant 49 : i32
    %scan3A_17 = arith.addi %scan3A_15, %scan3A_16 : i32
    %scan3A_18 = arith.constant 1 : i32
    %scan3A_19 = scf.for %scan3A_49 = %scan3A_15 to %scan3A_17 step %scan3A_18 iter_args(%scan3A_50 = %scan3A_14) -> (i32)  : i32 {
      %broadcast_in_dim3A = arith.constant 0.000000e+00 : f32
      %broadcast_in_dim3A_51 = vector.broadcast %broadcast_in_dim3A : f32 to vector<16xf32>
      %mul3A_52 = arith.constant 16 : i32
      %mul3A_53 = arith.muli %scan3A_49, %mul3A_52 : i32
      %swap3A = arith.index_cast %mul3A_53 : i32 to index
      %swap3A_54 = tpu.vector_load %arg16[%swap3A] {strides = array<i32>} : memref<784xf32, #tpu.memory_space<vmem>>, vector<16xf32>,
      %swap3A_55 = vector.shape_cast %swap3A_54 : vector<16xf32> to vector<16xf32>
      %swap3A_56 = vector.shape_cast %broadcast_in_dim3A_51 : vector<16xf32> to vector<16xf32>
      tpu.vector_store %arg16[%swap3A], %swap3A_56 {strides = array<i32>} : memref<784xf32, #tpu.memory_space<vmem>>, vector<16xf32>,
      %scan3A_57 = arith.constant 0 : i32
      scf.yield %scan3A_57 : i32
    }
    %scan3A_20 = arith.constant 49 : i32
    %scan3A_21 = arith.constant 0 : i32
    %scan3A_22 = arith.constant 0 : i32
    %scan3A_23 = arith.constant 8 : i32
    %scan3A_24 = arith.addi %scan3A_22, %scan3A_23 : i32
    %scan3A_25 = arith.constant 1 : i32
    %scan3A_26 = scf.for %scan3A_49 = %scan3A_22 to %scan3A_24 step %scan3A_25 iter_args(%scan3A_50 = %scan3A_21) -> (i32)  : i32 {
      %mul3A_51 = arith.constant 6272 : i32
      %mul3A_52 = arith.muli %arg1, %mul3A_51 : i32
      %mul3A_53 = arith.constant 784 : i32
      %mul3A_54 = arith.muli %scan3A_49, %mul3A_53 : i32
      %add3A_55 = arith.addi %mul3A_52, %mul3A_54 : i32
      "tpu.region"() ({
        %run_scoped3A = tpu.sem_alloc : memref<!tpu.dma_semaphore, #tpu.memory_space<semaphore_mem>>
        %dma_start3A = tpu.memref_slice %arg18[%add3A_55] : memref<100352xf32, #tpu.memory_space<vmem_shared>> -> memref<784xf32, #tpu.memory_space<vmem_shared>>
        %dma_start3A_57 = tpu.memref_slice %arg18[%add3A_55] : memref<100352xf32, #tpu.memory_space<vmem_shared>> -> memref<784xf32, #tpu.memory_space<vmem_shared>>
        tpu.enqueue_dma source(%arg16 : memref<784xf32, #tpu.memory_space<vmem>>) target(%dma_start3A_57 : memref<784xf32, #tpu.memory_space<vmem_shared>>) target_semaphore(%run_scoped3A : memref<!tpu.dma_semaphore, #tpu.memory_space<semaphore_mem>>)
        %dma_wait3A = tpu.memref_slice %arg18[%add3A_55] : memref<100352xf32, #tpu.memory_space<vmem_shared>> -> memref<784xf32, #tpu.memory_space<vmem_shared>>
        %dma_wait3A_58 = tpu.memref_slice %arg18[%add3A_55] : memref<100352xf32, #tpu.memory_space<vmem_shared>> -> memref<784xf32, #tpu.memory_space<vmem_shared>>
        tpu.wait_dma2 semaphore(%run_scoped3A : memref<!tpu.dma_semaphore, #tpu.memory_space<semaphore_mem>>) src(%arg16 : memref<784xf32, #tpu.memory_space<vmem>>) dst(%dma_wait3A_58 : memref<784xf32, #tpu.memory_space<vmem_shared>>)
        tpu.yield
      }) : () -> ()
      %scan3A_56 = arith.constant 0 : i32
      scf.yield %scan3A_56 : i32
    }
    %scan3A_27 = arith.constant 8 : i32
    %scan3A_28 = arith.constant 0 : i32
    %scan3A_29 = arith.constant 0 : i32
    %scan3A_30 = arith.constant 8 : i32
    %scan3A_31 = arith.addi %scan3A_29, %scan3A_30 : i32
    %scan3A_32 = arith.constant 1 : i32
    %scan3A_33 = scf.for %scan3A_49 = %scan3A_29 to %scan3A_31 step %scan3A_32 iter_args(%scan3A_50 = %scan3A_28) -> (i32)  : i32 {
      %broadcast_in_dim3A = arith.constant 1.000000e+00 : f32
      %broadcast_in_dim3A_51 = vector.broadcast %broadcast_in_dim3A : f32 to vector<16xf32>
      %mul3A_52 = arith.constant 16 : i32
      %mul3A_53 = arith.muli %scan3A_49, %mul3A_52 : i32
      %swap3A = arith.index_cast %mul3A_53 : i32 to index
      %swap3A_54 = tpu.vector_load %arg15[%swap3A] {strides = array<i32>} : memref<128xf32, #tpu.memory_space<vmem>>, vector<16xf32>,
      %swap3A_55 = vector.shape_cast %swap3A_54 : vector<16xf32> to vector<16xf32>
      %swap3A_56 = vector.shape_cast %broadcast_in_dim3A_51 : vector<16xf32> to vector<16xf32>
      tpu.vector_store %arg15[%swap3A], %swap3A_56 {strides = array<i32>} : memref<128xf32, #tpu.memory_space<vmem>>, vector<16xf32>,
      %scan3A_57 = arith.constant 0 : i32
      scf.yield %scan3A_57 : i32
    }
    %scan3A_34 = arith.constant 8 : i32
    %barrier3A = arith.constant 0 : index
    tpu.barrier barrier_id(%barrier3A)
    %mul3A_35 = arith.constant 391 : i32
    %mul3A_36 = arith.muli %add3A, %mul3A_35 : i32
    %mul3A_37 = arith.constant 128 : i32
    %mul3A_38 = arith.muli %mul3A_36, %mul3A_37 : i32
    %scan3A_39 = arith.constant 0 : i32
    %scan3A_40 = arith.constant 0 : i32
    %scan3A_41 = arith.constant 391 : i32
    %scan3A_42 = arith.addi %scan3A_40, %scan3A_41 : i32
    %scan3A_43 = arith.constant 1 : i32
    %scan3A_44 = scf.for %scan3A_49 = %scan3A_40 to %scan3A_42 step %scan3A_43 iter_args(%scan3A_50 = %scan3A_39) -> (i32)  : i32 {
      %mul3A_51 = arith.constant 128 : i32
      %mul3A_52 = arith.muli %scan3A_49, %mul3A_51 : i32
      %add3A_53 = arith.addi %mul3A_38, %mul3A_52 : i32
      "tpu.region"() ({
        %run_scoped3A = tpu.sem_alloc : memref<!tpu.dma_semaphore, #tpu.memory_space<semaphore_mem>>
        %dma_start3A_80 = tpu.memref_slice %arg5[%add3A_53] : memref<1601536xi32, #tpu.memory_space<hbm>> -> memref<128xi32, #tpu.memory_space<hbm>>
        %dma_start3A_81 = tpu.memref_slice %arg5[%add3A_53] : memref<1601536xi32, #tpu.memory_space<hbm>> -> memref<128xi32, #tpu.memory_space<hbm>>
        tpu.enqueue_dma source(%dma_start3A_81 : memref<128xi32, #tpu.memory_space<hbm>>) target(%arg9 : memref<128xi32, #tpu.memory_space<vmem>>) target_semaphore(%run_scoped3A : memref<!tpu.dma_semaphore, #tpu.memory_space<semaphore_mem>>)
        %dma_wait3A_82 = tpu.memref_slice %arg5[%add3A_53] : memref<1601536xi32, #tpu.memory_space<hbm>> -> memref<128xi32, #tpu.memory_space<hbm>>
        %dma_wait3A_83 = tpu.memref_slice %arg5[%add3A_53] : memref<1601536xi32, #tpu.memory_space<hbm>> -> memref<128xi32, #tpu.memory_space<hbm>>
        tpu.wait_dma2 semaphore(%run_scoped3A : memref<!tpu.dma_semaphore, #tpu.memory_space<semaphore_mem>>) src(%dma_wait3A_83 : memref<128xi32, #tpu.memory_space<hbm>>) dst(%arg9 : memref<128xi32, #tpu.memory_space<vmem>>)
        tpu.yield
      }) : () -> ()
      "tpu.region"() ({
        %run_scoped3A = tpu.sem_alloc : memref<!tpu.dma_semaphore, #tpu.memory_space<semaphore_mem>>
        %dma_start3A_80 = tpu.memref_slice %arg6[%add3A_53] : memref<1601536xi32, #tpu.memory_space<hbm>> -> memref<128xi32, #tpu.memory_space<hbm>>
        %dma_start3A_81 = tpu.memref_slice %arg6[%add3A_53] : memref<1601536xi32, #tpu.memory_space<hbm>> -> memref<128xi32, #tpu.memory_space<hbm>>
        tpu.enqueue_dma source(%dma_start3A_81 : memref<128xi32, #tpu.memory_space<hbm>>) target(%arg10 : memref<128xi32, #tpu.memory_space<vmem>>) target_semaphore(%run_scoped3A : memref<!tpu.dma_semaphore, #tpu.memory_space<semaphore_mem>>)
        %dma_wait3A_82 = tpu.memref_slice %arg6[%add3A_53] : memref<1601536xi32, #tpu.memory_space<hbm>> -> memref<128xi32, #tpu.memory_space<hbm>>
        %dma_wait3A_83 = tpu.memref_slice %arg6[%add3A_53] : memref<1601536xi32, #tpu.memory_space<hbm>> -> memref<128xi32, #tpu.memory_space<hbm>>
        tpu.wait_dma2 semaphore(%run_scoped3A : memref<!tpu.dma_semaphore, #tpu.memory_space<semaphore_mem>>) src(%dma_wait3A_83 : memref<128xi32, #tpu.memory_space<hbm>>) dst(%arg10 : memref<128xi32, #tpu.memory_space<vmem>>)
        tpu.yield
      }) : () -> ()
      %dma_start3A = arith.constant 0 : i32
      %dma_start3A_54 = arith.constant 0 : i32
      %dma_start3A_55 = tpu.memref_slice %arg2[%dma_start3A, %dma_start3A_54] : memref<100352x16xf32, #tpu.memory_space<hbm>> -> memref<100352x16xf32, #tpu.memory_space<hbm>>
      tpu.enqueue_indirect_dma source(%dma_start3A_55 : memref<100352x16xf32, #tpu.memory_space<hbm>>) target(%arg11 : memref<128x16xf32, #tpu.memory_space<vmem>>) offsets(%arg9 : memref<128xi32, #tpu.memory_space<vmem>>) semaphore(%arg19 : memref<!tpu.dma_semaphore, #tpu.memory_space<semaphore_mem>>)
      %dma_start3A_56 = arith.constant 0 : i32
      %dma_start3A_57 = arith.constant 0 : i32
      %dma_start3A_58 = tpu.memref_slice %arg3[%dma_start3A_56, %dma_start3A_57] : memref<100352x16xf32, #tpu.memory_space<hbm>> -> memref<100352x16xf32, #tpu.memory_space<hbm>>
      tpu.enqueue_indirect_dma source(%dma_start3A_58 : memref<100352x16xf32, #tpu.memory_space<hbm>>) target(%arg12 : memref<128x16xf32, #tpu.memory_space<vmem>>) offsets(%arg10 : memref<128xi32, #tpu.memory_space<vmem>>) semaphore(%arg19 : memref<!tpu.dma_semaphore, #tpu.memory_space<semaphore_mem>>)
      %dma_start3A_59 = arith.constant 0 : i32
      %dma_start3A_60 = tpu.memref_slice %arg4[%add3A_53, %dma_start3A_59] : memref<1601536x16xf32, #tpu.memory_space<hbm>> -> memref<128x16xf32, #tpu.memory_space<hbm>>
      %dma_start3A_61 = arith.constant 0 : i32
      %dma_start3A_62 = tpu.memref_slice %arg4[%add3A_53, %dma_start3A_61] : memref<1601536x16xf32, #tpu.memory_space<hbm>> -> memref<128x16xf32, #tpu.memory_space<hbm>>
      tpu.enqueue_dma source(%dma_start3A_62 : memref<128x16xf32, #tpu.memory_space<hbm>>) target(%arg13 : memref<128x16xf32, #tpu.memory_space<vmem>>) target_semaphore(%arg19 : memref<!tpu.dma_semaphore, #tpu.memory_space<semaphore_mem>>)
      %dma_wait3A = arith.constant 0 : i32
      %dma_wait3A_63 = arith.constant 0 : i32
      %dma_wait3A_64 = tpu.memref_slice %arg2[%dma_wait3A, %dma_wait3A_63] : memref<100352x16xf32, #tpu.memory_space<hbm>> -> memref<100352x16xf32, #tpu.memory_space<hbm>>
      tpu.wait_indirect_dma semaphore(%arg19 : memref<!tpu.dma_semaphore, #tpu.memory_space<semaphore_mem>>) src(%dma_wait3A_64 : memref<100352x16xf32, #tpu.memory_space<hbm>>) dst(%arg11 : memref<128x16xf32, #tpu.memory_space<vmem>>)
      %dma_wait3A_65 = arith.constant 0 : i32
      %dma_wait3A_66 = arith.constant 0 : i32
      %dma_wait3A_67 = tpu.memref_slice %arg3[%dma_wait3A_65, %dma_wait3A_66] : memref<100352x16xf32, #tpu.memory_space<hbm>> -> memref<100352x16xf32, #tpu.memory_space<hbm>>
      tpu.wait_indirect_dma semaphore(%arg19 : memref<!tpu.dma_semaphore, #tpu.memory_space<semaphore_mem>>) src(%dma_wait3A_67 : memref<100352x16xf32, #tpu.memory_space<hbm>>) dst(%arg12 : memref<128x16xf32, #tpu.memory_space<vmem>>)
      %dma_wait3A_68 = arith.constant 0 : i32
      %dma_wait3A_69 = tpu.memref_slice %arg4[%add3A_53, %dma_wait3A_68] : memref<1601536x16xf32, #tpu.memory_space<hbm>> -> memref<128x16xf32, #tpu.memory_space<hbm>>
      %dma_wait3A_70 = arith.constant 0 : i32
      %dma_wait3A_71 = tpu.memref_slice %arg4[%add3A_53, %dma_wait3A_70] : memref<1601536x16xf32, #tpu.memory_space<hbm>> -> memref<128x16xf32, #tpu.memory_space<hbm>>
      tpu.wait_dma2 semaphore(%arg19 : memref<!tpu.dma_semaphore, #tpu.memory_space<semaphore_mem>>) src(%dma_wait3A_71 : memref<128x16xf32, #tpu.memory_space<hbm>>) dst(%arg13 : memref<128x16xf32, #tpu.memory_space<vmem>>)
      %scan3A_72 = arith.constant 0 : i32
      %scan3A_73 = arith.constant 0 : i32
      %scan3A_74 = arith.constant 128 : i32
      %scan3A_75 = arith.addi %scan3A_73, %scan3A_74 : i32
      %scan3A_76 = arith.constant 4 : i32
      %scan3A_77 = scf.for %scan3A_80 = %scan3A_73 to %scan3A_75 step %scan3A_76 iter_args(%scan3A_81 = %scan3A_72) -> (i32)  : i32 {
        %get3A = arith.index_cast %scan3A_80 : i32 to index
        %get3A_82 = arith.constant 0 : index
        %get3A_83 = tpu.vector_load %arg11[%get3A, %get3A_82] {strides = array<i32>} : memref<128x16xf32, #tpu.memory_space<vmem>>, vector<1x16xf32>,
        %get3A_84 = vector.shape_cast %get3A_83 : vector<1x16xf32> to vector<16xf32>
        %get3A_85 = arith.index_cast %scan3A_80 : i32 to index
        %get3A_86 = arith.constant 0 : index
        %get3A_87 = tpu.vector_load %arg12[%get3A_85, %get3A_86] {strides = array<i32>} : memref<128x16xf32, #tpu.memory_space<vmem>>, vector<1x16xf32>,
        %get3A_88 = vector.shape_cast %get3A_87 : vector<1x16xf32> to vector<16xf32>
        %add3A_89 = arith.addf %get3A_84, %get3A_88 : vector<16xf32>
        %get3A_90 = arith.index_cast %scan3A_80 : i32 to index
        %get3A_91 = arith.constant 0 : index
        %get3A_92 = tpu.vector_load %arg13[%get3A_90, %get3A_91] {strides = array<i32>} : memref<128x16xf32, #tpu.memory_space<vmem>>, vector<1x16xf32>,
        %get3A_93 = vector.shape_cast %get3A_92 : vector<1x16xf32> to vector<16xf32>
        %add3A_94 = arith.addf %add3A_89, %get3A_93 : vector<16xf32>
        %max3A = arith.constant 0.000000e+00 : f32
        %max3A_95 = vector.broadcast %max3A : f32 to vector<16xf32>
        %max3A_96 = arith.maximumf %add3A_94, %max3A_95 : vector<16xf32>
        %swap3A = arith.index_cast %scan3A_80 : i32 to index
        %swap3A_97 = arith.constant 0 : index
        %swap3A_98 = tpu.vector_load %arg14[%swap3A, %swap3A_97] {strides = array<i32>} : memref<128x16xf32, #tpu.memory_space<vmem>>, vector<1x16xf32>,
        %swap3A_99 = vector.shape_cast %swap3A_98 : vector<1x16xf32> to vector<16xf32>
        %swap3A_100 = vector.shape_cast %max3A_96 : vector<16xf32> to vector<1x16xf32>
        tpu.vector_store %arg14[%swap3A, %swap3A_97], %swap3A_100 {strides = array<i32>} : memref<128x16xf32, #tpu.memory_space<vmem>>, vector<1x16xf32>,
        %scan3A_101 = arith.constant 0 : i32
        %scan3A_102 = arith.constant 1 : i32
        %scan3A_103 = arith.addi %scan3A_80, %scan3A_102 : i32
        %get3A_104 = arith.index_cast %scan3A_103 : i32 to index
        %get3A_105 = arith.constant 0 : index
        %get3A_106 = tpu.vector_load %arg11[%get3A_104, %get3A_105] {strides = array<i32>} : memref<128x16xf32, #tpu.memory_space<vmem>>, vector<1x16xf32>,
        %get3A_107 = vector.shape_cast %get3A_106 : vector<1x16xf32> to vector<16xf32>
        %get3A_108 = arith.index_cast %scan3A_103 : i32 to index
        %get3A_109 = arith.constant 0 : index
        %get3A_110 = tpu.vector_load %arg12[%get3A_108, %get3A_109] {strides = array<i32>} : memref<128x16xf32, #tpu.memory_space<vmem>>, vector<1x16xf32>,
        %get3A_111 = vector.shape_cast %get3A_110 : vector<1x16xf32> to vector<16xf32>
        %add3A_112 = arith.addf %get3A_107, %get3A_111 : vector<16xf32>
        %get3A_113 = arith.index_cast %scan3A_103 : i32 to index
        %get3A_114 = arith.constant 0 : index
        %get3A_115 = tpu.vector_load %arg13[%get3A_113, %get3A_114] {strides = array<i32>} : memref<128x16xf32, #tpu.memory_space<vmem>>, vector<1x16xf32>,
        %get3A_116 = vector.shape_cast %get3A_115 : vector<1x16xf32> to vector<16xf32>
        %add3A_117 = arith.addf %add3A_112, %get3A_116 : vector<16xf32>
        %max3A_118 = arith.constant 0.000000e+00 : f32
        %max3A_119 = vector.broadcast %max3A_118 : f32 to vector<16xf32>
        %max3A_120 = arith.maximumf %add3A_117, %max3A_119 : vector<16xf32>
        %swap3A_121 = arith.index_cast %scan3A_103 : i32 to index
        %swap3A_122 = arith.constant 0 : index
        %swap3A_123 = tpu.vector_load %arg14[%swap3A_121, %swap3A_122] {strides = array<i32>} : memref<128x16xf32, #tpu.memory_space<vmem>>, vector<1x16xf32>,
        %swap3A_124 = vector.shape_cast %swap3A_123 : vector<1x16xf32> to vector<16xf32>
        %swap3A_125 = vector.shape_cast %max3A_120 : vector<16xf32> to vector<1x16xf32>
        tpu.vector_store %arg14[%swap3A_121, %swap3A_122], %swap3A_125 {strides = array<i32>} : memref<128x16xf32, #tpu.memory_space<vmem>>, vector<1x16xf32>,
        %scan3A_126 = arith.constant 0 : i32
        %scan3A_127 = arith.constant 2 : i32
        %scan3A_128 = arith.addi %scan3A_80, %scan3A_127 : i32
        %get3A_129 = arith.index_cast %scan3A_128 : i32 to index
        %get3A_130 = arith.constant 0 : index
        %get3A_131 = tpu.vector_load %arg11[%get3A_129, %get3A_130] {strides = array<i32>} : memref<128x16xf32, #tpu.memory_space<vmem>>, vector<1x16xf32>,
        %get3A_132 = vector.shape_cast %get3A_131 : vector<1x16xf32> to vector<16xf32>
        %get3A_133 = arith.index_cast %scan3A_128 : i32 to index
        %get3A_134 = arith.constant 0 : index
        %get3A_135 = tpu.vector_load %arg12[%get3A_133, %get3A_134] {strides = array<i32>} : memref<128x16xf32, #tpu.memory_space<vmem>>, vector<1x16xf32>,
        %get3A_136 = vector.shape_cast %get3A_135 : vector<1x16xf32> to vector<16xf32>
        %add3A_137 = arith.addf %get3A_132, %get3A_136 : vector<16xf32>
        %get3A_138 = arith.index_cast %scan3A_128 : i32 to index
        %get3A_139 = arith.constant 0 : index
        %get3A_140 = tpu.vector_load %arg13[%get3A_138, %get3A_139] {strides = array<i32>} : memref<128x16xf32, #tpu.memory_space<vmem>>, vector<1x16xf32>,
        %get3A_141 = vector.shape_cast %get3A_140 : vector<1x16xf32> to vector<16xf32>
        %add3A_142 = arith.addf %add3A_137, %get3A_141 : vector<16xf32>
        %max3A_143 = arith.constant 0.000000e+00 : f32
        %max3A_144 = vector.broadcast %max3A_143 : f32 to vector<16xf32>
        %max3A_145 = arith.maximumf %add3A_142, %max3A_144 : vector<16xf32>
        %swap3A_146 = arith.index_cast %scan3A_128 : i32 to index
        %swap3A_147 = arith.constant 0 : index
        %swap3A_148 = tpu.vector_load %arg14[%swap3A_146, %swap3A_147] {strides = array<i32>} : memref<128x16xf32, #tpu.memory_space<vmem>>, vector<1x16xf32>,
        %swap3A_149 = vector.shape_cast %swap3A_148 : vector<1x16xf32> to vector<16xf32>
        %swap3A_150 = vector.shape_cast %max3A_145 : vector<16xf32> to vector<1x16xf32>
        tpu.vector_store %arg14[%swap3A_146, %swap3A_147], %swap3A_150 {strides = array<i32>} : memref<128x16xf32, #tpu.memory_space<vmem>>, vector<1x16xf32>,
        %scan3A_151 = arith.constant 0 : i32
        %scan3A_152 = arith.constant 3 : i32
        %scan3A_153 = arith.addi %scan3A_80, %scan3A_152 : i32
        %get3A_154 = arith.index_cast %scan3A_153 : i32 to index
        %get3A_155 = arith.constant 0 : index
        %get3A_156 = tpu.vector_load %arg11[%get3A_154, %get3A_155] {strides = array<i32>} : memref<128x16xf32, #tpu.memory_space<vmem>>, vector<1x16xf32>,
        %get3A_157 = vector.shape_cast %get3A_156 : vector<1x16xf32> to vector<16xf32>
        %get3A_158 = arith.index_cast %scan3A_153 : i32 to index
        %get3A_159 = arith.constant 0 : index
        %get3A_160 = tpu.vector_load %arg12[%get3A_158, %get3A_159] {strides = array<i32>} : memref<128x16xf32, #tpu.memory_space<vmem>>, vector<1x16xf32>,
        %get3A_161 = vector.shape_cast %get3A_160 : vector<1x16xf32> to vector<16xf32>
        %add3A_162 = arith.addf %get3A_157, %get3A_161 : vector<16xf32>
        %get3A_163 = arith.index_cast %scan3A_153 : i32 to index
        %get3A_164 = arith.constant 0 : index
        %get3A_165 = tpu.vector_load %arg13[%get3A_163, %get3A_164] {strides = array<i32>} : memref<128x16xf32, #tpu.memory_space<vmem>>, vector<1x16xf32>,
        %get3A_166 = vector.shape_cast %get3A_165 : vector<1x16xf32> to vector<16xf32>
        %add3A_167 = arith.addf %add3A_162, %get3A_166 : vector<16xf32>
        %max3A_168 = arith.constant 0.000000e+00 : f32
        %max3A_169 = vector.broadcast %max3A_168 : f32 to vector<16xf32>
        %max3A_170 = arith.maximumf %add3A_167, %max3A_169 : vector<16xf32>
        %swap3A_171 = arith.index_cast %scan3A_153 : i32 to index
        %swap3A_172 = arith.constant 0 : index
        %swap3A_173 = tpu.vector_load %arg14[%swap3A_171, %swap3A_172] {strides = array<i32>} : memref<128x16xf32, #tpu.memory_space<vmem>>, vector<1x16xf32>,
        %swap3A_174 = vector.shape_cast %swap3A_173 : vector<1x16xf32> to vector<16xf32>
        %swap3A_175 = vector.shape_cast %max3A_170 : vector<16xf32> to vector<1x16xf32>
        tpu.vector_store %arg14[%swap3A_171, %swap3A_172], %swap3A_175 {strides = array<i32>} : memref<128x16xf32, #tpu.memory_space<vmem>>, vector<1x16xf32>,
        %scan3A_176 = arith.constant 0 : i32
        scf.yield %scan3A_176 : i32
      }
      %scan3A_78 = arith.constant 128 : i32
      "tpu.region"() ({
        %run_scoped3A = tpu.sem_alloc : memref<!tpu.dma_semaphore, #tpu.memory_space<semaphore_mem>>
        %dma_start3A_80 = arith.constant 0 : i32
        %dma_start3A_81 = arith.constant 0 : i32
        %dma_start3A_82 = tpu.memref_slice %arg17[%dma_start3A_80, %dma_start3A_81] : memref<100352x16xf32, #tpu.memory_space<vmem_shared>> -> memref<100352x16xf32, #tpu.memory_space<vmem_shared>>
        tpu.enqueue_indirect_dma source(%arg14 : memref<128x16xf32, #tpu.memory_space<vmem>>) target(%dma_start3A_82 : memref<100352x16xf32, #tpu.memory_space<vmem_shared>>) offsets(%arg9 : memref<128xi32, #tpu.memory_space<vmem>>) semaphore(%run_scoped3A : memref<!tpu.dma_semaphore, #tpu.memory_space<semaphore_mem>>) {add = true}
        %dma_wait3A_83 = arith.constant 0 : i32
        %dma_wait3A_84 = arith.constant 0 : i32
        %dma_wait3A_85 = tpu.memref_slice %arg17[%dma_wait3A_83, %dma_wait3A_84] : memref<100352x16xf32, #tpu.memory_space<vmem_shared>> -> memref<100352x16xf32, #tpu.memory_space<vmem_shared>>
        tpu.wait_indirect_dma semaphore(%run_scoped3A : memref<!tpu.dma_semaphore, #tpu.memory_space<semaphore_mem>>) src(%arg14 : memref<128x16xf32, #tpu.memory_space<vmem>>) dst(%dma_wait3A_85 : memref<100352x16xf32, #tpu.memory_space<vmem_shared>>)
        tpu.yield
      }) : () -> ()
      "tpu.region"() ({
        %run_scoped3A = tpu.sem_alloc : memref<!tpu.dma_semaphore, #tpu.memory_space<semaphore_mem>>
        %dma_start3A_80 = arith.constant 0 : i32
        %dma_start3A_81 = tpu.memref_slice %arg18[%dma_start3A_80] : memref<100352xf32, #tpu.memory_space<vmem_shared>> -> memref<100352xf32, #tpu.memory_space<vmem_shared>>
        tpu.enqueue_indirect_dma source(%arg15 : memref<128xf32, #tpu.memory_space<vmem>>) target(%dma_start3A_81 : memref<100352xf32, #tpu.memory_space<vmem_shared>>) offsets(%arg9 : memref<128xi32, #tpu.memory_space<vmem>>) semaphore(%run_scoped3A : memref<!tpu.dma_semaphore, #tpu.memory_space<semaphore_mem>>) {add = true}
        %dma_wait3A_82 = arith.constant 0 : i32
        %dma_wait3A_83 = tpu.memref_slice %arg18[%dma_wait3A_82] : memref<100352xf32, #tpu.memory_space<vmem_shared>> -> memref<100352xf32, #tpu.memory_space<vmem_shared>>
        tpu.wait_indirect_dma semaphore(%run_scoped3A : memref<!tpu.dma_semaphore, #tpu.memory_space<semaphore_mem>>) src(%arg15 : memref<128xf32, #tpu.memory_space<vmem>>) dst(%dma_wait3A_83 : memref<100352xf32, #tpu.memory_space<vmem_shared>>)
        tpu.yield
      }) : () -> ()
      %scan3A_79 = arith.constant 0 : i32
      scf.yield %scan3A_79 : i32
    }
    %scan3A_45 = arith.constant 391 : i32
    %barrier3A_46 = arith.constant 0 : index
    tpu.barrier barrier_id(%barrier3A_46)
    %mul3A_47 = arith.constant 6272 : i32
    %mul3A_48 = arith.muli %arg1, %mul3A_47 : i32
    "tpu.region"() ({
      %run_scoped3A = tpu.sem_alloc : memref<!tpu.dma_semaphore, #tpu.memory_space<semaphore_mem>>
      %dma_start3A = arith.constant 0 : i32
      %dma_start3A_49 = tpu.memref_slice %arg7[%arg0, %mul3A_48, %dma_start3A] : memref<2x100352x16xf32, #tpu.memory_space<hbm>> -> memref<1x6272x16xf32, #tpu.memory_space<hbm>>
      %dma_start3A_50 = tpu.memref_squeeze %dma_start3A_49 : memref<1x6272x16xf32, #tpu.memory_space<hbm>> -> memref<6272x16xf32, #tpu.memory_space<hbm>>
      %dma_start3A_51 = arith.constant 0 : i32
      %dma_start3A_52 = tpu.memref_slice %arg17[%mul3A_48, %dma_start3A_51] : memref<100352x16xf32, #tpu.memory_space<vmem_shared>> -> memref<6272x16xf32, #tpu.memory_space<vmem_shared>>
      tpu.enqueue_dma source(%dma_start3A_52 : memref<6272x16xf32, #tpu.memory_space<vmem_shared>>) target(%dma_start3A_50 : memref<6272x16xf32, #tpu.memory_space<hbm>>) target_semaphore(%run_scoped3A : memref<!tpu.dma_semaphore, #tpu.memory_space<semaphore_mem>>)
      %dma_wait3A = arith.constant 0 : i32
      %dma_wait3A_53 = tpu.memref_slice %arg7[%arg0, %mul3A_48, %dma_wait3A] : memref<2x100352x16xf32, #tpu.memory_space<hbm>> -> memref<1x6272x16xf32, #tpu.memory_space<hbm>>
      %dma_wait3A_54 = tpu.memref_squeeze %dma_wait3A_53 : memref<1x6272x16xf32, #tpu.memory_space<hbm>> -> memref<6272x16xf32, #tpu.memory_space<hbm>>
      %dma_wait3A_55 = arith.constant 0 : i32
      %dma_wait3A_56 = tpu.memref_slice %arg17[%mul3A_48, %dma_wait3A_55] : memref<100352x16xf32, #tpu.memory_space<vmem_shared>> -> memref<6272x16xf32, #tpu.memory_space<vmem_shared>>
      tpu.wait_dma2 semaphore(%run_scoped3A : memref<!tpu.dma_semaphore, #tpu.memory_space<semaphore_mem>>) src(%dma_wait3A_56 : memref<6272x16xf32, #tpu.memory_space<vmem_shared>>) dst(%dma_wait3A_54 : memref<6272x16xf32, #tpu.memory_space<hbm>>)
      tpu.yield
    }) : () -> ()
    "tpu.region"() ({
      %run_scoped3A = tpu.sem_alloc : memref<!tpu.dma_semaphore, #tpu.memory_space<semaphore_mem>>
      %dma_start3A = tpu.memref_slice %arg8[%arg0, %mul3A_48] : memref<2x100352xf32, #tpu.memory_space<hbm>> -> memref<1x6272xf32, #tpu.memory_space<hbm>>
      %dma_start3A_49 = tpu.memref_squeeze %dma_start3A : memref<1x6272xf32, #tpu.memory_space<hbm>> -> memref<6272xf32, #tpu.memory_space<hbm>>
      %dma_start3A_50 = tpu.memref_slice %arg18[%mul3A_48] : memref<100352xf32, #tpu.memory_space<vmem_shared>> -> memref<6272xf32, #tpu.memory_space<vmem_shared>>
      tpu.enqueue_dma source(%dma_start3A_50 : memref<6272xf32, #tpu.memory_space<vmem_shared>>) target(%dma_start3A_49 : memref<6272xf32, #tpu.memory_space<hbm>>) target_semaphore(%run_scoped3A : memref<!tpu.dma_semaphore, #tpu.memory_space<semaphore_mem>>)
      %dma_wait3A = tpu.memref_slice %arg8[%arg0, %mul3A_48] : memref<2x100352xf32, #tpu.memory_space<hbm>> -> memref<1x6272xf32, #tpu.memory_space<hbm>>
      %dma_wait3A_51 = tpu.memref_squeeze %dma_wait3A : memref<1x6272xf32, #tpu.memory_space<hbm>> -> memref<6272xf32, #tpu.memory_space<hbm>>
      %dma_wait3A_52 = tpu.memref_slice %arg18[%mul3A_48] : memref<100352xf32, #tpu.memory_space<vmem_shared>> -> memref<6272xf32, #tpu.memory_space<vmem_shared>>
      tpu.wait_dma2 semaphore(%run_scoped3A : memref<!tpu.dma_semaphore, #tpu.memory_space<semaphore_mem>>) src(%dma_wait3A_52 : memref<6272xf32, #tpu.memory_space<vmem_shared>>) dst(%dma_wait3A_51 : memref<6272xf32, #tpu.memory_space<hbm>>)
      tpu.yield
    }) : () -> ()
    return
  }
}

module attributes {stable_mosaic.version = 14 : i64} {
  func.func @_prep_kbody(%arg0: i32, %arg1: memref<1024x4xf32, #tpu.memory_space<vmem>>, %arg2: memref<1024x6xf32, #tpu.memory_space<vmem>>, %arg3: memref<1024x1xf32, #tpu.memory_space<vmem>>, %arg4: memref<11x16xf32, #tpu.memory_space<vmem>>, %arg5: memref<11x16xf32, #tpu.memory_space<vmem>>, %arg6: memref<1x16xf32, #tpu.memory_space<vmem>>, %arg7: memref<1024x16xf32, #tpu.memory_space<vmem>>, %arg8: memref<1024x16xf32, #tpu.memory_space<vmem>>) attributes {dimension_semantics = [#tpu.dimension_semantics<arbitrary>], iteration_bounds = array<i64: 98>, scalar_prefetch = 0 : i64, scratch_operands = 0 : i64, tpu.core_type = #tpu.core_type<tc>, window_params = [{transform_indices = @transform_0, window_bounds = array<i64: 1024, 4>}, {transform_indices = @transform_1, window_bounds = array<i64: 1024, 6>}, {transform_indices = @transform_2, window_bounds = array<i64: 1024, 1>}, {pipeline_mode = #tpu.pipeline_mode<synchronous>, transform_indices = @transform_3, window_bounds = array<i64: 11, 16>}, {pipeline_mode = #tpu.pipeline_mode<synchronous>, transform_indices = @transform_4, window_bounds = array<i64: 11, 16>}, {pipeline_mode = #tpu.pipeline_mode<synchronous>, transform_indices = @transform_5, window_bounds = array<i64: 1, 16>}, {transform_indices = @transform_6, window_bounds = array<i64: 1024, 16>}, {transform_indices = @transform_7, window_bounds = array<i64: 1024, 16>}]} {
    %get3A = arith.constant 0 : index
    %get3A_0 = arith.constant 0 : index
    %get3A_1 = vector.load %arg1[%get3A, %get3A_0] : memref<1024x4xf32, #tpu.memory_space<vmem>>, vector<1024x4xf32>
    %get3A_2 = arith.constant 0 : index
    %get3A_3 = arith.constant 0 : index
    %get3A_4 = vector.load %arg2[%get3A_2, %get3A_3] : memref<1024x6xf32, #tpu.memory_space<vmem>>, vector<1024x6xf32>
    %get3A_5 = arith.constant 0 : index
    %get3A_6 = arith.constant 0 : index
    %get3A_7 = vector.load %arg3[%get3A_5, %get3A_6] : memref<1024x1xf32, #tpu.memory_space<vmem>>, vector<1024x1xf32>
    %concatenate3A = tpu.concatenate %get3A_1, %get3A_4, %get3A_7 in 1 : vector<1024x4xf32>, vector<1024x6xf32>, vector<1024x1xf32> -> vector<1024x11xf32>
    %get3A_8 = arith.constant 0 : index
    %get3A_9 = arith.constant 0 : index
    %get3A_10 = vector.load %arg4[%get3A_8, %get3A_9] : memref<11x16xf32, #tpu.memory_space<vmem>>, vector<11x16xf32>
    %dot_general3A = arith.constant dense<0.000000e+00> : vector<1024x16xf32>
    %dot_general3A_11 = tpu.matmul %concatenate3A, %get3A_10, %dot_general3A {dimension_numbers = #tpu.dot_dimension_numbers<[1], [0], [0], [1], [0, 0, 1, 1], [], []>, precision = #tpu.contract_precision<fp32>, transpose_lhs_hint = false} : vector<1024x11xf32>, vector<11x16xf32>, vector<1024x16xf32> -> vector<1024x16xf32>
    %get3A_12 = arith.constant 0 : index
    %get3A_13 = arith.constant 0 : index
    %get3A_14 = vector.load %arg6[%get3A_12, %get3A_13] : memref<1x16xf32, #tpu.memory_space<vmem>>, vector<1x16xf32>
    %add3A = vector.broadcast %get3A_14 : vector<1x16xf32> to vector<1024x16xf32>
    %add3A_15 = arith.addf %dot_general3A_11, %add3A : vector<1024x16xf32>
    %swap3A = arith.constant 0 : index
    %swap3A_16 = arith.constant 0 : index
    %swap3A_17 = vector.load %arg7[%swap3A, %swap3A_16] : memref<1024x16xf32, #tpu.memory_space<vmem>>, vector<1024x16xf32>
    tpu.vector_store %arg7[%swap3A, %swap3A_16], %add3A_15 {strides = array<i32>} : memref<1024x16xf32, #tpu.memory_space<vmem>>, vector<1024x16xf32>,
    %get3A_18 = arith.constant 0 : index
    %get3A_19 = arith.constant 0 : index
    %get3A_20 = vector.load %arg5[%get3A_18, %get3A_19] : memref<11x16xf32, #tpu.memory_space<vmem>>, vector<11x16xf32>
    %dot_general3A_21 = arith.constant dense<0.000000e+00> : vector<1024x16xf32>
    %dot_general3A_22 = tpu.matmul %concatenate3A, %get3A_20, %dot_general3A_21 {dimension_numbers = #tpu.dot_dimension_numbers<[1], [0], [0], [1], [0, 0, 1, 1], [], []>, precision = #tpu.contract_precision<fp32>, transpose_lhs_hint = false} : vector<1024x11xf32>, vector<11x16xf32>, vector<1024x16xf32> -> vector<1024x16xf32>
    %swap3A_23 = arith.constant 0 : index
    %swap3A_24 = arith.constant 0 : index
    %swap3A_25 = vector.load %arg8[%swap3A_23, %swap3A_24] : memref<1024x16xf32, #tpu.memory_space<vmem>>, vector<1024x16xf32>
    tpu.vector_store %arg8[%swap3A_23, %swap3A_24], %dot_general3A_22 {strides = array<i32>} : memref<1024x16xf32, #tpu.memory_space<vmem>>, vector<1024x16xf32>,
    return
  }
  func.func @transform_0(%arg0: i32) -> (i32, i32) {
    %c0_i32 = arith.constant 0 : i32
    %c0_i32_0 = arith.constant 0 : i32
    return %arg0, %c0_i32 : i32, i32
  }
  func.func @transform_1(%arg0: i32) -> (i32, i32) {
    %c0_i32 = arith.constant 0 : i32
    %c0_i32_0 = arith.constant 0 : i32
    return %arg0, %c0_i32 : i32, i32
  }
  func.func @transform_2(%arg0: i32) -> (i32, i32) {
    %c0_i32 = arith.constant 0 : i32
    %c0_i32_0 = arith.constant 0 : i32
    return %arg0, %c0_i32 : i32, i32
  }
  func.func @transform_3(%arg0: i32) -> (i32, i32) {
    %c0_i32 = arith.constant 0 : i32
    %c0_i32_0 = arith.constant 0 : i32
    %c0_i32_1 = arith.constant 0 : i32
    return %c0_i32, %c0_i32_0 : i32, i32
  }
  func.func @transform_4(%arg0: i32) -> (i32, i32) {
    %c0_i32 = arith.constant 0 : i32
    %c0_i32_0 = arith.constant 0 : i32
    %c0_i32_1 = arith.constant 0 : i32
    return %c0_i32, %c0_i32_0 : i32, i32
  }
  func.func @transform_5(%arg0: i32) -> (i32, i32) {
    %c0_i32 = arith.constant 0 : i32
    %c0_i32_0 = arith.constant 0 : i32
    %c0_i32_1 = arith.constant 0 : i32
    return %c0_i32, %c0_i32_0 : i32, i32
  }
  func.func @transform_6(%arg0: i32) -> (i32, i32) {
    %c0_i32 = arith.constant 0 : i32
    %c0_i32_0 = arith.constant 0 : i32
    return %arg0, %c0_i32 : i32, i32
  }
  func.func @transform_7(%arg0: i32) -> (i32, i32) {
    %c0_i32 = arith.constant 0 : i32
    %c0_i32_0 = arith.constant 0 : i32
    return %arg0, %c0_i32 : i32, i32
  }
}

module attributes {stable_mosaic.version = 14 : i64} {
  func.func @_eproj_kbody(%arg0: i32, %arg1: memref<4096x4xf32, #tpu.memory_space<vmem>>, %arg2: memref<4x16xf32, #tpu.memory_space<vmem>>, %arg3: memref<4096x16xf32, #tpu.memory_space<vmem>>) attributes {dimension_semantics = [#tpu.dimension_semantics<arbitrary>], iteration_bounds = array<i64: 391>, scalar_prefetch = 0 : i64, scratch_operands = 0 : i64, tpu.core_type = #tpu.core_type<tc>, window_params = [{transform_indices = @transform_0, window_bounds = array<i64: 4096, 4>}, {pipeline_mode = #tpu.pipeline_mode<synchronous>, transform_indices = @transform_1, window_bounds = array<i64: 4, 16>}, {transform_indices = @transform_2, window_bounds = array<i64: 4096, 16>}]} {
    %get3A = arith.constant 0 : index
    %get3A_0 = arith.constant 0 : index
    %get3A_1 = vector.load %arg1[%get3A, %get3A_0] : memref<4096x4xf32, #tpu.memory_space<vmem>>, vector<4096x4xf32>
    %get3A_2 = arith.constant 0 : index
    %get3A_3 = arith.constant 0 : index
    %get3A_4 = vector.load %arg2[%get3A_2, %get3A_3] : memref<4x16xf32, #tpu.memory_space<vmem>>, vector<4x16xf32>
    %dot_general3A = arith.constant dense<0.000000e+00> : vector<4096x16xf32>
    %dot_general3A_5 = tpu.matmul %get3A_1, %get3A_4, %dot_general3A {dimension_numbers = #tpu.dot_dimension_numbers<[1], [0], [0], [1], [0, 0, 1, 1], [], []>, precision = #tpu.contract_precision<fp32>, transpose_lhs_hint = false} : vector<4096x4xf32>, vector<4x16xf32>, vector<4096x16xf32> -> vector<4096x16xf32>
    %swap3A = arith.constant 0 : index
    %swap3A_6 = arith.constant 0 : index
    %swap3A_7 = vector.load %arg3[%swap3A, %swap3A_6] : memref<4096x16xf32, #tpu.memory_space<vmem>>, vector<4096x16xf32>
    tpu.vector_store %arg3[%swap3A, %swap3A_6], %dot_general3A_5 {strides = array<i32>} : memref<4096x16xf32, #tpu.memory_space<vmem>>, vector<4096x16xf32>,
    return
  }
  func.func @transform_0(%arg0: i32) -> (i32, i32) {
    %c0_i32 = arith.constant 0 : i32
    %c0_i32_0 = arith.constant 0 : i32
    return %arg0, %c0_i32 : i32, i32
  }
  func.func @transform_1(%arg0: i32) -> (i32, i32) {
    %c0_i32 = arith.constant 0 : i32
    %c0_i32_0 = arith.constant 0 : i32
    %c0_i32_1 = arith.constant 0 : i32
    return %c0_i32, %c0_i32_0 : i32, i32
  }
  func.func @transform_2(%arg0: i32) -> (i32, i32) {
    %c0_i32 = arith.constant 0 : i32
    %c0_i32_0 = arith.constant 0 : i32
    return %arg0, %c0_i32 : i32, i32
  }
}

module attributes {stable_mosaic.version = 14 : i64} {
  func.func @_mid_kbody(%arg0: i32, %arg1: memref<2x1024x16xf32, #tpu.memory_space<vmem>>, %arg2: memref<2x1024xf32, #tpu.memory_space<vmem>>, %arg3: memref<16x16xf32, #tpu.memory_space<vmem>>, %arg4: memref<1x16xf32, #tpu.memory_space<vmem>>, %arg5: memref<16x16xf32, #tpu.memory_space<vmem>>, %arg6: memref<16x16xf32, #tpu.memory_space<vmem>>, %arg7: memref<1024x16xf32, #tpu.memory_space<vmem>>, %arg8: memref<1024x16xf32, #tpu.memory_space<vmem>>) attributes {dimension_semantics = [#tpu.dimension_semantics<arbitrary>], iteration_bounds = array<i64: 98>, scalar_prefetch = 0 : i64, scratch_operands = 0 : i64, tpu.core_type = #tpu.core_type<tc>, window_params = [{transform_indices = @transform_0, window_bounds = array<i64: 2, 1024, 16>}, {transform_indices = @transform_1, window_bounds = array<i64: 2, 1024>}, {pipeline_mode = #tpu.pipeline_mode<synchronous>, transform_indices = @transform_2, window_bounds = array<i64: 16, 16>}, {pipeline_mode = #tpu.pipeline_mode<synchronous>, transform_indices = @transform_3, window_bounds = array<i64: 1, 16>}, {pipeline_mode = #tpu.pipeline_mode<synchronous>, transform_indices = @transform_4, window_bounds = array<i64: 16, 16>}, {pipeline_mode = #tpu.pipeline_mode<synchronous>, transform_indices = @transform_5, window_bounds = array<i64: 16, 16>}, {transform_indices = @transform_6, window_bounds = array<i64: 1024, 16>}, {transform_indices = @transform_7, window_bounds = array<i64: 1024, 16>}]} {
    %get3A = arith.constant 0 : index
    %get3A_0 = arith.constant 0 : index
    %get3A_1 = arith.constant 0 : index
    %get3A_2 = vector.load %arg1[%get3A, %get3A_0, %get3A_1] : memref<2x1024x16xf32, #tpu.memory_space<vmem>>, vector<1x1024x16xf32>
    %get3A_3 = vector.shape_cast %get3A_2 : vector<1x1024x16xf32> to vector<1024x16xf32>
    %get3A_4 = arith.constant 1 : index
    %get3A_5 = arith.constant 0 : index
    %get3A_6 = arith.constant 0 : index
    %get3A_7 = vector.load %arg1[%get3A_4, %get3A_5, %get3A_6] : memref<2x1024x16xf32, #tpu.memory_space<vmem>>, vector<1x1024x16xf32>
    %get3A_8 = vector.shape_cast %get3A_7 : vector<1x1024x16xf32> to vector<1024x16xf32>
    %add3A = arith.addf %get3A_3, %get3A_8 : vector<1024x16xf32>
    %get3A_9 = arith.constant 0 : index
    %get3A_10 = arith.constant 0 : index
    %get3A_11 = vector.load %arg2[%get3A_9, %get3A_10] : memref<2x1024xf32, #tpu.memory_space<vmem>>, vector<1x1024xf32>
    %get3A_12 = vector.shape_cast %get3A_11 : vector<1x1024xf32> to vector<1024xf32>
    %get3A_13 = arith.constant 1 : index
    %get3A_14 = arith.constant 0 : index
    %get3A_15 = vector.load %arg2[%get3A_13, %get3A_14] : memref<2x1024xf32, #tpu.memory_space<vmem>>, vector<1x1024xf32>
    %get3A_16 = vector.shape_cast %get3A_15 : vector<1x1024xf32> to vector<1024xf32>
    %add3A_17 = arith.addf %get3A_12, %get3A_16 : vector<1024xf32>
    %get3A_18 = arith.constant 0 : index
    %get3A_19 = arith.constant 0 : index
    %get3A_20 = vector.load %arg3[%get3A_18, %get3A_19] : memref<16x16xf32, #tpu.memory_space<vmem>>, vector<16x16xf32>
    %dot_general3A = arith.constant dense<0.000000e+00> : vector<1024x16xf32>
    %dot_general3A_21 = tpu.matmul %add3A, %get3A_20, %dot_general3A {dimension_numbers = #tpu.dot_dimension_numbers<[1], [0], [0], [1], [0, 0, 1, 1], [], []>, precision = #tpu.contract_precision<fp32>, transpose_lhs_hint = false} : vector<1024x16xf32>, vector<16x16xf32>, vector<1024x16xf32> -> vector<1024x16xf32>
    %broadcast_in_dim3A = vector.shape_cast %add3A_17 : vector<1024xf32> to vector<1024x1xf32>
    %get3A_22 = arith.constant 0 : index
    %get3A_23 = arith.constant 0 : index
    %get3A_24 = vector.load %arg4[%get3A_22, %get3A_23] : memref<1x16xf32, #tpu.memory_space<vmem>>, vector<1x16xf32>
    %mul3A = vector.broadcast %broadcast_in_dim3A : vector<1024x1xf32> to vector<1024x16xf32>
    %mul3A_25 = vector.broadcast %get3A_24 : vector<1x16xf32> to vector<1024x16xf32>
    %mul3A_26 = arith.mulf %mul3A, %mul3A_25 : vector<1024x16xf32>
    %add3A_27 = arith.addf %dot_general3A_21, %mul3A_26 : vector<1024x16xf32>
    %get3A_28 = arith.constant 0 : index
    %get3A_29 = arith.constant 0 : index
    %get3A_30 = vector.load %arg5[%get3A_28, %get3A_29] : memref<16x16xf32, #tpu.memory_space<vmem>>, vector<16x16xf32>
    %dot_general3A_31 = arith.constant dense<0.000000e+00> : vector<1024x16xf32>
    %dot_general3A_32 = tpu.matmul %add3A_27, %get3A_30, %dot_general3A_31 {dimension_numbers = #tpu.dot_dimension_numbers<[1], [0], [0], [1], [0, 0, 1, 1], [], []>, precision = #tpu.contract_precision<fp32>, transpose_lhs_hint = false} : vector<1024x16xf32>, vector<16x16xf32>, vector<1024x16xf32> -> vector<1024x16xf32>
    %swap3A = arith.constant 0 : index
    %swap3A_33 = arith.constant 0 : index
    %swap3A_34 = vector.load %arg7[%swap3A, %swap3A_33] : memref<1024x16xf32, #tpu.memory_space<vmem>>, vector<1024x16xf32>
    tpu.vector_store %arg7[%swap3A, %swap3A_33], %dot_general3A_32 {strides = array<i32>} : memref<1024x16xf32, #tpu.memory_space<vmem>>, vector<1024x16xf32>,
    %get3A_35 = arith.constant 0 : index
    %get3A_36 = arith.constant 0 : index
    %get3A_37 = vector.load %arg6[%get3A_35, %get3A_36] : memref<16x16xf32, #tpu.memory_space<vmem>>, vector<16x16xf32>
    %dot_general3A_38 = arith.constant dense<0.000000e+00> : vector<1024x16xf32>
    %dot_general3A_39 = tpu.matmul %add3A_27, %get3A_37, %dot_general3A_38 {dimension_numbers = #tpu.dot_dimension_numbers<[1], [0], [0], [1], [0, 0, 1, 1], [], []>, precision = #tpu.contract_precision<fp32>, transpose_lhs_hint = false} : vector<1024x16xf32>, vector<16x16xf32>, vector<1024x16xf32> -> vector<1024x16xf32>
    %swap3A_40 = arith.constant 0 : index
    %swap3A_41 = arith.constant 0 : index
    %swap3A_42 = vector.load %arg8[%swap3A_40, %swap3A_41] : memref<1024x16xf32, #tpu.memory_space<vmem>>, vector<1024x16xf32>
    tpu.vector_store %arg8[%swap3A_40, %swap3A_41], %dot_general3A_39 {strides = array<i32>} : memref<1024x16xf32, #tpu.memory_space<vmem>>, vector<1024x16xf32>,
    return
  }
  func.func @transform_0(%arg0: i32) -> (i32, i32, i32) {
    %c0_i32 = arith.constant 0 : i32
    %c0_i32_0 = arith.constant 0 : i32
    %c0_i32_1 = arith.constant 0 : i32
    return %c0_i32, %arg0, %c0_i32_0 : i32, i32, i32
  }
  func.func @transform_1(%arg0: i32) -> (i32, i32) {
    %c0_i32 = arith.constant 0 : i32
    %c0_i32_0 = arith.constant 0 : i32
    return %c0_i32, %arg0 : i32, i32
  }
  func.func @transform_2(%arg0: i32) -> (i32, i32) {
    %c0_i32 = arith.constant 0 : i32
    %c0_i32_0 = arith.constant 0 : i32
    %c0_i32_1 = arith.constant 0 : i32
    return %c0_i32, %c0_i32_0 : i32, i32
  }
  func.func @transform_3(%arg0: i32) -> (i32, i32) {
    %c0_i32 = arith.constant 0 : i32
    %c0_i32_0 = arith.constant 0 : i32
    %c0_i32_1 = arith.constant 0 : i32
    return %c0_i32, %c0_i32_0 : i32, i32
  }
  func.func @transform_4(%arg0: i32) -> (i32, i32) {
    %c0_i32 = arith.constant 0 : i32
    %c0_i32_0 = arith.constant 0 : i32
    %c0_i32_1 = arith.constant 0 : i32
    return %c0_i32, %c0_i32_0 : i32, i32
  }
  func.func @transform_5(%arg0: i32) -> (i32, i32) {
    %c0_i32 = arith.constant 0 : i32
    %c0_i32_0 = arith.constant 0 : i32
    %c0_i32_1 = arith.constant 0 : i32
    return %c0_i32, %c0_i32_0 : i32, i32
  }
  func.func @transform_6(%arg0: i32) -> (i32, i32) {
    %c0_i32 = arith.constant 0 : i32
    %c0_i32_0 = arith.constant 0 : i32
    return %arg0, %c0_i32 : i32, i32
  }
  func.func @transform_7(%arg0: i32) -> (i32, i32) {
    %c0_i32 = arith.constant 0 : i32
    %c0_i32_0 = arith.constant 0 : i32
    return %arg0, %c0_i32 : i32, i32
  }
}

module attributes {stable_mosaic.version = 14 : i64} {
  func.func @_post_kbody(%arg0: i32, %arg1: memref<1024x16xf32, #tpu.memory_space<vmem>>, %arg2: memref<2x1024x16xf32, #tpu.memory_space<vmem>>, %arg3: memref<1x16xf32, #tpu.memory_space<vmem>>, %arg4: memref<16x2xf32, #tpu.memory_space<vmem>>, %arg5: memref<1x2xf32, #tpu.memory_space<vmem>>, %arg6: memref<1024x4xf32, #tpu.memory_space<vmem>>, %arg7: memref<1024x1xf32, #tpu.memory_space<vmem>>, %arg8: memref<1024x1xf32, #tpu.memory_space<vmem>>, %arg9: memref<1024x6xf32, #tpu.memory_space<vmem>>, %arg10: memref<11x16xf32, #tpu.memory_space<vmem>>, %arg11: memref<11x16xf32, #tpu.memory_space<vmem>>, %arg12: memref<1x16xf32, #tpu.memory_space<vmem>>, %arg13: memref<1x2xf32, #tpu.memory_space<vmem>>, %arg14: memref<1024x2xf32, #tpu.memory_space<vmem>>, %arg15: memref<1024x4xf32, #tpu.memory_space<vmem>>, %arg16: memref<1024x16xf32, #tpu.memory_space<vmem>>, %arg17: memref<1024x16xf32, #tpu.memory_space<vmem>>) attributes {dimension_semantics = [#tpu.dimension_semantics<arbitrary>], iteration_bounds = array<i64: 98>, scalar_prefetch = 0 : i64, scratch_operands = 0 : i64, tpu.core_type = #tpu.core_type<tc>, window_params = [{transform_indices = @transform_0, window_bounds = array<i64: 1024, 16>}, {transform_indices = @transform_1, window_bounds = array<i64: 2, 1024, 16>}, {pipeline_mode = #tpu.pipeline_mode<synchronous>, transform_indices = @transform_2, window_bounds = array<i64: 1, 16>}, {pipeline_mode = #tpu.pipeline_mode<synchronous>, transform_indices = @transform_3, window_bounds = array<i64: 16, 2>}, {pipeline_mode = #tpu.pipeline_mode<synchronous>, transform_indices = @transform_4, window_bounds = array<i64: 1, 2>}, {transform_indices = @transform_5, window_bounds = array<i64: 1024, 4>}, {transform_indices = @transform_6, window_bounds = array<i64: 1024, 1>}, {transform_indices = @transform_7, window_bounds = array<i64: 1024, 1>}, {transform_indices = @transform_8, window_bounds = array<i64: 1024, 6>}, {pipeline_mode = #tpu.pipeline_mode<synchronous>, transform_indices = @transform_9, window_bounds = array<i64: 11, 16>}, {pipeline_mode = #tpu.pipeline_mode<synchronous>, transform_indices = @transform_10, window_bounds = array<i64: 11, 16>}, {pipeline_mode = #tpu.pipeline_mode<synchronous>, transform_indices = @transform_11, window_bounds = array<i64: 1, 16>}, {pipeline_mode = #tpu.pipeline_mode<synchronous>, transform_indices = @transform_12, window_bounds = array<i64: 1, 2>}, {transform_indices = @transform_13, window_bounds = array<i64: 1024, 2>}, {transform_indices = @transform_14, window_bounds = array<i64: 1024, 4>}, {transform_indices = @transform_15, window_bounds = array<i64: 1024, 16>}, {transform_indices = @transform_16, window_bounds = array<i64: 1024, 16>}]} {
    %get3A = arith.constant 0 : index
    %get3A_0 = arith.constant 0 : index
    %get3A_1 = vector.load %arg1[%get3A, %get3A_0] : memref<1024x16xf32, #tpu.memory_space<vmem>>, vector<1024x16xf32>
    %get3A_2 = arith.constant 0 : index
    %get3A_3 = arith.constant 0 : index
    %get3A_4 = arith.constant 0 : index
    %get3A_5 = vector.load %arg2[%get3A_2, %get3A_3, %get3A_4] : memref<2x1024x16xf32, #tpu.memory_space<vmem>>, vector<1x1024x16xf32>
    %get3A_6 = vector.shape_cast %get3A_5 : vector<1x1024x16xf32> to vector<1024x16xf32>
    %add3A = arith.addf %get3A_1, %get3A_6 : vector<1024x16xf32>
    %get3A_7 = arith.constant 1 : index
    %get3A_8 = arith.constant 0 : index
    %get3A_9 = arith.constant 0 : index
    %get3A_10 = vector.load %arg2[%get3A_7, %get3A_8, %get3A_9] : memref<2x1024x16xf32, #tpu.memory_space<vmem>>, vector<1x1024x16xf32>
    %get3A_11 = vector.shape_cast %get3A_10 : vector<1x1024x16xf32> to vector<1024x16xf32>
    %add3A_12 = arith.addf %add3A, %get3A_11 : vector<1024x16xf32>
    %get3A_13 = arith.constant 0 : index
    %get3A_14 = arith.constant 0 : index
    %get3A_15 = vector.load %arg3[%get3A_13, %get3A_14] : memref<1x16xf32, #tpu.memory_space<vmem>>, vector<1x16xf32>
    %add3A_16 = vector.broadcast %get3A_15 : vector<1x16xf32> to vector<1024x16xf32>
    %add3A_17 = arith.addf %add3A_12, %add3A_16 : vector<1024x16xf32>
    %max3A = arith.constant 0.000000e+00 : f32
    %max3A_18 = vector.broadcast %max3A : f32 to vector<1024x16xf32>
    %max3A_19 = arith.maximumf %add3A_17, %max3A_18 : vector<1024x16xf32>
    %get3A_20 = arith.constant 0 : index
    %get3A_21 = arith.constant 0 : index
    %get3A_22 = vector.load %arg4[%get3A_20, %get3A_21] : memref<16x2xf32, #tpu.memory_space<vmem>>, vector<16x2xf32>
    %dot_general3A = arith.constant dense<0.000000e+00> : vector<1024x2xf32>
    %dot_general3A_23 = tpu.matmul %max3A_19, %get3A_22, %dot_general3A {dimension_numbers = #tpu.dot_dimension_numbers<[1], [0], [0], [1], [0, 0, 1, 1], [], []>, precision = #tpu.contract_precision<fp32>, transpose_lhs_hint = false} : vector<1024x16xf32>, vector<16x2xf32>, vector<1024x2xf32> -> vector<1024x2xf32>
    %get3A_24 = arith.constant 0 : index
    %get3A_25 = arith.constant 0 : index
    %get3A_26 = vector.load %arg5[%get3A_24, %get3A_25] : memref<1x2xf32, #tpu.memory_space<vmem>>, vector<1x2xf32>
    %add3A_27 = vector.broadcast %get3A_26 : vector<1x2xf32> to vector<1024x2xf32>
    %add3A_28 = arith.addf %dot_general3A_23, %add3A_27 : vector<1024x2xf32>
    %get3A_29 = arith.constant 0 : index
    %get3A_30 = arith.constant 0 : index
    %get3A_31 = vector.load %arg7[%get3A_29, %get3A_30] : memref<1024x1xf32, #tpu.memory_space<vmem>>, vector<1024x1xf32>
    %get3A_32 = arith.constant 0 : index
    %get3A_33 = arith.constant 3 : index
    %get3A_34 = vector.load %arg6[%get3A_32, %get3A_33] : memref<1024x4xf32, #tpu.memory_space<vmem>>, vector<1024x1xf32>
    %sub3A = arith.subf %get3A_34, %get3A_31 : vector<1024x1xf32>
    %mul3A = arith.constant 5.000000e-01 : f32
    %mul3A_35 = vector.broadcast %mul3A : f32 to vector<1024x2xf32>
    %mul3A_36 = arith.mulf %mul3A_35, %add3A_28 : vector<1024x2xf32>
    %mul3A_37 = arith.constant 5.000000e-01 : f32
    %mul3A_38 = vector.broadcast %mul3A_37 : f32 to vector<1024x1xf32>
    %mul3A_39 = arith.mulf %mul3A_38, %sub3A : vector<1024x1xf32>
    %add3A_40 = vector.broadcast %mul3A_39 : vector<1024x1xf32> to vector<1024x2xf32>
    %add3A_41 = arith.addf %mul3A_36, %add3A_40 : vector<1024x2xf32>
    %add3A_42 = vector.broadcast %get3A_31 : vector<1024x1xf32> to vector<1024x2xf32>
    %add3A_43 = arith.addf %add3A_41, %add3A_42 : vector<1024x2xf32>
    %get3A_44 = arith.constant 0 : index
    %get3A_45 = arith.constant 0 : index
    %get3A_46 = vector.load %arg8[%get3A_44, %get3A_45] : memref<1024x1xf32, #tpu.memory_space<vmem>>, vector<1024x1xf32>
    %min3A = vector.broadcast %get3A_46 : vector<1024x1xf32> to vector<1024x2xf32>
    %min3A_47 = arith.minimumf %add3A_43, %min3A : vector<1024x2xf32>
    %max3A_48 = vector.broadcast %get3A_31 : vector<1024x1xf32> to vector<1024x2xf32>
    %max3A_49 = arith.maximumf %min3A_47, %max3A_48 : vector<1024x2xf32>
    %get3A_50 = arith.constant 0 : index
    %get3A_51 = arith.constant 0 : index
    %get3A_52 = vector.load %arg13[%get3A_50, %get3A_51] : memref<1x2xf32, #tpu.memory_space<vmem>>, vector<1x2xf32>
    %mul3A_53 = vector.broadcast %get3A_52 : vector<1x2xf32> to vector<1024x2xf32>
    %mul3A_54 = arith.mulf %max3A_49, %mul3A_53 : vector<1024x2xf32>
    %swap3A = arith.constant 0 : index
    %swap3A_55 = arith.constant 0 : index
    %swap3A_56 = vector.load %arg14[%swap3A, %swap3A_55] : memref<1024x2xf32, #tpu.memory_space<vmem>>, vector<1024x2xf32>
    tpu.vector_store %arg14[%swap3A, %swap3A_55], %mul3A_54 {strides = array<i32>} : memref<1024x2xf32, #tpu.memory_space<vmem>>, vector<1024x2xf32>,
    %get3A_57 = arith.constant 0 : index
    %get3A_58 = arith.constant 2 : index
    %get3A_59 = vector.load %arg6[%get3A_57, %get3A_58] : memref<1024x4xf32, #tpu.memory_space<vmem>>, vector<1024x2xf32>
    %concatenate3A = tpu.concatenate %get3A_59, %min3A_47 in 1 : vector<1024x2xf32>, vector<1024x2xf32> -> vector<1024x4xf32>
    %swap3A_60 = arith.constant 0 : index
    %swap3A_61 = arith.constant 0 : index
    %swap3A_62 = vector.load %arg15[%swap3A_60, %swap3A_61] : memref<1024x4xf32, #tpu.memory_space<vmem>>, vector<1024x4xf32>
    tpu.vector_store %arg15[%swap3A_60, %swap3A_61], %concatenate3A {strides = array<i32>} : memref<1024x4xf32, #tpu.memory_space<vmem>>, vector<1024x4xf32>,
    %get3A_63 = arith.constant 0 : index
    %get3A_64 = arith.constant 0 : index
    %get3A_65 = vector.load %arg9[%get3A_63, %get3A_64] : memref<1024x6xf32, #tpu.memory_space<vmem>>, vector<1024x6xf32>
    %concatenate3A_66 = tpu.concatenate %concatenate3A, %get3A_65, %get3A_31 in 1 : vector<1024x4xf32>, vector<1024x6xf32>, vector<1024x1xf32> -> vector<1024x11xf32>
    %get3A_67 = arith.constant 0 : index
    %get3A_68 = arith.constant 0 : index
    %get3A_69 = vector.load %arg10[%get3A_67, %get3A_68] : memref<11x16xf32, #tpu.memory_space<vmem>>, vector<11x16xf32>
    %dot_general3A_70 = arith.constant dense<0.000000e+00> : vector<1024x16xf32>
    %dot_general3A_71 = tpu.matmul %concatenate3A_66, %get3A_69, %dot_general3A_70 {dimension_numbers = #tpu.dot_dimension_numbers<[1], [0], [0], [1], [0, 0, 1, 1], [], []>, precision = #tpu.contract_precision<fp32>, transpose_lhs_hint = false} : vector<1024x11xf32>, vector<11x16xf32>, vector<1024x16xf32> -> vector<1024x16xf32>
    %get3A_72 = arith.constant 0 : index
    %get3A_73 = arith.constant 0 : index
    %get3A_74 = vector.load %arg12[%get3A_72, %get3A_73] : memref<1x16xf32, #tpu.memory_space<vmem>>, vector<1x16xf32>
    %add3A_75 = vector.broadcast %get3A_74 : vector<1x16xf32> to vector<1024x16xf32>
    %add3A_76 = arith.addf %dot_general3A_71, %add3A_75 : vector<1024x16xf32>
    %swap3A_77 = arith.constant 0 : index
    %swap3A_78 = arith.constant 0 : index
    %swap3A_79 = vector.load %arg16[%swap3A_77, %swap3A_78] : memref<1024x16xf32, #tpu.memory_space<vmem>>, vector<1024x16xf32>
    tpu.vector_store %arg16[%swap3A_77, %swap3A_78], %add3A_76 {strides = array<i32>} : memref<1024x16xf32, #tpu.memory_space<vmem>>, vector<1024x16xf32>,
    %get3A_80 = arith.constant 0 : index
    %get3A_81 = arith.constant 0 : index
    %get3A_82 = vector.load %arg11[%get3A_80, %get3A_81] : memref<11x16xf32, #tpu.memory_space<vmem>>, vector<11x16xf32>
    %dot_general3A_83 = arith.constant dense<0.000000e+00> : vector<1024x16xf32>
    %dot_general3A_84 = tpu.matmul %concatenate3A_66, %get3A_82, %dot_general3A_83 {dimension_numbers = #tpu.dot_dimension_numbers<[1], [0], [0], [1], [0, 0, 1, 1], [], []>, precision = #tpu.contract_precision<fp32>, transpose_lhs_hint = false} : vector<1024x11xf32>, vector<11x16xf32>, vector<1024x16xf32> -> vector<1024x16xf32>
    %swap3A_85 = arith.constant 0 : index
    %swap3A_86 = arith.constant 0 : index
    %swap3A_87 = vector.load %arg17[%swap3A_85, %swap3A_86] : memref<1024x16xf32, #tpu.memory_space<vmem>>, vector<1024x16xf32>
    tpu.vector_store %arg17[%swap3A_85, %swap3A_86], %dot_general3A_84 {strides = array<i32>} : memref<1024x16xf32, #tpu.memory_space<vmem>>, vector<1024x16xf32>,
    return
  }
  func.func @transform_0(%arg0: i32) -> (i32, i32) {
    %c0_i32 = arith.constant 0 : i32
    %c0_i32_0 = arith.constant 0 : i32
    return %arg0, %c0_i32 : i32, i32
  }
  func.func @transform_1(%arg0: i32) -> (i32, i32, i32) {
    %c0_i32 = arith.constant 0 : i32
    %c0_i32_0 = arith.constant 0 : i32
    %c0_i32_1 = arith.constant 0 : i32
    return %c0_i32, %arg0, %c0_i32_0 : i32, i32, i32
  }
  func.func @transform_2(%arg0: i32) -> (i32, i32) {
    %c0_i32 = arith.constant 0 : i32
    %c0_i32_0 = arith.constant 0 : i32
    %c0_i32_1 = arith.constant 0 : i32
    return %c0_i32, %c0_i32_0 : i32, i32
  }
  func.func @transform_3(%arg0: i32) -> (i32, i32) {
    %c0_i32 = arith.constant 0 : i32
    %c0_i32_0 = arith.constant 0 : i32
    %c0_i32_1 = arith.constant 0 : i32
    return %c0_i32, %c0_i32_0 : i32, i32
  }
  func.func @transform_4(%arg0: i32) -> (i32, i32) {
    %c0_i32 = arith.constant 0 : i32
    %c0_i32_0 = arith.constant 0 : i32
    %c0_i32_1 = arith.constant 0 : i32
    return %c0_i32, %c0_i32_0 : i32, i32
  }
  func.func @transform_5(%arg0: i32) -> (i32, i32) {
    %c0_i32 = arith.constant 0 : i32
    %c0_i32_0 = arith.constant 0 : i32
    return %arg0, %c0_i32 : i32, i32
  }
  func.func @transform_6(%arg0: i32) -> (i32, i32) {
    %c0_i32 = arith.constant 0 : i32
    %c0_i32_0 = arith.constant 0 : i32
    return %arg0, %c0_i32 : i32, i32
  }
  func.func @transform_7(%arg0: i32) -> (i32, i32) {
    %c0_i32 = arith.constant 0 : i32
    %c0_i32_0 = arith.constant 0 : i32
    return %arg0, %c0_i32 : i32, i32
  }
  func.func @transform_8(%arg0: i32) -> (i32, i32) {
    %c0_i32 = arith.constant 0 : i32
    %c0_i32_0 = arith.constant 0 : i32
    return %arg0, %c0_i32 : i32, i32
  }
  func.func @transform_9(%arg0: i32) -> (i32, i32) {
    %c0_i32 = arith.constant 0 : i32
    %c0_i32_0 = arith.constant 0 : i32
    %c0_i32_1 = arith.constant 0 : i32
    return %c0_i32, %c0_i32_0 : i32, i32
  }
  func.func @transform_10(%arg0: i32) -> (i32, i32) {
    %c0_i32 = arith.constant 0 : i32
    %c0_i32_0 = arith.constant 0 : i32
    %c0_i32_1 = arith.constant 0 : i32
    return %c0_i32, %c0_i32_0 : i32, i32
  }
  func.func @transform_11(%arg0: i32) -> (i32, i32) {
    %c0_i32 = arith.constant 0 : i32
    %c0_i32_0 = arith.constant 0 : i32
    %c0_i32_1 = arith.constant 0 : i32
    return %c0_i32, %c0_i32_0 : i32, i32
  }
  func.func @transform_12(%arg0: i32) -> (i32, i32) {
    %c0_i32 = arith.constant 0 : i32
    %c0_i32_0 = arith.constant 0 : i32
    %c0_i32_1 = arith.constant 0 : i32
    return %c0_i32, %c0_i32_0 : i32, i32
  }
  func.func @transform_13(%arg0: i32) -> (i32, i32) {
    %c0_i32 = arith.constant 0 : i32
    %c0_i32_0 = arith.constant 0 : i32
    return %arg0, %c0_i32 : i32, i32
  }
  func.func @transform_14(%arg0: i32) -> (i32, i32) {
    %c0_i32 = arith.constant 0 : i32
    %c0_i32_0 = arith.constant 0 : i32
    return %arg0, %c0_i32 : i32, i32
  }
  func.func @transform_15(%arg0: i32) -> (i32, i32) {
    %c0_i32 = arith.constant 0 : i32
    %c0_i32_0 = arith.constant 0 : i32
    return %arg0, %c0_i32 : i32, i32
  }
  func.func @transform_16(%arg0: i32) -> (i32, i32) {
    %c0_i32 = arith.constant 0 : i32
    %c0_i32_0 = arith.constant 0 : i32
    return %arg0, %c0_i32 : i32, i32
  }
}

module attributes {stable_mosaic.version = 14 : i64} {
  func.func @body(%arg0: i32, %arg1: memref<1024x16xf32, #tpu.memory_space<vmem>>, %arg2: memref<2x1024x16xf32, #tpu.memory_space<vmem>>, %arg3: memref<1x16xf32, #tpu.memory_space<vmem>>, %arg4: memref<16x2xf32, #tpu.memory_space<vmem>>, %arg5: memref<1x2xf32, #tpu.memory_space<vmem>>, %arg6: memref<1024x4xf32, #tpu.memory_space<vmem>>, %arg7: memref<1024x1xf32, #tpu.memory_space<vmem>>, %arg8: memref<1024x1xf32, #tpu.memory_space<vmem>>, %arg9: memref<1024x6xf32, #tpu.memory_space<vmem>>, %arg10: memref<11x16xf32, #tpu.memory_space<vmem>>, %arg11: memref<11x16xf32, #tpu.memory_space<vmem>>, %arg12: memref<1x16xf32, #tpu.memory_space<vmem>>, %arg13: memref<1x2xf32, #tpu.memory_space<vmem>>, %arg14: memref<1024x2xf32, #tpu.memory_space<vmem>>) attributes {dimension_semantics = [#tpu.dimension_semantics<arbitrary>], iteration_bounds = array<i64: 98>, scalar_prefetch = 0 : i64, scratch_operands = 0 : i64, tpu.core_type = #tpu.core_type<tc>, window_params = [{transform_indices = @transform_0, window_bounds = array<i64: 1024, 16>}, {transform_indices = @transform_1, window_bounds = array<i64: 2, 1024, 16>}, {pipeline_mode = #tpu.pipeline_mode<synchronous>, transform_indices = @transform_2, window_bounds = array<i64: 1, 16>}, {pipeline_mode = #tpu.pipeline_mode<synchronous>, transform_indices = @transform_3, window_bounds = array<i64: 16, 2>}, {pipeline_mode = #tpu.pipeline_mode<synchronous>, transform_indices = @transform_4, window_bounds = array<i64: 1, 2>}, {transform_indices = @transform_5, window_bounds = array<i64: 1024, 4>}, {transform_indices = @transform_6, window_bounds = array<i64: 1024, 1>}, {transform_indices = @transform_7, window_bounds = array<i64: 1024, 1>}, {transform_indices = @transform_8, window_bounds = array<i64: 1024, 6>}, {pipeline_mode = #tpu.pipeline_mode<synchronous>, transform_indices = @transform_9, window_bounds = array<i64: 11, 16>}, {pipeline_mode = #tpu.pipeline_mode<synchronous>, transform_indices = @transform_10, window_bounds = array<i64: 11, 16>}, {pipeline_mode = #tpu.pipeline_mode<synchronous>, transform_indices = @transform_11, window_bounds = array<i64: 1, 16>}, {pipeline_mode = #tpu.pipeline_mode<synchronous>, transform_indices = @transform_12, window_bounds = array<i64: 1, 2>}, {transform_indices = @transform_13, window_bounds = array<i64: 1024, 2>}]} {
    %get3A = arith.constant 0 : index
    %get3A_0 = arith.constant 0 : index
    %get3A_1 = vector.load %arg1[%get3A, %get3A_0] : memref<1024x16xf32, #tpu.memory_space<vmem>>, vector<1024x16xf32>
    %get3A_2 = arith.constant 0 : index
    %get3A_3 = arith.constant 0 : index
    %get3A_4 = arith.constant 0 : index
    %get3A_5 = vector.load %arg2[%get3A_2, %get3A_3, %get3A_4] : memref<2x1024x16xf32, #tpu.memory_space<vmem>>, vector<1x1024x16xf32>
    %get3A_6 = vector.shape_cast %get3A_5 : vector<1x1024x16xf32> to vector<1024x16xf32>
    %add3A = arith.addf %get3A_1, %get3A_6 : vector<1024x16xf32>
    %get3A_7 = arith.constant 1 : index
    %get3A_8 = arith.constant 0 : index
    %get3A_9 = arith.constant 0 : index
    %get3A_10 = vector.load %arg2[%get3A_7, %get3A_8, %get3A_9] : memref<2x1024x16xf32, #tpu.memory_space<vmem>>, vector<1x1024x16xf32>
    %get3A_11 = vector.shape_cast %get3A_10 : vector<1x1024x16xf32> to vector<1024x16xf32>
    %add3A_12 = arith.addf %add3A, %get3A_11 : vector<1024x16xf32>
    %get3A_13 = arith.constant 0 : index
    %get3A_14 = arith.constant 0 : index
    %get3A_15 = vector.load %arg3[%get3A_13, %get3A_14] : memref<1x16xf32, #tpu.memory_space<vmem>>, vector<1x16xf32>
    %add3A_16 = vector.broadcast %get3A_15 : vector<1x16xf32> to vector<1024x16xf32>
    %add3A_17 = arith.addf %add3A_12, %add3A_16 : vector<1024x16xf32>
    %max3A = arith.constant 0.000000e+00 : f32
    %max3A_18 = vector.broadcast %max3A : f32 to vector<1024x16xf32>
    %max3A_19 = arith.maximumf %add3A_17, %max3A_18 : vector<1024x16xf32>
    %get3A_20 = arith.constant 0 : index
    %get3A_21 = arith.constant 0 : index
    %get3A_22 = vector.load %arg4[%get3A_20, %get3A_21] : memref<16x2xf32, #tpu.memory_space<vmem>>, vector<16x2xf32>
    %dot_general3A = arith.constant dense<0.000000e+00> : vector<1024x2xf32>
    %dot_general3A_23 = tpu.matmul %max3A_19, %get3A_22, %dot_general3A {dimension_numbers = #tpu.dot_dimension_numbers<[1], [0], [0], [1], [0, 0, 1, 1], [], []>, precision = #tpu.contract_precision<fp32>, transpose_lhs_hint = false} : vector<1024x16xf32>, vector<16x2xf32>, vector<1024x2xf32> -> vector<1024x2xf32>
    %get3A_24 = arith.constant 0 : index
    %get3A_25 = arith.constant 0 : index
    %get3A_26 = vector.load %arg5[%get3A_24, %get3A_25] : memref<1x2xf32, #tpu.memory_space<vmem>>, vector<1x2xf32>
    %add3A_27 = vector.broadcast %get3A_26 : vector<1x2xf32> to vector<1024x2xf32>
    %add3A_28 = arith.addf %dot_general3A_23, %add3A_27 : vector<1024x2xf32>
    %get3A_29 = arith.constant 0 : index
    %get3A_30 = arith.constant 0 : index
    %get3A_31 = vector.load %arg7[%get3A_29, %get3A_30] : memref<1024x1xf32, #tpu.memory_space<vmem>>, vector<1024x1xf32>
    %get3A_32 = arith.constant 0 : index
    %get3A_33 = arith.constant 3 : index
    %get3A_34 = vector.load %arg6[%get3A_32, %get3A_33] : memref<1024x4xf32, #tpu.memory_space<vmem>>, vector<1024x1xf32>
    %sub3A = arith.subf %get3A_34, %get3A_31 : vector<1024x1xf32>
    %mul3A = arith.constant 5.000000e-01 : f32
    %mul3A_35 = vector.broadcast %mul3A : f32 to vector<1024x2xf32>
    %mul3A_36 = arith.mulf %mul3A_35, %add3A_28 : vector<1024x2xf32>
    %mul3A_37 = arith.constant 5.000000e-01 : f32
    %mul3A_38 = vector.broadcast %mul3A_37 : f32 to vector<1024x1xf32>
    %mul3A_39 = arith.mulf %mul3A_38, %sub3A : vector<1024x1xf32>
    %add3A_40 = vector.broadcast %mul3A_39 : vector<1024x1xf32> to vector<1024x2xf32>
    %add3A_41 = arith.addf %mul3A_36, %add3A_40 : vector<1024x2xf32>
    %add3A_42 = vector.broadcast %get3A_31 : vector<1024x1xf32> to vector<1024x2xf32>
    %add3A_43 = arith.addf %add3A_41, %add3A_42 : vector<1024x2xf32>
    %get3A_44 = arith.constant 0 : index
    %get3A_45 = arith.constant 0 : index
    %get3A_46 = vector.load %arg8[%get3A_44, %get3A_45] : memref<1024x1xf32, #tpu.memory_space<vmem>>, vector<1024x1xf32>
    %min3A = vector.broadcast %get3A_46 : vector<1024x1xf32> to vector<1024x2xf32>
    %min3A_47 = arith.minimumf %add3A_43, %min3A : vector<1024x2xf32>
    %max3A_48 = vector.broadcast %get3A_31 : vector<1024x1xf32> to vector<1024x2xf32>
    %max3A_49 = arith.maximumf %min3A_47, %max3A_48 : vector<1024x2xf32>
    %get3A_50 = arith.constant 0 : index
    %get3A_51 = arith.constant 0 : index
    %get3A_52 = vector.load %arg13[%get3A_50, %get3A_51] : memref<1x2xf32, #tpu.memory_space<vmem>>, vector<1x2xf32>
    %mul3A_53 = vector.broadcast %get3A_52 : vector<1x2xf32> to vector<1024x2xf32>
    %mul3A_54 = arith.mulf %max3A_49, %mul3A_53 : vector<1024x2xf32>
    %swap3A = arith.constant 0 : index
    %swap3A_55 = arith.constant 0 : index
    %swap3A_56 = vector.load %arg14[%swap3A, %swap3A_55] : memref<1024x2xf32, #tpu.memory_space<vmem>>, vector<1024x2xf32>
    tpu.vector_store %arg14[%swap3A, %swap3A_55], %mul3A_54 {strides = array<i32>} : memref<1024x2xf32, #tpu.memory_space<vmem>>, vector<1024x2xf32>,
    return
  }
  func.func @transform_0(%arg0: i32) -> (i32, i32) {
    %c0_i32 = arith.constant 0 : i32
    %c0_i32_0 = arith.constant 0 : i32
    return %arg0, %c0_i32 : i32, i32
  }
  func.func @transform_1(%arg0: i32) -> (i32, i32, i32) {
    %c0_i32 = arith.constant 0 : i32
    %c0_i32_0 = arith.constant 0 : i32
    %c0_i32_1 = arith.constant 0 : i32
    return %c0_i32, %arg0, %c0_i32_0 : i32, i32, i32
  }
  func.func @transform_2(%arg0: i32) -> (i32, i32) {
    %c0_i32 = arith.constant 0 : i32
    %c0_i32_0 = arith.constant 0 : i32
    %c0_i32_1 = arith.constant 0 : i32
    return %c0_i32, %c0_i32_0 : i32, i32
  }
  func.func @transform_3(%arg0: i32) -> (i32, i32) {
    %c0_i32 = arith.constant 0 : i32
    %c0_i32_0 = arith.constant 0 : i32
    %c0_i32_1 = arith.constant 0 : i32
    return %c0_i32, %c0_i32_0 : i32, i32
  }
  func.func @transform_4(%arg0: i32) -> (i32, i32) {
    %c0_i32 = arith.constant 0 : i32
    %c0_i32_0 = arith.constant 0 : i32
    %c0_i32_1 = arith.constant 0 : i32
    return %c0_i32, %c0_i32_0 : i32, i32
  }
  func.func @transform_5(%arg0: i32) -> (i32, i32) {
    %c0_i32 = arith.constant 0 : i32
    %c0_i32_0 = arith.constant 0 : i32
    return %arg0, %c0_i32 : i32, i32
  }
  func.func @transform_6(%arg0: i32) -> (i32, i32) {
    %c0_i32 = arith.constant 0 : i32
    %c0_i32_0 = arith.constant 0 : i32
    return %arg0, %c0_i32 : i32, i32
  }
  func.func @transform_7(%arg0: i32) -> (i32, i32) {
    %c0_i32 = arith.constant 0 : i32
    %c0_i32_0 = arith.constant 0 : i32
    return %arg0, %c0_i32 : i32, i32
  }
  func.func @transform_8(%arg0: i32) -> (i32, i32) {
    %c0_i32 = arith.constant 0 : i32
    %c0_i32_0 = arith.constant 0 : i32
    return %arg0, %c0_i32 : i32, i32
  }
  func.func @transform_9(%arg0: i32) -> (i32, i32) {
    %c0_i32 = arith.constant 0 : i32
    %c0_i32_0 = arith.constant 0 : i32
    %c0_i32_1 = arith.constant 0 : i32
    return %c0_i32, %c0_i32_0 : i32, i32
  }
  func.func @transform_10(%arg0: i32) -> (i32, i32) {
    %c0_i32 = arith.constant 0 : i32
    %c0_i32_0 = arith.constant 0 : i32
    %c0_i32_1 = arith.constant 0 : i32
    return %c0_i32, %c0_i32_0 : i32, i32
  }
  func.func @transform_11(%arg0: i32) -> (i32, i32) {
    %c0_i32 = arith.constant 0 : i32
    %c0_i32_0 = arith.constant 0 : i32
    %c0_i32_1 = arith.constant 0 : i32
    return %c0_i32, %c0_i32_0 : i32, i32
  }
  func.func @transform_12(%arg0: i32) -> (i32, i32) {
    %c0_i32 = arith.constant 0 : i32
    %c0_i32_0 = arith.constant 0 : i32
    %c0_i32_1 = arith.constant 0 : i32
    return %c0_i32, %c0_i32_0 : i32, i32
  }
  func.func @transform_13(%arg0: i32) -> (i32, i32) {
    %c0_i32 = arith.constant 0 : i32
    %c0_i32_0 = arith.constant 0 : i32
    return %arg0, %c0_i32 : i32, i32
  }
}

</mosaic_0001>

<sc_bundles>
// kernel: kernel.12.cloned.1.call-start
scs
__scs_entry_jumppad:
0x0: {  	(pc) =	sbr.rel $0x88, $3  }
0x1: {  	(tag) =	ssettag $0x0;
	lr =	simm.s32 $0x1  }
0x2: {  	[smem:$0x3F91] =	sst lr;
	_ =	strace $0xD0000000  }
0x3: {  	_ = 	snop  }
0x4: {  	_ = 	snop  }
0x5: {  	_ = 	snop  }
0x6: {  	_ = 	snop  }
0x7: {  	_ = 	snop  }
__scs_overlays_trampoline_lowered:
0x8: {  	[smem:$0x3FA0] =	sst s0  }
0x9: {  	[smem:$0x3FA1] =	sst s1  }
0xa: {  	[smem:$0x3FA2] =	sst s2  }
0xb: {  	[smem:$0x3FA3] =	sst s3  }
0xc: {  	[smem:$0x3FA4] =	sst s4  }
0xd: {  	[smem:$0x3FA5] =	sst s5  }
0xe: {  	[smem:$0x3FA6] =	sst s6  }
0xf: {  	[smem:$0x3FA7] =	sst s7  }
0x10: {  	[smem:$0x3FA8] =	sst s8  }
0x11: {  	[smem:$0x3FA9] =	sst s9;
	s0 =	simm.s32 @!p0 $0x0  }
0x12: {  	s1 =	sld [smem:$0x3F8F];
	s0 =	simm.s32 @p0 $0x1  }
0x13: {  	[smem:$0x3FAA] =	sst s0;
	s0 =	simm.s32 @!p1 $0x0  }
0x14: {  	s2 =	sld [smem:$0x3F8E];
	s0 =	simm.s32 @p1 $0x1  }
0x15: {  	[smem:$0x3FAB] =	sst s0;
	s0 =	simm.s32 @!p2 $0x0  }
0x16: {  	s3 =	sld [smem:$0x3FDB];
	s0 =	simm.s32 @p2 $0x1  }
0x17: {  	s4 =	simm.s32 $0x1BF5;
	[smem:$0x3FAD] =	sst s0  }
0x18: {  	s0 =	sld [smem:$0x3F90];
	_ =	swait.ge [sflag:s4], $0x0  }
0x19: {  	s7 =	sld [smem:$0x3F91]  }
0x1a: {  	s8 =	sadd.s32 $0xFFFFE003, lr  }
0x1b: {  	s9 =	sadd.s32 $0xFFFFFEF7, lr;
	s5 =	simm.s32 $0xFFFFFFFF;
	p2 =	slt.u32 s8, $0xFFFFF086  }
0x1c: {  	p1 =	slt.u32 s9, $0xF7A;
	s5 =	simm.s32 @!p2 $0x0  }
0x1d: {  	s5 =	simm.s32 @p1 $0x1;
	p0 =	seq.s32 s7, s2  }
0x1e: {  	s7 =	smul.u32 @!p0 $0xF7A, s2;
	p2 =	seq.s32 @!p0 s5, $0x0  }
0x1f: {  	s9 =	smul.u32 $0xF7A, s1;
	s8 =	simm.s32 @!p0 $0x1BF5;
	p2 =	por !p2, p0  }
0x20: {  	[sflag:s8] =	ssyncset.s32 @!p0 $0xFFFFF086;
	s6 =	sadd.s32 @!p0 s3, s7;
	s7 =	simm.s32 @!p0 $0x108  }
0x21: {  	s3 =	sadd.s32 s3, s9;
	s6 =	sadd.s32 @!p0 $0x88, s6;
	s7 =	simm.s32 @p2 $0x1082  }
0x22: {  	[simem:s7], [sflag:s8] =	dma.local @!p0 [hbm:s6], $0xF7A  }
0x23: {  	s9 =	sor.u32 $0xD0000000, s2;
	s6 =	simm.s32 $0x108;
	_ =	swait.ge @!p0 [sflag:s8], $0x0  }
0x24: {  	s3 =	sadd.s32 $0x88, s3;
	s6 =	simm.s32 @!p1 $0x1082;
	[sflag:s4] =	ssyncset.s32 $0xFFFFF086  }
0x25: {  	[simem:s6], [sflag:s4] =	dma.local [hbm:s3], $0xF7A  }
0x26: {  	[smem:$0x3F91] =	sst s1;
	(tag) =	ssettag s2;
	_ =	strace s9  }
0x27: {  	s1 =	sld [smem:$0x3FA1]  }
0x28: {  	s2 =	sld [smem:$0x3FA2]  }
0x29: {  	s4 =	sld [smem:$0x3FA4]  }
0x2a: {  	p0 =	seq.s32 s5, $0x0;
	s5 =	sld [smem:$0x3FA5]  }
0x2b: {  	s6 =	sld [smem:$0x3FA6]  }
0x2c: {  	s7 =	sld [smem:$0x3FA7]  }
0x2d: {  	s3 =	simm.s32 $0x108;
	s8 =	sld [smem:$0x3FA8]  }
0x2e: {  	s3 =	simm.s32 @!p0 $0x1082;
	s9 =	sld [smem:$0x3FA9]  }
0x2f: {  	lr =	sadd.s32 s0, s3;
	s0 =	sld [smem:$0x3FA0]  }
0x30: {  	s3 =	sld [smem:$0x3FA3]  }
0x31: {  	[smem:$0x3FAC] =	sst s10  }
0x32: {  	s10 =	sld [smem:$0x3FAA];
	_ =	sdelay $0x3  }
0x33: {  	p0 =	seq.s32 s10, $0x1;
	s10 =	sld [smem:$0x3FAC];
	_ =	sdelay $0x3  }
0x34: {  	[smem:$0x3FAC] =	sst s10  }
0x35: {  	s10 =	sld [smem:$0x3FAB];
	_ =	sdelay $0x3  }
0x36: {  	p1 =	seq.s32 s10, $0x1;
	s10 =	sld [smem:$0x3FAC];
	_ =	sdelay $0x3  }
0x37: {  	[smem:$0x3FAC] =	sst s10  }
0x38: {  	s10 =	sld [smem:$0x3FAD]  }
0x39: {  	_ = 	snop;
	(pc) =	sbr.ind lr, $3  }
0x3a: {  	_ = 	snop  }
0x3b: {  	_ = 	snop  }
0x3c: {  	p2 =	seq.s32 s10, $0x1;
	s10 =	sld [smem:$0x3FAC]  }
0x3d: {  	_ =	shalt  }
0x3e: {  	_ =	shalt  }
0x3f: {  	_ =	shalt  }
0x40: {  	_ =	shalt  }
0x41: {  	_ =	shalt  }
0x42: {  	_ =	shalt  }
0x43: {  	_ =	shalt  }
0x44: {  	_ =	shalt  }
0x45: {  	_ =	shalt  }
0x46: {  	_ =	shalt  }
0x47: {  	_ =	shalt  }
0x48: {  	_ =	shalt  }
0x49: {  	_ =	shalt  }
0x4a: {  	_ =	shalt  }
0x4b: {  	_ =	shalt  }
0x4c: {  	_ =	shalt  }
0x4d: {  	_ =	shalt  }
0x4e: {  	_ =	shalt  }
0x4f: {  	_ =	shalt  }
0x50: {  	_ =	shalt  }
0x51: {  	_ =	shalt  }
0x52: {  	_ =	shalt  }
0x53: {  	_ =	shalt  }
0x54: {  	_ =	shalt  }
0x55: {  	_ =	shalt  }
0x56: {  	_ =	shalt  }
0x57: {  	_ =	shalt  }
0x58: {  	_ =	shalt  }
0x59: {  	_ =	shalt  }
0x5a: {  	_ =	shalt  }
0x5b: {  	_ =	shalt  }
0x5c: {  	_ =	shalt  }
0x5d: {  	_ =	shalt  }
0x5e: {  	_ =	shalt  }
0x5f: {  	_ =	shalt  }
0x60: {  	_ =	shalt  }
0x61: {  	_ =	shalt  }
0x62: {  	_ =	shalt  }
0x63: {  	_ =	shalt  }
0x64: {  	_ =	shalt  }
0x65: {  	_ =	shalt  }
0x66: {  	_ =	shalt  }
0x67: {  	_ =	shalt  }
0x68: {  	_ =	shalt  }
0x69: {  	_ =	shalt  }
0x6a: {  	_ =	shalt  }
0x6b: {  	_ =	shalt  }
0x6c: {  	_ =	shalt  }
0x6d: {  	_ =	shalt  }
0x6e: {  	_ =	shalt  }
0x6f: {  	_ =	shalt  }
0x70: {  	_ =	shalt  }
0x71: {  	_ =	shalt  }
0x72: {  	_ =	shalt  }
0x73: {  	_ =	shalt  }
0x74: {  	_ =	shalt  }
0x75: {  	_ =	shalt  }
0x76: {  	_ =	shalt  }
0x77: {  	_ =	shalt  }
0x78: {  	_ =	shalt  }
0x79: {  	_ =	shalt  }
0x7a: {  	_ =	shalt  }
0x7b: {  	_ =	shalt  }
0x7c: {  	_ =	shalt  }
0x7d: {  	_ =	shalt  }
0x7e: {  	_ =	shalt  }
0x7f: {  	_ =	shalt  }
0x80: {  	_ =	shalt  }
0x81: {  	_ =	shalt  }
0x82: {  	_ =	shalt  }
0x83: {  	_ =	shalt  }
0x84: {  	_ =	shalt  }
0x85: {  	_ =	shalt  }
0x86: {  	_ =	shalt  }
0x87: {  	_ =	shalt  }
.Lfunc_end0:
.L_simem_size_0:
called_computation_lowered:
.L_overlay_start_0:
0x88: {  	s2 =	sld [smem:$0x3FD9]  }
0x89: {  	s3 =	sld [smem:$0x3FFE];
	_ =	sdelay $0x1  }
0x8a: {  	s1 =	srdreg.scid  }
0x8b: {  	s0 =	sand.u32 $0x1, s1  }
0x8c: {  	s17 =	sshll.u32 s0, $0xA;
	s2 =	sadd.s32 s3, s2  }
0x8d: {  	s2 =	sadd.s32 s2, s17  }
0x8e: {  	[smem:$0x3FB8] =	sst s2  }
0x8f: {  	_ = 	snop  }
0x90: {  	s2 =	sld [smem:$0x3FD0];
	(tm) =	ssettm $0x1  }
0x91: {  	s18 =	sld [smem:$0x3FFB];
	_ =	sdelay $0x3  }
0x92: {  	_ =	strace s18  }
0x93: {  	s3 =	sld [smem:$0x3FFC];
	_ =	sdelay $0x3  }
0x94: {  	_ =	strace s3  }
0x95: {  	s3 =	sld [smem:$0x3FFD];
	_ =	sdelay $0x3  }
0x96: {  	_ =	strace s3  }
0x97: {  	_ =	strace $0x8FFFFFFF  }
0x98: {  	s19 =	sld [smem:$0x3FDB];
	_ =	sdelay $0x1  }
0x99: {  	s4 =	simm.s32 $_scs_section_size  }
0x9a: {  	s5 =	simm.s32 $_size__tile_overlayer_lowered;
	s6 =	simm.s32 $_tile_overlayer_lowered  }
0x9b: {  	s22 =	simm.s32 $0x1BFF;
	s21 =	sshll.u32 s6, $0x1;
	s3 =	sadd.s32 s4, s19  }
0x9c: {  	s7 =	simm.s32 $0x0;
	s20 =	sshll.u32 s5, $0x1;
	s5 =	sadd.s32 s21, s3  }
0x9d: {  	[timem:s7], [sflag:s22] =	dma.local [hbm:s5], s20  }
0x9e: {  	_ =	swait.ge [sflag:s22], s20  }
0x9f: {  	s4 =	ssub.s32 $0x0, s20;
	[sflag:s22] =	ssyncset.done $0x0  }
0xa0: {  	[sflag:s22] =	ssyncadd.s32 s4;
	_ =	sdelay $0x1  }
0xa1: {  	s23 =	simm.s32 $0x1B8B  }
0xa2: {  	_ =	swait.ge [sflag:s23], $0x1  }
0xa3: {  	[sflag:s23] =	ssyncset.done $0x0  }
0xa4: {  	s25 =	simm.s32 $0x1B8E;
	s24 =	sld [smem:$0x3FFE];
	[sflag:s23] =	ssyncadd.s32 $0xFFFFFFFF  }
0xa5: {  	s26 =	simm.s32 $execute0_lowered;
	[smem:$0x3FD2] =	sst s25  }
0xa6: {  	s5 =	sshll.u32 s26, $0x1;
	_ =	strace $0x80000046;
	[dreg:$0x1] =	wrdreg $0xFFFFFFFF  }
0xa7: {  	s28 =	simm.s32 $_size_execute0_lowered;
	s3 =	sadd.s32 s3, s5;
	[dreg:$0x0] =	wrdreg $0x0  }
0xa8: {  	s5 =	sshll.u32 s28, $0x1;
	[dreg:$0x2] =	wrdreg s3  }
0xa9: {  	[dreg:$0x3] =	wrdreg s5  }
0xaa: {  	[dreg:$0x4] =	wrdreg $0xC0  }
0xab: {  	_ =	task [dreg:s7], $0x5FFFF  }
0xac: {  	[dreg:$0x1] =	wrdreg $0xFFFFFFFF  }
0xad: {  	[dreg:$0x0] =	wrdreg $0x60  }
0xae: {  	[dreg:$0x2] =	wrdreg s24  }
0xaf: {  	[dreg:$0x3] =	wrdreg s2  }
0xb0: {  	[dreg:$0x4] =	wrdreg $0x24900  }
0xb1: {  	[dreg:$0x5] =	wrdreg $0x1AC900  }
0xb2: {  	[dreg:$0x6] =	wrdreg $0x9  }
0xb3: {  	_ =	task.clear_ibuf [dreg:s7], $0x7FFFF;
	_ =	strace $0x90000046  }
0xb4: {  	s29 =	simm.s32 $0x9;
	_ =	strace $0x80000048  }
0xb5: {  	_ =	swait.ge [sflag:s29], $0x1  }
0xb6: {  	[sflag:s29] =	ssyncadd.s32 $0xFFFFFFFF  }
0xb7: {  	_ =	strace $0x90000048  }
0xb8: {  	_ =	sfence  }
0xb9: {  	s30 =	sld [smem:$0x0];
	_ =	sdelay $0x2  }
0xba: {  	s31 =	sshll.u32 s1, $0xD;
	s1 =	sshrl.u32 s1, $0x2  }
0xbb: {  	s3 =	sand.u32 $0x4000, s31;
	s1 =	sadd.s32 s1, s30  }
0xbc: {  	s0 =	sor.u32 s3, s0;
	s1 =	sshll.u32 s1, $0x11  }
0xbd: {  	s0 =	sor.u32 s1, s0  }
0xbe: {  	s0 =	sadd.s32 $0x8F2B, s0  }
0xbf: {  	[sflag:s0] =	ssyncadd.remote.s32 $0x1  }
0xc0: {  	_ =	sfence.sel $0xFFFF  }
0xc1: {  	[dreg:$0x0] =	wrdreg $0xFFFFFFFF;
	(pc) =	sbr.abs _section_cstart, $3  }
0xc2: {  	[dreg:$0x1] =	wrdreg $0xFFFFFFFF  }
0xc3: {  	_ =	task.clear_ibuf [dreg:s7], $0x2FFFF;
	_ =	strace $0x9FFFFFFF  }
0xc4: {  	(tm) =	ssettm $0x7FFFFFFF  }
0xc5: {  	_ =	shalt  }
tec
execute0_lowered:
.L_overlay_start_1:
0x0: {  	(tag) =	ssettag $0x1  }
0x1: {  	s0 =	rddreg [dreg:$0x0]  }
0x2: {  	s3 =	rddreg [dreg:$0x1]  }
0x3: {  	s1 =	rddreg [dreg:$0x2]  }
0x4: {  	s2 =	rddreg [dreg:$0x3];
	s4 =	simm.s32 $0x0;
	s5 =	srdreg.scid  }
0x5: {  	s19 =	stileid.u32;
	s28 =	simm.s32 $0x2180;
	s29 =	simm.s32 $0x80  }
0x6: {  	s30 =	simm.s32 $0x100;
	s31 =	simm.s32 $0x900;
	s13 =	smul.u32 $0x18800, s19  }
0x7: {  	[smem:$0x7FF] =	sst s4;
	s10 =	sand.u32 $0x1, s5;
	s12 =	smul.u32 $0x62000, s19  }
0x8: {  	s5 =	sadd.s32 $0x190000, s0;
	s6 =	sadd.s32 $0x1C1000, s0;
	s14 =	smul.u32 $0x6200, s19  }
0x9: {  	s7 =	sadd.s32 $0x935000, s0;
	s8 =	sadd.s32 $0x1F2000, s0;
	s15 =	smul.u32 $0x1880, s19  }
0xa: {  	s9 =	smul.u32 $0x188000, s10;
	_ =	strace $0x80000047;
	s23 =	ssub.s32 $0x2, s10  }
0xb: {  	s17 =	sshll.u32 s10, $0x4;
	s18 =	smul.u32 $0x18800, s10;
	s16 =	sshrl.u32 s23, $0x1  }
0xc: {  	s17 =	sor.u32 s19, s17;
	s25 =	sshrl.u32 s14, $0x2;
	s11 =	sadd.s32 s13, s9  }
0xd: {  	s9 =	sadd.s32 $0x222E00, s0;
	s16 =	ssub.s32 s23, s16;
	s26 =	sadd.s32 s15, s18  }
0xe: {  	s11 =	sshrl.u32 s11, $0x3;
	s14 =	sshrl.u32 s26, $0x3;
	s20 =	smax.u32 s16, $0x1  }
0xf: {  	s0 =	sadd.s32 s11, s0;
	s3 =	sadd.s32 s3, s14;
	[dreg:$0x7] =	wrdreg s20  }
0x10: {  	s11 =	sadd.s32 s25, s2;
	s0 =	sadd.s32 $0x253C00, s0;
	[dreg:$0x6] =	wrdreg s3  }
0x11: {  	s24 =	sshrl.u32 s12, $0x2;
	s21 =	sadd.s32 $0x310, s11;
	[dreg:$0x5] =	wrdreg s0  }
0x12: {  	s19 =	sadd.s32 s15, s2;
	s22 =	sadd.s32 $0x620, s11;
	[dreg:$0x8] =	wrdreg s21  }
0x13: {  	s10 =	sadd.s32 s24, s1;
	s23 =	sadd.s32 $0x930, s11;
	[dreg:$0x9] =	wrdreg s22  }
0x14: {  	s12 =	smul.u32 $0xC380, s17;
	s24 =	sadd.s32 $0xC40, s11;
	[dreg:$0xa] =	wrdreg s23  }
0x15: {  	s18 =	sadd.s32 s13, s1;
	s25 =	sadd.s32 $0xF50, s11;
	[dreg:$0xb] =	wrdreg s24  }
0x16: {  	s13 =	simm.s32 $0x2100;
	s26 =	sadd.s32 $0x1260, s11;
	[dreg:$0xc] =	wrdreg s25  }
0x17: {  	s14 =	simm.s32 $0x0;
	s3 =	simm.s32 $0x1;
	[dreg:$0xd] =	wrdreg s26  }
0x18: {  	s22 =	sadd.s32 $0x1570, s11;
	s23 =	simm.s32 $0x1900;
	s24 =	sshrl.u32 s18, $0x3  }
0x19: {  	v0 =	vimm.f32 $0.0e+00;
	v1 =	vimm.f32 $1.000000000e+00;
	s25 =	sshrl.u32 s19, $0x3;
	s26 =	simm.s32 $0x2;
	s0 =	simm.s32 $0x1100  }
.LBB2_1:
0x1a: {  	s15 =	simm.s32 $0x0  }
.LBB2_2:
0x1b: {  	p0 =	sne.s32 s15, $0x1FC0  }
.Ltmp0:
0x1c: {  	_ = 	snop;
	(pc) =	sbr.rel @p0 .LBB2_2-.Ltmp0, $3  }
0x1d: {  	_ =	sdelay $0x1  }
0x1e: {  	s16 =	sshra.s32 s15, $0x2  }
0x1f: {  	s15 =	sadd.s32 $0x40, s15;
	[tilespmem:s16+$0x1900] =	vst v0  }
0x20: {  	s15 =	sadd.s32 $0x0, s10  }
0x21: {  	[spmem:s15] =	stream.linear.scatter [tilespmem:s23], [sflag:$0x2], $0x800, $0x38;
	[tilespmem:$0x1C510] =	vst v63  }
0x22: {  	s15 =	simm.s32 $0x2000;
	_ =	swait.ge [sflag:s26], $0x800  }
.LBB2_4:
0x23: {  	s16 =	sshra.s32 s15, $0x2;
	[sflag:s26] =	ssyncset.done $0x0;
	p0 =	sne.s32 s15, $0x60000  }
.Ltmp1:
0x24: {  	s16 =	sadd.s32 s16, s10;
	[sflag:s26] =	ssyncadd.s32 $0xFFFFF800;
	(pc) =	sbr.rel @p0 .LBB2_4-.Ltmp1, $3  }
0x25: {  	[spmem:s16] =	stream.linear.scatter [tilespmem:s23], [sflag:$0x2], $0x800, $0x38;
	[tilespmem:$0x1C510] =	vst v63  }
0x26: {  	s15 =	sadd.s32 $0x2000, s15;
	_ =	sdelay $0x1  }
0x27: {  	_ =	swait.ge [sflag:s26], $0x800  }
0x28: {  	[sflag:s26] =	ssyncset.done $0x0  }
0x29: {  	[sflag:s26] =	ssyncadd.s32 $0xFFFFF800  }
0x2a: {  	[tilespmem:$0x2180] =	vst v0  }
0x2b: {  	[tilespmem:$0x2190] =	vst v0  }
0x2c: {  	[tilespmem:$0x21A0] =	vst v0  }
0x2d: {  	[tilespmem:$0x21B0] =	vst v0  }
0x2e: {  	[tilespmem:$0x21C0] =	vst v0  }
0x2f: {  	[tilespmem:$0x21D0] =	vst v0  }
0x30: {  	[tilespmem:$0x21E0] =	vst v0  }
0x31: {  	[tilespmem:$0x21F0] =	vst v0  }
0x32: {  	[tilespmem:$0x2200] =	vst v0  }
0x33: {  	[tilespmem:$0x2210] =	vst v0  }
0x34: {  	[tilespmem:$0x2220] =	vst v0  }
0x35: {  	[tilespmem:$0x2230] =	vst v0  }
0x36: {  	[tilespmem:$0x2240] =	vst v0  }
0x37: {  	[tilespmem:$0x2250] =	vst v0  }
0x38: {  	[tilespmem:$0x2260] =	vst v0  }
0x39: {  	[tilespmem:$0x2270] =	vst v0  }
0x3a: {  	[tilespmem:$0x2280] =	vst v0  }
0x3b: {  	[tilespmem:$0x2290] =	vst v0  }
0x3c: {  	[tilespmem:$0x22A0] =	vst v0  }
0x3d: {  	[tilespmem:$0x22B0] =	vst v0  }
0x3e: {  	[tilespmem:$0x22C0] =	vst v0  }
0x3f: {  	[tilespmem:$0x22D0] =	vst v0  }
0x40: {  	[tilespmem:$0x22E0] =	vst v0  }
0x41: {  	[tilespmem:$0x22F0] =	vst v0  }
0x42: {  	[tilespmem:$0x2300] =	vst v0  }
0x43: {  	[tilespmem:$0x2310] =	vst v0  }
0x44: {  	[tilespmem:$0x2320] =	vst v0  }
0x45: {  	[tilespmem:$0x2330] =	vst v0  }
0x46: {  	[tilespmem:$0x2340] =	vst v0  }
0x47: {  	[tilespmem:$0x2350] =	vst v0  }
0x48: {  	[tilespmem:$0x2360] =	vst v0  }
0x49: {  	[tilespmem:$0x2370] =	vst v0  }
0x4a: {  	[tilespmem:$0x2380] =	vst v0  }
0x4b: {  	[tilespmem:$0x2390] =	vst v0  }
0x4c: {  	[tilespmem:$0x23A0] =	vst v0  }
0x4d: {  	[tilespmem:$0x23B0] =	vst v0  }
0x4e: {  	[tilespmem:$0x23C0] =	vst v0  }
0x4f: {  	[tilespmem:$0x23D0] =	vst v0  }
0x50: {  	[tilespmem:$0x23E0] =	vst v0  }
0x51: {  	[tilespmem:$0x23F0] =	vst v0  }
0x52: {  	[tilespmem:$0x2400] =	vst v0  }
0x53: {  	[tilespmem:$0x2410] =	vst v0  }
0x54: {  	[tilespmem:$0x2420] =	vst v0  }
0x55: {  	[tilespmem:$0x2430] =	vst v0  }
0x56: {  	[tilespmem:$0x2440] =	vst v0  }
0x57: {  	[tilespmem:$0x2450] =	vst v0  }
0x58: {  	[tilespmem:$0x2460] =	vst v0  }
0x59: {  	[tilespmem:$0x2470] =	vst v0  }
0x5a: {  	[tilespmem:$0x2480] =	vst v0  }
0x5b: {  	[spmem:s11] =	stream.linear.scatter [tilespmem:s28], [sflag:$0x2], $0x310, $0x38;
	[tilespmem:$0x1C510] =	vst v63  }
0x5c: {  	_ =	swait.ge [sflag:s26], $0x310  }
0x5d: {  	[sflag:s26] =	ssyncset.done $0x0  }
0x5e: {  	s15 =	rddreg [dreg:$0x8];
	[sflag:s26] =	ssyncadd.s32 $0xFFFFFCF0  }
0x5f: {  	[spmem:s15] =	stream.linear.scatter [tilespmem:s28], [sflag:$0x2], $0x310, $0x38;
	[tilespmem:$0x1C510] =	vst v63  }
0x60: {  	_ =	swait.ge [sflag:s26], $0x310  }
0x61: {  	[sflag:s26] =	ssyncset.done $0x0  }
0x62: {  	s17 =	rddreg [dreg:$0x9];
	[sflag:s26] =	ssyncadd.s32 $0xFFFFFCF0  }
0x63: {  	[spmem:s17] =	stream.linear.scatter [tilespmem:s28], [sflag:$0x2], $0x310, $0x38;
	[tilespmem:$0x1C510] =	vst v63  }
0x64: {  	_ =	swait.ge [sflag:s26], $0x310  }
0x65: {  	[sflag:s26] =	ssyncset.done $0x0  }
0x66: {  	s18 =	rddreg [dreg:$0xa];
	[sflag:s26] =	ssyncadd.s32 $0xFFFFFCF0  }
0x67: {  	[spmem:s18] =	stream.linear.scatter [tilespmem:s28], [sflag:$0x2], $0x310, $0x38;
	[tilespmem:$0x1C510] =	vst v63  }
0x68: {  	_ =	swait.ge [sflag:s26], $0x310  }
0x69: {  	[sflag:s26] =	ssyncset.done $0x0  }
0x6a: {  	s19 =	rddreg [dreg:$0xb];
	[sflag:s26] =	ssyncadd.s32 $0xFFFFFCF0  }
0x6b: {  	[spmem:s19] =	stream.linear.scatter [tilespmem:s28], [sflag:$0x2], $0x310, $0x38;
	[tilespmem:$0x1C510] =	vst v63  }
0x6c: {  	_ =	swait.ge [sflag:s26], $0x310  }
0x6d: {  	[sflag:s26] =	ssyncset.done $0x0  }
0x6e: {  	s20 =	rddreg [dreg:$0xc];
	[sflag:s26] =	ssyncadd.s32 $0xFFFFFCF0  }
0x6f: {  	[spmem:s20] =	stream.linear.scatter [tilespmem:s28], [sflag:$0x2], $0x310, $0x38;
	[tilespmem:$0x1C510] =	vst v63  }
0x70: {  	_ =	swait.ge [sflag:s26], $0x310  }
0x71: {  	[sflag:s26] =	ssyncset.done $0x0  }
0x72: {  	s21 =	rddreg [dreg:$0xd];
	[sflag:s26] =	ssyncadd.s32 $0xFFFFFCF0  }
0x73: {  	[spmem:s21] =	stream.linear.scatter [tilespmem:s28], [sflag:$0x2], $0x310, $0x38;
	[tilespmem:$0x1C510] =	vst v63  }
0x74: {  	_ =	swait.ge [sflag:s26], $0x310  }
0x75: {  	[sflag:s26] =	ssyncset.done $0x0  }
0x76: {  	[sflag:s26] =	ssyncadd.s32 $0xFFFFFCF0  }
0x77: {  	[spmem:s22] =	stream.linear.scatter [tilespmem:s28], [sflag:$0x2], $0x310, $0x38;
	[tilespmem:$0x1C510] =	vst v63  }
0x78: {  	_ =	swait.ge [sflag:s26], $0x310  }
0x79: {  	[sflag:s26] =	ssyncset.done $0x0  }
0x7a: {  	[sflag:s26] =	ssyncadd.s32 $0xFFFFFCF0  }
0x7b: {  	[tilespmem:$0x2100] =	vst v1  }
0x7c: {  	[tilespmem:$0x2110] =	vst v1  }
0x7d: {  	[tilespmem:$0x2120] =	vst v1  }
0x7e: {  	[tilespmem:$0x2130] =	vst v1  }
0x7f: {  	[tilespmem:$0x2140] =	vst v1  }
0x80: {  	[tilespmem:$0x2150] =	vst v1  }
0x81: {  	[tilespmem:$0x2160] =	vst v1  }
0x82: {  	[tilespmem:$0x2170] =	vst v1  }
0x83: {  	s15 =	simm.s32 $0x0;
	[bflag:$0x0] =	sbarrier.arrive $0xFFFF  }
.LBB2_6:
0x84: {  	s16 =	sshll.u32 s15, $0x7  }
0x85: {  	s16 =	sadd.s32 s12, s16  }
0x86: {  	s17 =	sshrl.u32 s16, $0x3  }
0x87: {  	s18 =	sadd.s32 s8, s17  }
0x88: {  	[tilespmem:s4], [sflag:$0x2] =	stream.linear.gather [hbm4b:s18+s4], $0x80, $0x38;
	[tilespmem:$0x1C510] =	vst v63  }
0x89: {  	_ =	swait.ge [sflag:s26], $0x80  }
0x8a: {  	[sflag:s26] =	ssyncset.done $0x0  }
0x8b: {  	s17 =	sadd.s32 s9, s17;
	[sflag:s26] =	ssyncadd.s32 $0xFFFFFF80  }
0x8c: {  	[tilespmem:s29], [sflag:$0x2] =	stream.linear.gather [hbm4b:s17+s4], $0x80, $0x38;
	[tilespmem:$0x1C510] =	vst v63  }
0x8d: {  	_ =	swait.ge [sflag:s26], $0x80  }
0x8e: {  	[sflag:s26] =	ssyncset.done $0x0  }
0x8f: {  	[sflag:s26] =	ssyncadd.s32 $0xFFFFFF80  }
0x90: {  	[tilespmem:s30], [sflag:$0x1] =	stream.indirect.gather [hbm4b:s5+s29], $0x10, s4, s29, $0xb8;
	[tilespmem:$0x1C510] =	vst v63  }
0x91: {  	s16 =	sshll.u32 s16, $0x1  }
0x92: {  	[tilespmem:s31], [sflag:$0x1] =	stream.indirect.gather [hbm4b:s6+s29], $0x10, s29, s29, $0xb8;
	[tilespmem:$0x1C510] =	vst v63  }
0x93: {  	s16 =	sadd.s32 s7, s16  }
0x94: {  	[tilespmem:s0], [sflag:$0x1] =	stream.linear.gather [hbm4b:s16+s4], $0x800, $0x38;
	[tilespmem:$0x1C510] =	vst v63  }
0x95: {  	_ =	swait.ge [sflag:s3], $0x800  }
0x96: {  	[sflag:s3] =	ssyncset.done $0x0  }
0x97: {  	[sflag:s3] =	ssyncadd.s32 $0xFFFFF800  }
0x98: {  	_ =	swait.ge [sflag:s3], $0x800  }
0x99: {  	[sflag:s3] =	ssyncset.done $0x0  }
0x9a: {  	[sflag:s3] =	ssyncadd.s32 $0xFFFFF800  }
0x9b: {  	_ =	swait.ge [sflag:s3], $0x800  }
0x9c: {  	[sflag:s3] =	ssyncset.done $0x0  }
0x9d: {  	s21 =	simm.s32 $0x920;
	[sflag:s3] =	ssyncadd.s32 $0xFFFFF800  }
0x9e: {  	s19 =	simm.s32 $0x120;
	v2 =	vld [tilespmem:s21+$0xFFFFFFE0]  }
0x9f: {  	v3 =	vld [tilespmem:s19+$0xFFFFFFE0]  }
0xa0: {  	s16 =	simm.s32 $0x1120  }
0xa1: {  	v4 =	vld [tilespmem:s16+$0xFFFFFFE0];
	_ =	sdelay $0x2  }
0xa2: {  	v2 =	vadd.f32 v2, v3;
	_ =	sdelay $0x1  }
0xa3: {  	v2 =	vadd.f32 v4, v2;
	_ =	sdelay $0x1  }
0xa4: {  	s17 =	simm.s32 $0x1920;
	v2 =	vmax.f32 v2, $0.0e+00  }
0xa5: {  	[tilespmem:s17+$0xFFFFFFE0] =	vst v2  }
0xa6: {  	v2 =	vld [tilespmem:s19+$0xFFFFFFF0]  }
0xa7: {  	v3 =	vld [tilespmem:s21+$0xFFFFFFF0];
	_ =	sdelay $0x1  }
0xa8: {  	v4 =	vld [tilespmem:s16+$0xFFFFFFF0];
	_ =	sdelay $0x2  }
0xa9: {  	v2 =	vadd.f32 v3, v2;
	_ =	sdelay $0x1  }
0xaa: {  	v2 =	vadd.f32 v4, v2;
	_ =	sdelay $0x1  }
0xab: {  	v2 =	vmax.f32 v2, $0.0e+00  }
0xac: {  	[tilespmem:s17+$0xFFFFFFF0] =	vst v2  }
0xad: {  	v2 =	vld [tilespmem:s19+$0x0]  }
0xae: {  	v3 =	vld [tilespmem:s21+$0x0];
	_ =	sdelay $0x1  }
0xaf: {  	v4 =	vld [tilespmem:s16+$0x0];
	_ =	sdelay $0x2  }
0xb0: {  	v2 =	vadd.f32 v3, v2;
	_ =	sdelay $0x1  }
0xb1: {  	v2 =	vadd.f32 v4, v2;
	_ =	sdelay $0x1  }
0xb2: {  	v2 =	vmax.f32 v2, $0.0e+00  }
0xb3: {  	[tilespmem:s17+$0x0] =	vst v2  }
0xb4: {  	v3 =	vld [tilespmem:s19+$0x10]  }
0xb5: {  	v4 =	vld [tilespmem:s21+$0x10];
	_ =	sdelay $0x1  }
0xb6: {  	v2 =	vld [tilespmem:s16+$0x10];
	_ =	sdelay $0x1  }
0xb7: {  	s20 =	simm.s32 $0x960  }
0xb8: {  	s18 =	simm.s32 $0x0;
	s21 =	simm.s32 $0x160;
	s19 =	simm.s32 $0x1920;
	v3 =	vadd.f32 v4, v3  }
.LBB2_7:
0xb9: {  	s18 =	sadd.s32 $0x4, s18;
	s17 =	sadd.s32 $0x40, s17;
	s16 =	sadd.s32 $0x40, s16  }
0xba: {  	p0 =	slt.u32 s18, $0x7C;
	v2 =	vadd.f32 v2, v3;
	_ =	sdelay $0x1  }
0xbb: {  	v2 =	vmax.f32 v2, $0.0e+00  }
0xbc: {  	[tilespmem:s19+$0x10] =	vst v2;
	s19 =	smov.u32 s17  }
0xbd: {  	v2 =	vld [tilespmem:s20+$0xFFFFFFE0]  }
0xbe: {  	v3 =	vld [tilespmem:s21+$0xFFFFFFE0];
	_ =	sdelay $0x1  }
0xbf: {  	v4 =	vld [tilespmem:s16+$0xFFFFFFE0];
	_ =	sdelay $0x2  }
0xc0: {  	v2 =	vadd.f32 v2, v3;
	_ =	sdelay $0x1  }
0xc1: {  	v2 =	vadd.f32 v4, v2;
	_ =	sdelay $0x1  }
0xc2: {  	v2 =	vmax.f32 v2, $0.0e+00  }
0xc3: {  	[tilespmem:s17+$0xFFFFFFE0] =	vst v2  }
0xc4: {  	v2 =	vld [tilespmem:s21+$0xFFFFFFF0]  }
0xc5: {  	v3 =	vld [tilespmem:s20+$0xFFFFFFF0];
	_ =	sdelay $0x1  }
0xc6: {  	v4 =	vld [tilespmem:s16+$0xFFFFFFF0];
	_ =	sdelay $0x2  }
0xc7: {  	v2 =	vadd.f32 v3, v2;
	_ =	sdelay $0x1  }
0xc8: {  	v2 =	vadd.f32 v4, v2;
	_ =	sdelay $0x1  }
0xc9: {  	v2 =	vmax.f32 v2, $0.0e+00  }
0xca: {  	[tilespmem:s17+$0xFFFFFFF0] =	vst v2  }
0xcb: {  	v2 =	vld [tilespmem:s21+$0x0]  }
0xcc: {  	v3 =	vld [tilespmem:s20+$0x0];
	_ =	sdelay $0x1  }
0xcd: {  	v4 =	vld [tilespmem:s16+$0x0];
	_ =	sdelay $0x2  }
0xce: {  	v2 =	vadd.f32 v3, v2;
	_ =	sdelay $0x1  }
0xcf: {  	v2 =	vadd.f32 v4, v2;
	_ =	sdelay $0x1  }
0xd0: {  	v2 =	vmax.f32 v2, $0.0e+00  }
0xd1: {  	[tilespmem:s17+$0x0] =	vst v2  }
0xd2: {  	v3 =	vld [tilespmem:s21+$0x10]  }
0xd3: {  	v4 =	vld [tilespmem:s20+$0x10]  }
.Ltmp2:
0xd4: {  	v2 =	vld [tilespmem:s16+$0x10];
	(pc) =	sbr.rel @p0 .LBB2_7-.Ltmp2, $2  }
0xd5: {  	_ =	sdelay $0x2  }
0xd6: {  	s21 =	sadd.s32 $0x40, s21;
	s20 =	sadd.s32 $0x40, s20;
	v3 =	vadd.f32 v4, v3  }
0xd7: {  	_ = 	snop  }
0xd8: {  	v2 =	vadd.f32 v2, v3;
	_ =	sdelay $0x1  }
0xd9: {  	v2 =	vmax.f32 v2, $0.0e+00  }
0xda: {  	[tilespmem:s19+$0x10] =	vst v2  }
0xdb: {  	[spmem:s1] =	stream.indirect.scatter.add.f32 [tilespmem:s23], [sflag:$0x2], $0x10, s4, s29, $0xb8;
	[tilespmem:$0x1C510] =	vst v63  }
0xdc: {  	s15 =	sadd.s32 $0x1, s15;
	_ =	swait.ge [sflag:s26], $0x800  }
0xdd: {  	p0 =	sne.s32 s15, $0x187;
	[sflag:s26] =	ssyncset.done $0x0  }
.Ltmp3:
0xde: {  	[sflag:s26] =	ssyncadd.s32 $0xFFFFF800;
	(pc) =	sbr.rel @p0 .LBB2_6-.Ltmp3, $4  }
0xdf: {  	[spmem:s2] =	stream.indirect.scatter.add.f32 [tilespmem:s13], [sflag:$0x2], $0x1, s4, s29, $0xb8;
	[tilespmem:$0x1C510] =	vst v63  }
0xe0: {  	_ =	swait.ge [sflag:s26], $0x80  }
0xe1: {  	[sflag:s26] =	ssyncset.done $0x0  }
0xe2: {  	[sflag:s26] =	ssyncadd.s32 $0xFFFFFF80  }
0xe3: {  	s15 =	stileid.u32  }
0xe4: {  	[bflag:$0x0] =	sbarrier.arrive $0xFFFF;
	s15 =	sshll.u32 s15, $0x6  }
0xe5: {  	s16 =	rddreg [dreg:$0x5];
	s15 =	sor.u32 $0x1C02, s15  }
0xe6: {  	[hbm:s16], [sflag:s15] =	dma.local [spmem:s24], $0x3100  }
0xe7: {  	_ =	swait.ge [sflag:s26], $0x3100  }
0xe8: {  	[sflag:s26] =	ssyncset.done $0x0  }
0xe9: {  	s20 =	rddreg [dreg:$0x6];
	[sflag:s26] =	ssyncadd.s32 $0xFFFFCF00  }
0xea: {  	[hbm:s20], [sflag:s15] =	dma.local [spmem:s25], $0x310  }
0xeb: {  	_ =	swait.ge [sflag:s26], $0x310  }
0xec: {  	s14 =	sadd.s32 $0x1, s14;
	s21 =	rddreg [dreg:$0x7]  }
0xed: {  	p0 =	sne.s32 s14, s21  }
.Ltmp4:
0xee: {  	_ = 	snop;
	(pc) =	sbr.rel @p0 .LBB2_1-.Ltmp4, $3  }
0xef: {  	_ =	sdelay $0x1  }
0xf0: {  	[sflag:s26] =	ssyncset.done $0x0  }
0xf1: {  	[sflag:s26] =	ssyncadd.s32 $0xFFFFFCF0  }
0xf2: {  	_ =	sfence.sel $0x180000  }
0xf3: {  	[bflag:$0x0] =	sbarrier.arrive $0xFFFF  }
0xf4: {  	_ =	strace $0x90000047  }
0xf5: {  	s0 =	stileid.u32;
	[bflag:$0x2] =	sbarrier.arrive $0xFFFF  }
0xf6: {  	p0 =	sne.s32 s0, $0x0;
	s0 =	rddreg [dreg:$0x4]  }
0xf7: {  	s0 =	sadd.s32 @!p0 $0x100000, s0  }
0xf8: {  	[sflag:s0] =	ssyncadd.tile.s32 @!p0 $0x1;
	_ =	shalt  }
.Lfunc_end2:
_tile_overlayer_lowered:
.L_overlay_start_2:
0xf9: {  	(tag) =	ssettag $0x2  }
0xfa: {  	s0 =	rddreg [dreg:$0x0];
	s2 =	stileid.u32  }
0xfb: {  	s1 =	rddreg [dreg:$0x1];
	p0 =	sne.s32 s2, $0x0  }
0xfc: {  	s3 =	rddreg [dreg:$0x2];
	[bflag:$0x3] =	sbarrier.arrive $0xFFFF;
	s2 =	simm.s32 @!p0 $0x1C02  }
0xfd: {  	[timem:s3], [sflag:s2] =	dma.local @!p0 [hbm:s0], s1  }
0xfe: {  	s0 =	simm.s32 @!p0 $0x2  }
0xff: {  	_ =	swait.ge @!p0 [sflag:s0], s1  }
0x100: {  	s1 =	ssub.s32 @!p0 $0x0, s1;
	[sflag:s0] =	ssyncset.done @!p0 $0x0  }
0x101: {  	[sflag:s0] =	ssyncadd.s32 @!p0 s1  }
0x102: {  	[bflag:$0x3] =	sbarrier.arrive $0xFFFF  }
0x103: {  	_ =	shalt  }

// kernel: kernel.15.cloned.1.call-start
scs
__scs_entry_jumppad:
0x0: {  	(pc) =	sbr.rel $0x88, $3  }
0x1: {  	(tag) =	ssettag $0x0;
	lr =	simm.s32 $0x1  }
0x2: {  	[smem:$0x3F91] =	sst lr;
	_ =	strace $0xD0000000  }
0x3: {  	_ = 	snop  }
0x4: {  	_ = 	snop  }
0x5: {  	_ = 	snop  }
0x6: {  	_ = 	snop  }
0x7: {  	_ = 	snop  }
__scs_overlays_trampoline_lowered:
0x8: {  	[smem:$0x3FA0] =	sst s0  }
0x9: {  	[smem:$0x3FA1] =	sst s1  }
0xa: {  	[smem:$0x3FA2] =	sst s2  }
0xb: {  	[smem:$0x3FA3] =	sst s3  }
0xc: {  	[smem:$0x3FA4] =	sst s4  }
0xd: {  	[smem:$0x3FA5] =	sst s5  }
0xe: {  	[smem:$0x3FA6] =	sst s6  }
0xf: {  	[smem:$0x3FA7] =	sst s7  }
0x10: {  	[smem:$0x3FA8] =	sst s8  }
0x11: {  	[smem:$0x3FA9] =	sst s9;
	s0 =	simm.s32 @!p0 $0x0  }
0x12: {  	s1 =	sld [smem:$0x3F8F];
	s0 =	simm.s32 @p0 $0x1  }
0x13: {  	[smem:$0x3FAA] =	sst s0;
	s0 =	simm.s32 @!p1 $0x0  }
0x14: {  	s2 =	sld [smem:$0x3F8E];
	s0 =	simm.s32 @p1 $0x1  }
0x15: {  	[smem:$0x3FAB] =	sst s0;
	s0 =	simm.s32 @!p2 $0x0  }
0x16: {  	s3 =	sld [smem:$0x3FDB];
	s0 =	simm.s32 @p2 $0x1  }
0x17: {  	s4 =	simm.s32 $0x1BF5;
	[smem:$0x3FAD] =	sst s0  }
0x18: {  	s0 =	sld [smem:$0x3F90];
	_ =	swait.ge [sflag:s4], $0x0  }
0x19: {  	s7 =	sld [smem:$0x3F91]  }
0x1a: {  	s8 =	sadd.s32 $0xFFFFE003, lr  }
0x1b: {  	s9 =	sadd.s32 $0xFFFFFEF7, lr;
	s5 =	simm.s32 $0xFFFFFFFF;
	p2 =	slt.u32 s8, $0xFFFFF086  }
0x1c: {  	p1 =	slt.u32 s9, $0xF7A;
	s5 =	simm.s32 @!p2 $0x0  }
0x1d: {  	s5 =	simm.s32 @p1 $0x1;
	p0 =	seq.s32 s7, s2  }
0x1e: {  	s7 =	smul.u32 @!p0 $0xF7A, s2;
	p2 =	seq.s32 @!p0 s5, $0x0  }
0x1f: {  	s9 =	smul.u32 $0xF7A, s1;
	s8 =	simm.s32 @!p0 $0x1BF5;
	p2 =	por !p2, p0  }
0x20: {  	[sflag:s8] =	ssyncset.s32 @!p0 $0xFFFFF086;
	s6 =	sadd.s32 @!p0 s3, s7;
	s7 =	simm.s32 @!p0 $0x108  }
0x21: {  	s3 =	sadd.s32 s3, s9;
	s6 =	sadd.s32 @!p0 $0x88, s6;
	s7 =	simm.s32 @p2 $0x1082  }
0x22: {  	[simem:s7], [sflag:s8] =	dma.local @!p0 [hbm:s6], $0xF7A  }
0x23: {  	s9 =	sor.u32 $0xD0000000, s2;
	s6 =	simm.s32 $0x108;
	_ =	swait.ge @!p0 [sflag:s8], $0x0  }
0x24: {  	s3 =	sadd.s32 $0x88, s3;
	s6 =	simm.s32 @!p1 $0x1082;
	[sflag:s4] =	ssyncset.s32 $0xFFFFF086  }
0x25: {  	[simem:s6], [sflag:s4] =	dma.local [hbm:s3], $0xF7A  }
0x26: {  	[smem:$0x3F91] =	sst s1;
	(tag) =	ssettag s2;
	_ =	strace s9  }
0x27: {  	s1 =	sld [smem:$0x3FA1]  }
0x28: {  	s2 =	sld [smem:$0x3FA2]  }
0x29: {  	s4 =	sld [smem:$0x3FA4]  }
0x2a: {  	p0 =	seq.s32 s5, $0x0;
	s5 =	sld [smem:$0x3FA5]  }
0x2b: {  	s6 =	sld [smem:$0x3FA6]  }
0x2c: {  	s7 =	sld [smem:$0x3FA7]  }
0x2d: {  	s3 =	simm.s32 $0x108;
	s8 =	sld [smem:$0x3FA8]  }
0x2e: {  	s3 =	simm.s32 @!p0 $0x1082;
	s9 =	sld [smem:$0x3FA9]  }
0x2f: {  	lr =	sadd.s32 s0, s3;
	s0 =	sld [smem:$0x3FA0]  }
0x30: {  	s3 =	sld [smem:$0x3FA3]  }
0x31: {  	[smem:$0x3FAC] =	sst s10  }
0x32: {  	s10 =	sld [smem:$0x3FAA];
	_ =	sdelay $0x3  }
0x33: {  	p0 =	seq.s32 s10, $0x1;
	s10 =	sld [smem:$0x3FAC];
	_ =	sdelay $0x3  }
0x34: {  	[smem:$0x3FAC] =	sst s10  }
0x35: {  	s10 =	sld [smem:$0x3FAB];
	_ =	sdelay $0x3  }
0x36: {  	p1 =	seq.s32 s10, $0x1;
	s10 =	sld [smem:$0x3FAC];
	_ =	sdelay $0x3  }
0x37: {  	[smem:$0x3FAC] =	sst s10  }
0x38: {  	s10 =	sld [smem:$0x3FAD]  }
0x39: {  	_ = 	snop;
	(pc) =	sbr.ind lr, $3  }
0x3a: {  	_ = 	snop  }
0x3b: {  	_ = 	snop  }
0x3c: {  	p2 =	seq.s32 s10, $0x1;
	s10 =	sld [smem:$0x3FAC]  }
0x3d: {  	_ =	shalt  }
0x3e: {  	_ =	shalt  }
0x3f: {  	_ =	shalt  }
0x40: {  	_ =	shalt  }
0x41: {  	_ =	shalt  }
0x42: {  	_ =	shalt  }
0x43: {  	_ =	shalt  }
0x44: {  	_ =	shalt  }
0x45: {  	_ =	shalt  }
0x46: {  	_ =	shalt  }
0x47: {  	_ =	shalt  }
0x48: {  	_ =	shalt  }
0x49: {  	_ =	shalt  }
0x4a: {  	_ =	shalt  }
0x4b: {  	_ =	shalt  }
0x4c: {  	_ =	shalt  }
0x4d: {  	_ =	shalt  }
0x4e: {  	_ =	shalt  }
0x4f: {  	_ =	shalt  }
0x50: {  	_ =	shalt  }
0x51: {  	_ =	shalt  }
0x52: {  	_ =	shalt  }
0x53: {  	_ =	shalt  }
0x54: {  	_ =	shalt  }
0x55: {  	_ =	shalt  }
0x56: {  	_ =	shalt  }
0x57: {  	_ =	shalt  }
0x58: {  	_ =	shalt  }
0x59: {  	_ =	shalt  }
0x5a: {  	_ =	shalt  }
0x5b: {  	_ =	shalt  }
0x5c: {  	_ =	shalt  }
0x5d: {  	_ =	shalt  }
0x5e: {  	_ =	shalt  }
0x5f: {  	_ =	shalt  }
0x60: {  	_ =	shalt  }
0x61: {  	_ =	shalt  }
0x62: {  	_ =	shalt  }
0x63: {  	_ =	shalt  }
0x64: {  	_ =	shalt  }
0x65: {  	_ =	shalt  }
0x66: {  	_ =	shalt  }
0x67: {  	_ =	shalt  }
0x68: {  	_ =	shalt  }
0x69: {  	_ =	shalt  }
0x6a: {  	_ =	shalt  }
0x6b: {  	_ =	shalt  }
0x6c: {  	_ =	shalt  }
0x6d: {  	_ =	shalt  }
0x6e: {  	_ =	shalt  }
0x6f: {  	_ =	shalt  }
0x70: {  	_ =	shalt  }
0x71: {  	_ =	shalt  }
0x72: {  	_ =	shalt  }
0x73: {  	_ =	shalt  }
0x74: {  	_ =	shalt  }
0x75: {  	_ =	shalt  }
0x76: {  	_ =	shalt  }
0x77: {  	_ =	shalt  }
0x78: {  	_ =	shalt  }
0x79: {  	_ =	shalt  }
0x7a: {  	_ =	shalt  }
0x7b: {  	_ =	shalt  }
0x7c: {  	_ =	shalt  }
0x7d: {  	_ =	shalt  }
0x7e: {  	_ =	shalt  }
0x7f: {  	_ =	shalt  }
0x80: {  	_ =	shalt  }
0x81: {  	_ =	shalt  }
0x82: {  	_ =	shalt  }
0x83: {  	_ =	shalt  }
0x84: {  	_ =	shalt  }
0x85: {  	_ =	shalt  }
0x86: {  	_ =	shalt  }
0x87: {  	_ =	shalt  }
.Lfunc_end0:
.L_simem_size_0:
called_computation.1_lowered:
.L_overlay_start_0:
0x88: {  	s2 =	sld [smem:$0x3FD9]  }
0x89: {  	s3 =	sld [smem:$0x3FFE];
	_ =	sdelay $0x1  }
0x8a: {  	s1 =	srdreg.scid  }
0x8b: {  	s0 =	sand.u32 $0x1, s1  }
0x8c: {  	s16 =	sshll.u32 s0, $0xA;
	s2 =	sadd.s32 s3, s2  }
0x8d: {  	s2 =	sadd.s32 s2, s16  }
0x8e: {  	[smem:$0x3FB8] =	sst s2  }
0x8f: {  	_ = 	snop  }
0x90: {  	(tm) =	ssettm $0x1  }
0x91: {  	s17 =	sld [smem:$0x3FFB];
	_ =	sdelay $0x3  }
0x92: {  	_ =	strace s17  }
0x93: {  	s2 =	sld [smem:$0x3FFC];
	_ =	sdelay $0x3  }
0x94: {  	_ =	strace s2  }
0x95: {  	s2 =	sld [smem:$0x3FFD];
	_ =	sdelay $0x3  }
0x96: {  	_ =	strace s2  }
0x97: {  	_ =	strace $0x8FFFFFFF  }
0x98: {  	s18 =	sld [smem:$0x3FDB];
	_ =	sdelay $0x1  }
0x99: {  	s19 =	simm.s32 $_scs_section_size  }
0x9a: {  	s4 =	simm.s32 $_size__tile_overlayer_lowered;
	s5 =	simm.s32 $_tile_overlayer_lowered  }
0x9b: {  	s22 =	simm.s32 $0x1BFF;
	s21 =	sshll.u32 s5, $0x1;
	s2 =	sadd.s32 s19, s18  }
0x9c: {  	s6 =	simm.s32 $0x0;
	s20 =	sshll.u32 s4, $0x1;
	s4 =	sadd.s32 s21, s2  }
0x9d: {  	[timem:s6], [sflag:s22] =	dma.local [hbm:s4], s20  }
0x9e: {  	_ =	swait.ge [sflag:s22], s20  }
0x9f: {  	s3 =	ssub.s32 $0x0, s20;
	[sflag:s22] =	ssyncset.done $0x0  }
0xa0: {  	[sflag:s22] =	ssyncadd.s32 s3;
	_ =	sdelay $0x1  }
0xa1: {  	s23 =	simm.s32 $0x1B8B  }
0xa2: {  	_ =	swait.ge [sflag:s23], $0x1  }
0xa3: {  	[sflag:s23] =	ssyncset.done $0x0  }
0xa4: {  	s25 =	simm.s32 $0x1B8E;
	s24 =	sld [smem:$0x3FFE];
	[sflag:s23] =	ssyncadd.s32 $0xFFFFFFFF  }
0xa5: {  	s26 =	simm.s32 $execute0_lowered;
	[smem:$0x3FD2] =	sst s25  }
0xa6: {  	s4 =	sshll.u32 s26, $0x1;
	_ =	strace $0x80000049;
	[dreg:$0x1] =	wrdreg $0xFFFFFFFF  }
0xa7: {  	s28 =	simm.s32 $_size_execute0_lowered;
	s2 =	sadd.s32 s2, s4;
	[dreg:$0x0] =	wrdreg $0x0  }
0xa8: {  	s4 =	sshll.u32 s28, $0x1;
	[dreg:$0x2] =	wrdreg s2  }
0xa9: {  	[dreg:$0x3] =	wrdreg s4  }
0xaa: {  	[dreg:$0x4] =	wrdreg $0xC0  }
0xab: {  	_ =	task [dreg:s6], $0x5FFFF  }
0xac: {  	[dreg:$0x1] =	wrdreg $0xFFFFFFFF  }
0xad: {  	[dreg:$0x0] =	wrdreg $0x60  }
0xae: {  	[dreg:$0x2] =	wrdreg s24  }
0xaf: {  	[dreg:$0x3] =	wrdreg $0x9000  }
0xb0: {  	[dreg:$0x4] =	wrdreg $0x9  }
0xb1: {  	_ =	task.clear_ibuf [dreg:s6], $0x5FFFF;
	_ =	strace $0x90000049  }
0xb2: {  	s29 =	simm.s32 $0x9;
	_ =	strace $0x8000004B  }
0xb3: {  	_ =	swait.ge [sflag:s29], $0x1  }
0xb4: {  	[sflag:s29] =	ssyncadd.s32 $0xFFFFFFFF  }
0xb5: {  	_ =	strace $0x9000004B  }
0xb6: {  	_ =	sfence  }
0xb7: {  	s30 =	sld [smem:$0x0];
	_ =	sdelay $0x2  }
0xb8: {  	s31 =	sshll.u32 s1, $0xD;
	s1 =	sshrl.u32 s1, $0x2  }
0xb9: {  	s3 =	sand.u32 $0x4000, s31;
	s1 =	sadd.s32 s1, s30  }
0xba: {  	s0 =	sor.u32 s3, s0;
	s1 =	sshll.u32 s1, $0x11  }
0xbb: {  	s0 =	sor.u32 s1, s0  }
0xbc: {  	s0 =	sadd.s32 $0x8F2B, s0  }
0xbd: {  	[sflag:s0] =	ssyncadd.remote.s32 $0x1  }
0xbe: {  	_ =	sfence.sel $0xFFFF  }
0xbf: {  	[dreg:$0x0] =	wrdreg $0xFFFFFFFF;
	(pc) =	sbr.abs _section_cstart, $3  }
0xc0: {  	[dreg:$0x1] =	wrdreg $0xFFFFFFFF  }
0xc1: {  	_ =	task.clear_ibuf [dreg:s6], $0x2FFFF;
	_ =	strace $0x9FFFFFFF  }
0xc2: {  	(tm) =	ssettm $0x7FFFFFFF  }
0xc3: {  	_ =	shalt  }
tec
execute0_lowered:
.L_overlay_start_1:
0x0: {  	(tag) =	ssettag $0x1  }
0x1: {  	s5 =	rddreg [dreg:$0x0]  }
0x2: {  	s0 =	srdreg.scid;
	s2 =	rddreg [dreg:$0x1]  }
0x3: {  	s1 =	rddreg [dreg:$0x2];
	s3 =	simm.s32 $0x0;
	s6 =	sand.u32 $0x1, s0  }
0x4: {  	s12 =	simm.s32 $0x80;
	s0 =	stileid.u32;
	s7 =	smul.u32 $0xC3800, s6  }
0x5: {  	s13 =	simm.s32 $0x1;
	s16 =	simm.s32 $0x0;
	s8 =	smul.u32 $0xC380, s0  }
0x6: {  	[smem:$0x7FF] =	sst s3;
	s4 =	sadd.s32 $0x190000, s5;
	s9 =	smul.u32 $0x188000, s6  }
0x7: {  	s10 =	smul.u32 $0x18800, s0;
	_ =	strace $0x8000004A;
	s6 =	ssub.s32 $0x2, s6  }
0x8: {  	s26 =	smul.u32 $0x62000, s0;
	s14 =	sshll.u32 s0, $0x6;
	s29 =	sshrl.u32 s6, $0x1  }
0x9: {  	s14 =	sor.u32 $0x1C02, s14;
	s7 =	sadd.s32 s8, s7;
	s25 =	sadd.s32 s10, s9  }
0xa: {  	s30 =	sshrl.u32 s26, $0x2;
	s31 =	ssub.s32 s6, s29;
	s15 =	sadd.s32 s10, s2  }
0xb: {  	s10 =	simm.s32 $0x100;
	s7 =	sshrl.u32 s7, $0x3;
	s28 =	sshrl.u32 s25, $0x3  }
0xc: {  	s15 =	sshrl.u32 s15, $0x3;
	s11 =	sadd.s32 s7, s5;
	s7 =	sadd.s32 s28, s5  }
0xd: {  	s5 =	sadd.s32 s30, s2;
	s6 =	sadd.s32 $0x253C00, s7;
	s7 =	smax.u32 s31, $0x1  }
0xe: {  	v0 =	vimm.f32 $0.0e+00;
	s8 =	sadd.s32 $0x222E00, s11;
	s9 =	sadd.s32 $0x1F2000, s11;
	s11 =	simm.s32 $0x2  }
.LBB2_1:
0xf: {  	s17 =	simm.s32 $0x0  }
.LBB2_2:
0x10: {  	p0 =	sne.s32 s17, $0x1FC0  }
.Ltmp0:
0x11: {  	_ = 	snop;
	(pc) =	sbr.rel @p0 .LBB2_2-.Ltmp0, $3  }
0x12: {  	_ =	sdelay $0x1  }
0x13: {  	s18 =	sshra.s32 s17, $0x2  }
0x14: {  	s17 =	sadd.s32 $0x40, s17;
	[tilespmem:s18+$0x100] =	vst v0  }
0x15: {  	s17 =	sadd.s32 $0x0, s5  }
0x16: {  	[spmem:s17] =	stream.linear.scatter [tilespmem:s10], [sflag:$0x2], $0x800, $0x38;
	[tilespmem:$0x19100] =	vst v63  }
0x17: {  	s17 =	simm.s32 $0x2000;
	_ =	swait.ge [sflag:s11], $0x800  }
.LBB2_4:
0x18: {  	s18 =	sshra.s32 s17, $0x2;
	[sflag:s11] =	ssyncset.done $0x0;
	p0 =	sne.s32 s17, $0x60000  }
.Ltmp1:
0x19: {  	s18 =	sadd.s32 s18, s5;
	[sflag:s11] =	ssyncadd.s32 $0xFFFFF800;
	(pc) =	sbr.rel @p0 .LBB2_4-.Ltmp1, $3  }
0x1a: {  	[spmem:s18] =	stream.linear.scatter [tilespmem:s10], [sflag:$0x2], $0x800, $0x38;
	[tilespmem:$0x19100] =	vst v63  }
0x1b: {  	s17 =	sadd.s32 $0x2000, s17;
	_ =	sdelay $0x1  }
0x1c: {  	_ =	swait.ge [sflag:s11], $0x800  }
0x1d: {  	[sflag:s11] =	ssyncset.done $0x0  }
0x1e: {  	[sflag:s11] =	ssyncadd.s32 $0xFFFFF800  }
0x1f: {  	s17 =	sadd.s32 $0x0, s9;
	[bflag:$0x0] =	sbarrier.arrive $0xFFFF  }
0x20: {  	[tilespmem:s3], [sflag:$0x2] =	stream.linear.gather [hbm4b:s17+s3], $0x80, $0x38;
	[tilespmem:$0x19100] =	vst v63  }
0x21: {  	_ =	swait.ge [sflag:s11], $0x80  }
0x22: {  	[sflag:s11] =	ssyncset.done $0x0  }
0x23: {  	s31 =	sadd.s32 $0x0, s8;
	[sflag:s11] =	ssyncadd.s32 $0xFFFFFF80  }
0x24: {  	[tilespmem:s12], [sflag:$0x2] =	stream.linear.gather [hbm4b:s31+s3], $0x80, $0x38;
	[tilespmem:$0x19100] =	vst v63  }
0x25: {  	_ =	swait.ge [sflag:s11], $0x80  }
0x26: {  	[sflag:s11] =	ssyncset.done $0x0  }
0x27: {  	[sflag:s11] =	ssyncadd.s32 $0xFFFFFF80  }
0x28: {  	[tilespmem:s10], [sflag:$0x1] =	stream.indirect.gather [hbm4b:s4+s12], $0x10, s3, s12, $0xb8;
	[tilespmem:$0x19100] =	vst v63  }
0x29: {  	_ =	swait.ge [sflag:s13], $0x800  }
0x2a: {  	[sflag:s13] =	ssyncset.done $0x0  }
0x2b: {  	[sflag:s13] =	ssyncadd.s32 $0xFFFFF800  }
0x2c: {  	[spmem:s2] =	stream.indirect.scatter.add.f32 [tilespmem:s10], [sflag:$0x2], $0x10, s12, s12, $0xb8;
	[tilespmem:$0x19100] =	vst v63  }
0x2d: {  	_ =	swait.ge [sflag:s11], $0x800  }
0x2e: {  	s18 =	simm.s32 $0x20;
	s17 =	simm.s32 $0x10;
	[sflag:s11] =	ssyncset.done $0x0  }
.LBB2_6:
0x2f: {  	s19 =	sadd.s32 s17, s9  }
0x30: {  	[sflag:s11] =	ssyncadd.s32 $0xFFFFF800;
	s20 =	smov.u32 s18;
	s21 =	sadd.s32 $0x10, s18  }
0x31: {  	[tilespmem:s3], [sflag:$0x2] =	stream.linear.gather [hbm4b:s19+s3], $0x80, $0x38;
	[tilespmem:$0x19100] =	vst v63  }
0x32: {  	p0 =	sne.s32 s18, $0x1860;
	_ =	swait.ge [sflag:s11], $0x80  }
0x33: {  	[sflag:s11] =	ssyncset.done $0x0  }
0x34: {  	s18 =	sadd.s32 s17, s8;
	s17 =	smov.u32 s20;
	[sflag:s11] =	ssyncadd.s32 $0xFFFFFF80  }
0x35: {  	[tilespmem:s12], [sflag:$0x2] =	stream.linear.gather [hbm4b:s18+s3], $0x80, $0x38;
	[tilespmem:$0x19100] =	vst v63  }
0x36: {  	_ =	swait.ge [sflag:s11], $0x80  }
0x37: {  	[sflag:s11] =	ssyncset.done $0x0  }
0x38: {  	[sflag:s11] =	ssyncadd.s32 $0xFFFFFF80  }
0x39: {  	[tilespmem:s10], [sflag:$0x1] =	stream.indirect.gather [hbm4b:s4+s12], $0x10, s3, s12, $0xb8;
	[tilespmem:$0x19100] =	vst v63  }
0x3a: {  	_ =	swait.ge [sflag:s13], $0x800  }
.Ltmp2:
0x3b: {  	[sflag:s13] =	ssyncset.done $0x0;
	(pc) =	sbr.rel @p0 .LBB2_6-.Ltmp2, $4  }
0x3c: {  	[sflag:s13] =	ssyncadd.s32 $0xFFFFF800  }
0x3d: {  	[spmem:s2] =	stream.indirect.scatter.add.f32 [tilespmem:s10], [sflag:$0x2], $0x10, s12, s12, $0xb8;
	[tilespmem:$0x19100] =	vst v63  }
0x3e: {  	_ =	swait.ge [sflag:s11], $0x800  }
0x3f: {  	s18 =	smov.u32 s21;
	[sflag:s11] =	ssyncset.done $0x0  }
0x40: {  	s18 =	sadd.s32 s17, s9;
	[sflag:s11] =	ssyncadd.s32 $0xFFFFF800  }
0x41: {  	[tilespmem:s3], [sflag:$0x2] =	stream.linear.gather [hbm4b:s18+s3], $0x80, $0x38;
	[tilespmem:$0x19100] =	vst v63  }
0x42: {  	_ =	swait.ge [sflag:s11], $0x80  }
0x43: {  	[sflag:s11] =	ssyncset.done $0x0  }
0x44: {  	s31 =	sadd.s32 s17, s8;
	[sflag:s11] =	ssyncadd.s32 $0xFFFFFF80  }
0x45: {  	[tilespmem:s12], [sflag:$0x2] =	stream.linear.gather [hbm4b:s31+s3], $0x80, $0x38;
	[tilespmem:$0x19100] =	vst v63  }
0x46: {  	_ =	swait.ge [sflag:s11], $0x80  }
0x47: {  	[sflag:s11] =	ssyncset.done $0x0  }
0x48: {  	[sflag:s11] =	ssyncadd.s32 $0xFFFFFF80  }
0x49: {  	[tilespmem:s10], [sflag:$0x1] =	stream.indirect.gather [hbm4b:s4+s12], $0x10, s3, s12, $0xb8;
	[tilespmem:$0x19100] =	vst v63  }
0x4a: {  	_ =	swait.ge [sflag:s13], $0x800  }
0x4b: {  	[sflag:s13] =	ssyncset.done $0x0  }
0x4c: {  	[sflag:s13] =	ssyncadd.s32 $0xFFFFF800  }
0x4d: {  	[spmem:s2] =	stream.indirect.scatter.add.f32 [tilespmem:s10], [sflag:$0x2], $0x10, s12, s12, $0xb8;
	[tilespmem:$0x19100] =	vst v63  }
0x4e: {  	_ =	swait.ge [sflag:s11], $0x800  }
0x4f: {  	s16 =	sadd.s32 $0x1, s16;
	[sflag:s11] =	ssyncset.done $0x0  }
0x50: {  	p0 =	sne.s32 s16, s7;
	[sflag:s11] =	ssyncadd.s32 $0xFFFFF800  }
.Ltmp3:
0x51: {  	[bflag:$0x0] =	sbarrier.arrive $0xFFFF;
	(pc) =	sbr.rel @p0 .LBB2_1-.Ltmp3, $4  }
0x52: {  	[hbm:s6], [sflag:s14] =	dma.local [spmem:s15], $0x3100  }
0x53: {  	_ =	swait.ge [sflag:s11], $0x3100  }
0x54: {  	[sflag:s11] =	ssyncset.done $0x0  }
0x55: {  	[sflag:s11] =	ssyncadd.s32 $0xFFFFCF00  }
0x56: {  	_ =	sfence.sel $0x180000  }
0x57: {  	[bflag:$0x0] =	sbarrier.arrive $0xFFFF  }
0x58: {  	p0 =	sne.s32 s0, $0x0;
	_ =	strace $0x9000004A  }
0x59: {  	s0 =	sadd.s32 @!p0 $0x100000, s1;
	[bflag:$0x2] =	sbarrier.arrive $0xFFFF  }
0x5a: {  	[sflag:s0] =	ssyncadd.tile.s32 @!p0 $0x1;
	_ =	shalt  }
.Lfunc_end2:
_tile_overlayer_lowered:
.L_overlay_start_2:
0x5b: {  	(tag) =	ssettag $0x2  }
0x5c: {  	s0 =	rddreg [dreg:$0x0];
	s2 =	stileid.u32  }
0x5d: {  	s1 =	rddreg [dreg:$0x1];
	p0 =	sne.s32 s2, $0x0  }
0x5e: {  	s3 =	rddreg [dreg:$0x2];
	[bflag:$0x3] =	sbarrier.arrive $0xFFFF;
	s2 =	simm.s32 @!p0 $0x1C02  }
0x5f: {  	[timem:s3], [sflag:s2] =	dma.local @!p0 [hbm:s0], s1  }
0x60: {  	s0 =	simm.s32 @!p0 $0x2  }
0x61: {  	_ =	swait.ge @!p0 [sflag:s0], s1  }
0x62: {  	s1 =	ssub.s32 @!p0 $0x0, s1;
	[sflag:s0] =	ssyncset.done @!p0 $0x0  }
0x63: {  	[sflag:s0] =	ssyncadd.s32 @!p0 s1  }
0x64: {  	[bflag:$0x3] =	sbarrier.arrive $0xFFFF  }
0x65: {  	_ =	shalt  }

// kernel: kernel.18.cloned.1.call-start
scs
__scs_entry_jumppad:
0x0: {  	(pc) =	sbr.rel $0x88, $3  }
0x1: {  	(tag) =	ssettag $0x0;
	lr =	simm.s32 $0x1  }
0x2: {  	[smem:$0x3F91] =	sst lr;
	_ =	strace $0xD0000000  }
0x3: {  	_ = 	snop  }
0x4: {  	_ = 	snop  }
0x5: {  	_ = 	snop  }
0x6: {  	_ = 	snop  }
0x7: {  	_ = 	snop  }
__scs_overlays_trampoline_lowered:
0x8: {  	[smem:$0x3FA0] =	sst s0  }
0x9: {  	[smem:$0x3FA1] =	sst s1  }
0xa: {  	[smem:$0x3FA2] =	sst s2  }
0xb: {  	[smem:$0x3FA3] =	sst s3  }
0xc: {  	[smem:$0x3FA4] =	sst s4  }
0xd: {  	[smem:$0x3FA5] =	sst s5  }
0xe: {  	[smem:$0x3FA6] =	sst s6  }
0xf: {  	[smem:$0x3FA7] =	sst s7  }
0x10: {  	[smem:$0x3FA8] =	sst s8  }
0x11: {  	[smem:$0x3FA9] =	sst s9;
	s0 =	simm.s32 @!p0 $0x0  }
0x12: {  	s1 =	sld [smem:$0x3F8F];
	s0 =	simm.s32 @p0 $0x1  }
0x13: {  	[smem:$0x3FAA] =	sst s0;
	s0 =	simm.s32 @!p1 $0x0  }
0x14: {  	s2 =	sld [smem:$0x3F8E];
	s0 =	simm.s32 @p1 $0x1  }
0x15: {  	[smem:$0x3FAB] =	sst s0;
	s0 =	simm.s32 @!p2 $0x0  }
0x16: {  	s3 =	sld [smem:$0x3FDB];
	s0 =	simm.s32 @p2 $0x1  }
0x17: {  	s4 =	simm.s32 $0x1BF5;
	[smem:$0x3FAD] =	sst s0  }
0x18: {  	s0 =	sld [smem:$0x3F90];
	_ =	swait.ge [sflag:s4], $0x0  }
0x19: {  	s7 =	sld [smem:$0x3F91]  }
0x1a: {  	s8 =	sadd.s32 $0xFFFFE003, lr  }
0x1b: {  	s9 =	sadd.s32 $0xFFFFFEF7, lr;
	s5 =	simm.s32 $0xFFFFFFFF;
	p2 =	slt.u32 s8, $0xFFFFF086  }
0x1c: {  	p1 =	slt.u32 s9, $0xF7A;
	s5 =	simm.s32 @!p2 $0x0  }
0x1d: {  	s5 =	simm.s32 @p1 $0x1;
	p0 =	seq.s32 s7, s2  }
0x1e: {  	s7 =	smul.u32 @!p0 $0xF7A, s2;
	p2 =	seq.s32 @!p0 s5, $0x0  }
0x1f: {  	s9 =	smul.u32 $0xF7A, s1;
	s8 =	simm.s32 @!p0 $0x1BF5;
	p2 =	por !p2, p0  }
0x20: {  	[sflag:s8] =	ssyncset.s32 @!p0 $0xFFFFF086;
	s6 =	sadd.s32 @!p0 s3, s7;
	s7 =	simm.s32 @!p0 $0x108  }
0x21: {  	s3 =	sadd.s32 s3, s9;
	s6 =	sadd.s32 @!p0 $0x88, s6;
	s7 =	simm.s32 @p2 $0x1082  }
0x22: {  	[simem:s7], [sflag:s8] =	dma.local @!p0 [hbm:s6], $0xF7A  }
0x23: {  	s9 =	sor.u32 $0xD0000000, s2;
	s6 =	simm.s32 $0x108;
	_ =	swait.ge @!p0 [sflag:s8], $0x0  }
0x24: {  	s3 =	sadd.s32 $0x88, s3;
	s6 =	simm.s32 @!p1 $0x1082;
	[sflag:s4] =	ssyncset.s32 $0xFFFFF086  }
0x25: {  	[simem:s6], [sflag:s4] =	dma.local [hbm:s3], $0xF7A  }
0x26: {  	[smem:$0x3F91] =	sst s1;
	(tag) =	ssettag s2;
	_ =	strace s9  }
0x27: {  	s1 =	sld [smem:$0x3FA1]  }
0x28: {  	s2 =	sld [smem:$0x3FA2]  }
0x29: {  	s4 =	sld [smem:$0x3FA4]  }
0x2a: {  	p0 =	seq.s32 s5, $0x0;
	s5 =	sld [smem:$0x3FA5]  }
0x2b: {  	s6 =	sld [smem:$0x3FA6]  }
0x2c: {  	s7 =	sld [smem:$0x3FA7]  }
0x2d: {  	s3 =	simm.s32 $0x108;
	s8 =	sld [smem:$0x3FA8]  }
0x2e: {  	s3 =	simm.s32 @!p0 $0x1082;
	s9 =	sld [smem:$0x3FA9]  }
0x2f: {  	lr =	sadd.s32 s0, s3;
	s0 =	sld [smem:$0x3FA0]  }
0x30: {  	s3 =	sld [smem:$0x3FA3]  }
0x31: {  	[smem:$0x3FAC] =	sst s10  }
0x32: {  	s10 =	sld [smem:$0x3FAA];
	_ =	sdelay $0x3  }
0x33: {  	p0 =	seq.s32 s10, $0x1;
	s10 =	sld [smem:$0x3FAC];
	_ =	sdelay $0x3  }
0x34: {  	[smem:$0x3FAC] =	sst s10  }
0x35: {  	s10 =	sld [smem:$0x3FAB];
	_ =	sdelay $0x3  }
0x36: {  	p1 =	seq.s32 s10, $0x1;
	s10 =	sld [smem:$0x3FAC];
	_ =	sdelay $0x3  }
0x37: {  	[smem:$0x3FAC] =	sst s10  }
0x38: {  	s10 =	sld [smem:$0x3FAD]  }
0x39: {  	_ = 	snop;
	(pc) =	sbr.ind lr, $3  }
0x3a: {  	_ = 	snop  }
0x3b: {  	_ = 	snop  }
0x3c: {  	p2 =	seq.s32 s10, $0x1;
	s10 =	sld [smem:$0x3FAC]  }
0x3d: {  	_ =	shalt  }
0x3e: {  	_ =	shalt  }
0x3f: {  	_ =	shalt  }
0x40: {  	_ =	shalt  }
0x41: {  	_ =	shalt  }
0x42: {  	_ =	shalt  }
0x43: {  	_ =	shalt  }
0x44: {  	_ =	shalt  }
0x45: {  	_ =	shalt  }
0x46: {  	_ =	shalt  }
0x47: {  	_ =	shalt  }
0x48: {  	_ =	shalt  }
0x49: {  	_ =	shalt  }
0x4a: {  	_ =	shalt  }
0x4b: {  	_ =	shalt  }
0x4c: {  	_ =	shalt  }
0x4d: {  	_ =	shalt  }
0x4e: {  	_ =	shalt  }
0x4f: {  	_ =	shalt  }
0x50: {  	_ =	shalt  }
0x51: {  	_ =	shalt  }
0x52: {  	_ =	shalt  }
0x53: {  	_ =	shalt  }
0x54: {  	_ =	shalt  }
0x55: {  	_ =	shalt  }
0x56: {  	_ =	shalt  }
0x57: {  	_ =	shalt  }
0x58: {  	_ =	shalt  }
0x59: {  	_ =	shalt  }
0x5a: {  	_ =	shalt  }
0x5b: {  	_ =	shalt  }
0x5c: {  	_ =	shalt  }
0x5d: {  	_ =	shalt  }
0x5e: {  	_ =	shalt  }
0x5f: {  	_ =	shalt  }
0x60: {  	_ =	shalt  }
0x61: {  	_ =	shalt  }
0x62: {  	_ =	shalt  }
0x63: {  	_ =	shalt  }
0x64: {  	_ =	shalt  }
0x65: {  	_ =	shalt  }
0x66: {  	_ =	shalt  }
0x67: {  	_ =	shalt  }
0x68: {  	_ =	shalt  }
0x69: {  	_ =	shalt  }
0x6a: {  	_ =	shalt  }
0x6b: {  	_ =	shalt  }
0x6c: {  	_ =	shalt  }
0x6d: {  	_ =	shalt  }
0x6e: {  	_ =	shalt  }
0x6f: {  	_ =	shalt  }
0x70: {  	_ =	shalt  }
0x71: {  	_ =	shalt  }
0x72: {  	_ =	shalt  }
0x73: {  	_ =	shalt  }
0x74: {  	_ =	shalt  }
0x75: {  	_ =	shalt  }
0x76: {  	_ =	shalt  }
0x77: {  	_ =	shalt  }
0x78: {  	_ =	shalt  }
0x79: {  	_ =	shalt  }
0x7a: {  	_ =	shalt  }
0x7b: {  	_ =	shalt  }
0x7c: {  	_ =	shalt  }
0x7d: {  	_ =	shalt  }
0x7e: {  	_ =	shalt  }
0x7f: {  	_ =	shalt  }
0x80: {  	_ =	shalt  }
0x81: {  	_ =	shalt  }
0x82: {  	_ =	shalt  }
0x83: {  	_ =	shalt  }
0x84: {  	_ =	shalt  }
0x85: {  	_ =	shalt  }
0x86: {  	_ =	shalt  }
0x87: {  	_ =	shalt  }
.Lfunc_end0:
.L_simem_size_0:
called_computation.2_lowered:
.L_overlay_start_0:
0x88: {  	s2 =	sld [smem:$0x3FD9]  }
0x89: {  	s3 =	sld [smem:$0x3FFE];
	_ =	sdelay $0x1  }
0x8a: {  	s1 =	srdreg.scid  }
0x8b: {  	s0 =	sand.u32 $0x1, s1  }
0x8c: {  	s16 =	sshll.u32 s0, $0xA;
	s2 =	sadd.s32 s3, s2  }
0x8d: {  	s2 =	sadd.s32 s2, s16  }
0x8e: {  	[smem:$0x3FB8] =	sst s2  }
0x8f: {  	_ = 	snop  }
0x90: {  	(tm) =	ssettm $0x1  }
0x91: {  	s17 =	sld [smem:$0x3FFB];
	_ =	sdelay $0x3  }
0x92: {  	_ =	strace s17  }
0x93: {  	s2 =	sld [smem:$0x3FFC];
	_ =	sdelay $0x3  }
0x94: {  	_ =	strace s2  }
0x95: {  	s2 =	sld [smem:$0x3FFD];
	_ =	sdelay $0x3  }
0x96: {  	_ =	strace s2  }
0x97: {  	_ =	strace $0x8FFFFFFF  }
0x98: {  	s18 =	sld [smem:$0x3FDB];
	_ =	sdelay $0x1  }
0x99: {  	s19 =	simm.s32 $_scs_section_size  }
0x9a: {  	s4 =	simm.s32 $_size__tile_overlayer_lowered;
	s5 =	simm.s32 $_tile_overlayer_lowered  }
0x9b: {  	s22 =	simm.s32 $0x1BFF;
	s21 =	sshll.u32 s5, $0x1;
	s2 =	sadd.s32 s19, s18  }
0x9c: {  	s6 =	simm.s32 $0x0;
	s20 =	sshll.u32 s4, $0x1;
	s4 =	sadd.s32 s21, s2  }
0x9d: {  	[timem:s6], [sflag:s22] =	dma.local [hbm:s4], s20  }
0x9e: {  	_ =	swait.ge [sflag:s22], s20  }
0x9f: {  	s3 =	ssub.s32 $0x0, s20;
	[sflag:s22] =	ssyncset.done $0x0  }
0xa0: {  	[sflag:s22] =	ssyncadd.s32 s3;
	_ =	sdelay $0x1  }
0xa1: {  	s23 =	simm.s32 $0x1B8B  }
0xa2: {  	_ =	swait.ge [sflag:s23], $0x1  }
0xa3: {  	[sflag:s23] =	ssyncset.done $0x0  }
0xa4: {  	s25 =	simm.s32 $0x1B8E;
	s24 =	sld [smem:$0x3FFE];
	[sflag:s23] =	ssyncadd.s32 $0xFFFFFFFF  }
0xa5: {  	s26 =	simm.s32 $execute0_lowered;
	[smem:$0x3FD2] =	sst s25  }
0xa6: {  	s4 =	sshll.u32 s26, $0x1;
	_ =	strace $0x8000004C;
	[dreg:$0x1] =	wrdreg $0xFFFFFFFF  }
0xa7: {  	s28 =	simm.s32 $_size_execute0_lowered;
	s2 =	sadd.s32 s2, s4;
	[dreg:$0x0] =	wrdreg $0x0  }
0xa8: {  	s4 =	sshll.u32 s28, $0x1;
	[dreg:$0x2] =	wrdreg s2  }
0xa9: {  	[dreg:$0x3] =	wrdreg s4  }
0xaa: {  	[dreg:$0x4] =	wrdreg $0xC0  }
0xab: {  	_ =	task [dreg:s6], $0x5FFFF  }
0xac: {  	[dreg:$0x1] =	wrdreg $0xFFFFFFFF  }
0xad: {  	[dreg:$0x0] =	wrdreg $0x60  }
0xae: {  	[dreg:$0x2] =	wrdreg s24  }
0xaf: {  	[dreg:$0x3] =	wrdreg $0x21000  }
0xb0: {  	[dreg:$0x4] =	wrdreg $0x9  }
0xb1: {  	_ =	task.clear_ibuf [dreg:s6], $0x5FFFF;
	_ =	strace $0x9000004C  }
0xb2: {  	s29 =	simm.s32 $0x9;
	_ =	strace $0x8000004E  }
0xb3: {  	_ =	swait.ge [sflag:s29], $0x1  }
0xb4: {  	[sflag:s29] =	ssyncadd.s32 $0xFFFFFFFF  }
0xb5: {  	_ =	strace $0x9000004E  }
0xb6: {  	_ =	sfence  }
0xb7: {  	s30 =	sld [smem:$0x0];
	_ =	sdelay $0x2  }
0xb8: {  	s31 =	sshll.u32 s1, $0xD;
	s1 =	sshrl.u32 s1, $0x2  }
0xb9: {  	s3 =	sand.u32 $0x4000, s31;
	s1 =	sadd.s32 s1, s30  }
0xba: {  	s0 =	sor.u32 s3, s0;
	s1 =	sshll.u32 s1, $0x11  }
0xbb: {  	s0 =	sor.u32 s1, s0  }
0xbc: {  	s0 =	sadd.s32 $0x8F2B, s0  }
0xbd: {  	[sflag:s0] =	ssyncadd.remote.s32 $0x1  }
0xbe: {  	_ =	sfence.sel $0xFFFF  }
0xbf: {  	[dreg:$0x0] =	wrdreg $0xFFFFFFFF;
	(pc) =	sbr.abs _section_cstart, $3  }
0xc0: {  	[dreg:$0x1] =	wrdreg $0xFFFFFFFF  }
0xc1: {  	_ =	task.clear_ibuf [dreg:s6], $0x2FFFF;
	_ =	strace $0x9FFFFFFF  }
0xc2: {  	(tm) =	ssettm $0x7FFFFFFF  }
0xc3: {  	_ =	shalt  }
tec
execute0_lowered:
.L_overlay_start_1:
0x0: {  	(tag) =	ssettag $0x1  }
0x1: {  	s9 =	rddreg [dreg:$0x0]  }
0x2: {  	s1 =	rddreg [dreg:$0x1]  }
0x3: {  	s2 =	srdreg.scid;
	s0 =	rddreg [dreg:$0x2]  }
0x4: {  	s3 =	simm.s32 $0x0;
	s15 =	simm.s32 $0x80;
	s16 =	simm.s32 $0x100  }
0x5: {  	s17 =	simm.s32 $0x900;
	s18 =	simm.s32 $0x1100;
	s19 =	simm.s32 $0x1  }
0x6: {  	s21 =	simm.s32 $0x0;
	s10 =	sand.u32 $0x1, s2;
	s2 =	stileid.u32  }
0x7: {  	[smem:$0x7FF] =	sst s3;
	s4 =	sadd.s32 $0x190000, s9;
	s5 =	sadd.s32 $0x625000, s9  }
0x8: {  	s6 =	sadd.s32 $0x935000, s9;
	s7 =	sadd.s32 $0x1F2000, s9;
	s8 =	smul.u32 $0x188000, s10  }
0x9: {  	s12 =	smul.u32 $0x18800, s2;
	_ =	strace $0x8000004D;
	s31 =	ssub.s32 $0x2, s10  }
0xa: {  	s13 =	smul.u32 $0x62000, s2;
	s10 =	sshll.u32 s10, $0x4;
	s14 =	sshrl.u32 s31, $0x1  }
0xb: {  	s10 =	sor.u32 s2, s10;
	s11 =	sadd.s32 s12, s8;
	s8 =	sadd.s32 $0x222E00, s9  }
0xc: {  	s13 =	sshrl.u32 s13, $0x2;
	s14 =	ssub.s32 s31, s14;
	s10 =	smul.u32 $0xC380, s10  }
0xd: {  	s20 =	sadd.s32 s12, s1;
	s11 =	sshrl.u32 s11, $0x3;
	s12 =	smax.u32 s14, $0x1  }
0xe: {  	s14 =	simm.s32 $0x2;
	s20 =	sshrl.u32 s20, $0x3;
	s11 =	sadd.s32 s11, s9  }
0xf: {  	v0 =	vimm.f32 $0.0e+00;
	s9 =	sadd.s32 s13, s1;
	s13 =	simm.s32 $0x1900;
	s11 =	sadd.s32 $0x656000, s11  }
.LBB2_1:
0x10: {  	s22 =	simm.s32 $0x0  }
.LBB2_2:
0x11: {  	p0 =	sne.s32 s22, $0x1FC0  }
.Ltmp0:
0x12: {  	_ = 	snop;
	(pc) =	sbr.rel @p0 .LBB2_2-.Ltmp0, $3  }
0x13: {  	_ =	sdelay $0x1  }
0x14: {  	s23 =	sshra.s32 s22, $0x2  }
0x15: {  	s22 =	sadd.s32 $0x40, s22;
	[tilespmem:s23+$0x1900] =	vst v0  }
0x16: {  	s22 =	sadd.s32 $0x0, s9  }
0x17: {  	[spmem:s22] =	stream.linear.scatter [tilespmem:s13], [sflag:$0x2], $0x800, $0x38;
	[tilespmem:$0x1A900] =	vst v63  }
0x18: {  	s22 =	simm.s32 $0x2000;
	_ =	swait.ge [sflag:s14], $0x800  }
.LBB2_4:
0x19: {  	s23 =	sshra.s32 s22, $0x2;
	[sflag:s14] =	ssyncset.done $0x0;
	p0 =	sne.s32 s22, $0x60000  }
.Ltmp1:
0x1a: {  	s23 =	sadd.s32 s23, s9;
	[sflag:s14] =	ssyncadd.s32 $0xFFFFF800;
	(pc) =	sbr.rel @p0 .LBB2_4-.Ltmp1, $3  }
0x1b: {  	[spmem:s23] =	stream.linear.scatter [tilespmem:s13], [sflag:$0x2], $0x800, $0x38;
	[tilespmem:$0x1A900] =	vst v63  }
0x1c: {  	s22 =	sadd.s32 $0x2000, s22;
	_ =	sdelay $0x1  }
0x1d: {  	_ =	swait.ge [sflag:s14], $0x800  }
0x1e: {  	[sflag:s14] =	ssyncset.done $0x0  }
0x1f: {  	[sflag:s14] =	ssyncadd.s32 $0xFFFFF800  }
0x20: {  	s22 =	simm.s32 $0x0;
	[bflag:$0x0] =	sbarrier.arrive $0xFFFF  }
.LBB2_6:
0x21: {  	s23 =	sshll.u32 s22, $0x7  }
0x22: {  	s23 =	sadd.s32 s10, s23  }
0x23: {  	s24 =	sshrl.u32 s23, $0x3  }
0x24: {  	s25 =	sadd.s32 s7, s24  }
0x25: {  	[tilespmem:s3], [sflag:$0x2] =	stream.linear.gather [hbm4b:s25+s3], $0x80, $0x38;
	[tilespmem:$0x1A900] =	vst v63  }
0x26: {  	_ =	swait.ge [sflag:s14], $0x80  }
0x27: {  	[sflag:s14] =	ssyncset.done $0x0  }
0x28: {  	s24 =	sadd.s32 s8, s24;
	[sflag:s14] =	ssyncadd.s32 $0xFFFFFF80  }
0x29: {  	[tilespmem:s15], [sflag:$0x2] =	stream.linear.gather [hbm4b:s24+s3], $0x80, $0x38;
	[tilespmem:$0x1A900] =	vst v63  }
0x2a: {  	_ =	swait.ge [sflag:s14], $0x80  }
0x2b: {  	[sflag:s14] =	ssyncset.done $0x0  }
0x2c: {  	[sflag:s14] =	ssyncadd.s32 $0xFFFFFF80  }
0x2d: {  	[tilespmem:s16], [sflag:$0x1] =	stream.indirect.gather [hbm4b:s4+s15], $0x10, s3, s15, $0xb8;
	[tilespmem:$0x1A900] =	vst v63  }
0x2e: {  	s23 =	sshll.u32 s23, $0x1  }
0x2f: {  	[tilespmem:s17], [sflag:$0x1] =	stream.indirect.gather [hbm4b:s5+s15], $0x10, s15, s15, $0xb8;
	[tilespmem:$0x1A900] =	vst v63  }
0x30: {  	s23 =	sadd.s32 s6, s23  }
0x31: {  	[tilespmem:s18], [sflag:$0x1] =	stream.linear.gather [hbm4b:s23+s3], $0x800, $0x38;
	[tilespmem:$0x1A900] =	vst v63  }
0x32: {  	_ =	swait.ge [sflag:s19], $0x800  }
0x33: {  	[sflag:s19] =	ssyncset.done $0x0  }
0x34: {  	[sflag:s19] =	ssyncadd.s32 $0xFFFFF800  }
0x35: {  	_ =	swait.ge [sflag:s19], $0x800  }
0x36: {  	[sflag:s19] =	ssyncset.done $0x0  }
0x37: {  	[sflag:s19] =	ssyncadd.s32 $0xFFFFF800  }
0x38: {  	_ =	swait.ge [sflag:s19], $0x800  }
0x39: {  	[sflag:s19] =	ssyncset.done $0x0  }
0x3a: {  	s31 =	simm.s32 $0x920;
	[sflag:s19] =	ssyncadd.s32 $0xFFFFF800  }
0x3b: {  	s26 =	simm.s32 $0x120;
	v1 =	vld [tilespmem:s31+$0xFFFFFFE0]  }
0x3c: {  	v2 =	vld [tilespmem:s26+$0xFFFFFFE0]  }
0x3d: {  	s23 =	simm.s32 $0x1120  }
0x3e: {  	v3 =	vld [tilespmem:s23+$0xFFFFFFE0];
	_ =	sdelay $0x2  }
0x3f: {  	v1 =	vadd.f32 v1, v2;
	_ =	sdelay $0x1  }
0x40: {  	v1 =	vadd.f32 v3, v1;
	_ =	sdelay $0x1  }
0x41: {  	s24 =	simm.s32 $0x1920;
	v1 =	vmax.f32 v1, $0.0e+00  }
0x42: {  	[tilespmem:s24+$0xFFFFFFE0] =	vst v1  }
0x43: {  	v1 =	vld [tilespmem:s26+$0xFFFFFFF0]  }
0x44: {  	v2 =	vld [tilespmem:s31+$0xFFFFFFF0];
	_ =	sdelay $0x1  }
0x45: {  	v3 =	vld [tilespmem:s23+$0xFFFFFFF0];
	_ =	sdelay $0x2  }
0x46: {  	v1 =	vadd.f32 v2, v1;
	_ =	sdelay $0x1  }
0x47: {  	v1 =	vadd.f32 v3, v1;
	_ =	sdelay $0x1  }
0x48: {  	v1 =	vmax.f32 v1, $0.0e+00  }
0x49: {  	[tilespmem:s24+$0xFFFFFFF0] =	vst v1  }
0x4a: {  	v1 =	vld [tilespmem:s26+$0x0]  }
0x4b: {  	v2 =	vld [tilespmem:s31+$0x0];
	_ =	sdelay $0x1  }
0x4c: {  	v3 =	vld [tilespmem:s23+$0x0];
	_ =	sdelay $0x2  }
0x4d: {  	v1 =	vadd.f32 v2, v1;
	_ =	sdelay $0x1  }
0x4e: {  	v1 =	vadd.f32 v3, v1;
	_ =	sdelay $0x1  }
0x4f: {  	v1 =	vmax.f32 v1, $0.0e+00  }
0x50: {  	[tilespmem:s24+$0x0] =	vst v1  }
0x51: {  	v2 =	vld [tilespmem:s26+$0x10]  }
0x52: {  	v3 =	vld [tilespmem:s31+$0x10];
	_ =	sdelay $0x1  }
0x53: {  	v1 =	vld [tilespmem:s23+$0x10];
	_ =	sdelay $0x1  }
0x54: {  	s28 =	simm.s32 $0x960  }
0x55: {  	s29 =	simm.s32 $0x160;
	s25 =	simm.s32 $0x0;
	s26 =	simm.s32 $0x1920;
	v2 =	vadd.f32 v3, v2  }
.LBB2_7:
0x56: {  	s25 =	sadd.s32 $0x4, s25;
	s24 =	sadd.s32 $0x40, s24;
	s23 =	sadd.s32 $0x40, s23  }
0x57: {  	p0 =	slt.u32 s25, $0x7C;
	v1 =	vadd.f32 v1, v2;
	_ =	sdelay $0x1  }
0x58: {  	v1 =	vmax.f32 v1, $0.0e+00  }
0x59: {  	[tilespmem:s26+$0x10] =	vst v1;
	s26 =	smov.u32 s24  }
0x5a: {  	v1 =	vld [tilespmem:s28+$0xFFFFFFE0]  }
0x5b: {  	v2 =	vld [tilespmem:s29+$0xFFFFFFE0];
	_ =	sdelay $0x1  }
0x5c: {  	v3 =	vld [tilespmem:s23+$0xFFFFFFE0];
	_ =	sdelay $0x2  }
0x5d: {  	v1 =	vadd.f32 v1, v2;
	_ =	sdelay $0x1  }
0x5e: {  	v1 =	vadd.f32 v3, v1;
	_ =	sdelay $0x1  }
0x5f: {  	v1 =	vmax.f32 v1, $0.0e+00  }
0x60: {  	[tilespmem:s24+$0xFFFFFFE0] =	vst v1  }
0x61: {  	v1 =	vld [tilespmem:s29+$0xFFFFFFF0]  }
0x62: {  	v2 =	vld [tilespmem:s28+$0xFFFFFFF0];
	_ =	sdelay $0x1  }
0x63: {  	v3 =	vld [tilespmem:s23+$0xFFFFFFF0];
	_ =	sdelay $0x2  }
0x64: {  	v1 =	vadd.f32 v2, v1;
	_ =	sdelay $0x1  }
0x65: {  	v1 =	vadd.f32 v3, v1;
	_ =	sdelay $0x1  }
0x66: {  	v1 =	vmax.f32 v1, $0.0e+00  }
0x67: {  	[tilespmem:s24+$0xFFFFFFF0] =	vst v1  }
0x68: {  	v1 =	vld [tilespmem:s29+$0x0]  }
0x69: {  	v2 =	vld [tilespmem:s28+$0x0];
	_ =	sdelay $0x1  }
0x6a: {  	v3 =	vld [tilespmem:s23+$0x0];
	_ =	sdelay $0x2  }
0x6b: {  	v1 =	vadd.f32 v2, v1;
	_ =	sdelay $0x1  }
0x6c: {  	v1 =	vadd.f32 v3, v1;
	_ =	sdelay $0x1  }
0x6d: {  	v1 =	vmax.f32 v1, $0.0e+00  }
0x6e: {  	[tilespmem:s24+$0x0] =	vst v1  }
0x6f: {  	v2 =	vld [tilespmem:s29+$0x10]  }
0x70: {  	v3 =	vld [tilespmem:s28+$0x10]  }
.Ltmp2:
0x71: {  	v1 =	vld [tilespmem:s23+$0x10];
	(pc) =	sbr.rel @p0 .LBB2_7-.Ltmp2, $2  }
0x72: {  	_ =	sdelay $0x2  }
0x73: {  	s29 =	sadd.s32 $0x40, s29;
	s28 =	sadd.s32 $0x40, s28;
	v2 =	vadd.f32 v3, v2  }
0x74: {  	_ = 	snop  }
0x75: {  	v1 =	vadd.f32 v1, v2  }
0x76: {  	s22 =	sadd.s32 $0x1, s22  }
0x77: {  	p0 =	sne.s32 s22, $0x187;
	v1 =	vmax.f32 v1, $0.0e+00  }
.Ltmp3:
0x78: {  	[tilespmem:s26+$0x10] =	vst v1;
	(pc) =	sbr.rel @p0 .LBB2_6-.Ltmp3, $4  }
0x79: {  	[spmem:s1] =	stream.indirect.scatter.add.f32 [tilespmem:s13], [sflag:$0x2], $0x10, s3, s15, $0xb8;
	[tilespmem:$0x1A900] =	vst v63  }
0x7a: {  	_ =	swait.ge [sflag:s14], $0x800  }
0x7b: {  	[sflag:s14] =	ssyncset.done $0x0  }
0x7c: {  	[sflag:s14] =	ssyncadd.s32 $0xFFFFF800  }
0x7d: {  	s21 =	sadd.s32 $0x1, s21  }
0x7e: {  	s22 =	sshll.u32 s2, $0x6;
	p0 =	sne.s32 s21, s12  }
.Ltmp4:
0x7f: {  	[bflag:$0x0] =	sbarrier.arrive $0xFFFF;
	s22 =	sor.u32 $0x1C02, s22;
	(pc) =	sbr.rel @p0 .LBB2_1-.Ltmp4, $4  }
0x80: {  	[hbm:s11], [sflag:s22] =	dma.local [spmem:s20], $0x3100  }
0x81: {  	_ =	swait.ge [sflag:s14], $0x3100  }
0x82: {  	[sflag:s14] =	ssyncset.done $0x0  }
0x83: {  	[sflag:s14] =	ssyncadd.s32 $0xFFFFCF00  }
0x84: {  	_ =	sfence.sel $0x180000  }
0x85: {  	[bflag:$0x0] =	sbarrier.arrive $0xFFFF  }
0x86: {  	p0 =	sne.s32 s2, $0x0;
	_ =	strace $0x9000004D  }
0x87: {  	s0 =	sadd.s32 @!p0 $0x100000, s0;
	[bflag:$0x2] =	sbarrier.arrive $0xFFFF  }
0x88: {  	[sflag:s0] =	ssyncadd.tile.s32 @!p0 $0x1;
	_ =	shalt  }
.Lfunc_end2:
_tile_overlayer_lowered:
.L_overlay_start_2:
0x89: {  	(tag) =	ssettag $0x2  }
0x8a: {  	s0 =	rddreg [dreg:$0x0];
	s2 =	stileid.u32  }
0x8b: {  	s1 =	rddreg [dreg:$0x1];
	p0 =	sne.s32 s2, $0x0  }
0x8c: {  	s3 =	rddreg [dreg:$0x2];
	[bflag:$0x3] =	sbarrier.arrive $0xFFFF;
	s2 =	simm.s32 @!p0 $0x1C02  }
0x8d: {  	[timem:s3], [sflag:s2] =	dma.local @!p0 [hbm:s0], s1  }
0x8e: {  	s0 =	simm.s32 @!p0 $0x2  }
0x8f: {  	_ =	swait.ge @!p0 [sflag:s0], s1  }
0x90: {  	s1 =	ssub.s32 @!p0 $0x0, s1;
	[sflag:s0] =	ssyncset.done @!p0 $0x0  }
0x91: {  	[sflag:s0] =	ssyncadd.s32 @!p0 s1  }
0x92: {  	[bflag:$0x3] =	sbarrier.arrive $0xFFFF  }
0x93: {  	_ =	shalt  }

// kernel: kernel.21.cloned.1.call-start
scs
__scs_entry_jumppad:
0x0: {  	(pc) =	sbr.rel $0x88, $3  }
0x1: {  	(tag) =	ssettag $0x0;
	lr =	simm.s32 $0x1  }
0x2: {  	[smem:$0x3F91] =	sst lr;
	_ =	strace $0xD0000000  }
0x3: {  	_ = 	snop  }
0x4: {  	_ = 	snop  }
0x5: {  	_ = 	snop  }
0x6: {  	_ = 	snop  }
0x7: {  	_ = 	snop  }
__scs_overlays_trampoline_lowered:
0x8: {  	[smem:$0x3FA0] =	sst s0  }
0x9: {  	[smem:$0x3FA1] =	sst s1  }
0xa: {  	[smem:$0x3FA2] =	sst s2  }
0xb: {  	[smem:$0x3FA3] =	sst s3  }
0xc: {  	[smem:$0x3FA4] =	sst s4  }
0xd: {  	[smem:$0x3FA5] =	sst s5  }
0xe: {  	[smem:$0x3FA6] =	sst s6  }
0xf: {  	[smem:$0x3FA7] =	sst s7  }
0x10: {  	[smem:$0x3FA8] =	sst s8  }
0x11: {  	[smem:$0x3FA9] =	sst s9;
	s0 =	simm.s32 @!p0 $0x0  }
0x12: {  	s1 =	sld [smem:$0x3F8F];
	s0 =	simm.s32 @p0 $0x1  }
0x13: {  	[smem:$0x3FAA] =	sst s0;
	s0 =	simm.s32 @!p1 $0x0  }
0x14: {  	s2 =	sld [smem:$0x3F8E];
	s0 =	simm.s32 @p1 $0x1  }
0x15: {  	[smem:$0x3FAB] =	sst s0;
	s0 =	simm.s32 @!p2 $0x0  }
0x16: {  	s3 =	sld [smem:$0x3FDB];
	s0 =	simm.s32 @p2 $0x1  }
0x17: {  	s4 =	simm.s32 $0x1BF5;
	[smem:$0x3FAD] =	sst s0  }
0x18: {  	s0 =	sld [smem:$0x3F90];
	_ =	swait.ge [sflag:s4], $0x0  }
0x19: {  	s7 =	sld [smem:$0x3F91]  }
0x1a: {  	s8 =	sadd.s32 $0xFFFFE003, lr  }
0x1b: {  	s9 =	sadd.s32 $0xFFFFFEF7, lr;
	s5 =	simm.s32 $0xFFFFFFFF;
	p2 =	slt.u32 s8, $0xFFFFF086  }
0x1c: {  	p1 =	slt.u32 s9, $0xF7A;
	s5 =	simm.s32 @!p2 $0x0  }
0x1d: {  	s5 =	simm.s32 @p1 $0x1;
	p0 =	seq.s32 s7, s2  }
0x1e: {  	s7 =	smul.u32 @!p0 $0xF7A, s2;
	p2 =	seq.s32 @!p0 s5, $0x0  }
0x1f: {  	s9 =	smul.u32 $0xF7A, s1;
	s8 =	simm.s32 @!p0 $0x1BF5;
	p2 =	por !p2, p0  }
0x20: {  	[sflag:s8] =	ssyncset.s32 @!p0 $0xFFFFF086;
	s6 =	sadd.s32 @!p0 s3, s7;
	s7 =	simm.s32 @!p0 $0x108  }
0x21: {  	s3 =	sadd.s32 s3, s9;
	s6 =	sadd.s32 @!p0 $0x88, s6;
	s7 =	simm.s32 @p2 $0x1082  }
0x22: {  	[simem:s7], [sflag:s8] =	dma.local @!p0 [hbm:s6], $0xF7A  }
0x23: {  	s9 =	sor.u32 $0xD0000000, s2;
	s6 =	simm.s32 $0x108;
	_ =	swait.ge @!p0 [sflag:s8], $0x0  }
0x24: {  	s3 =	sadd.s32 $0x88, s3;
	s6 =	simm.s32 @!p1 $0x1082;
	[sflag:s4] =	ssyncset.s32 $0xFFFFF086  }
0x25: {  	[simem:s6], [sflag:s4] =	dma.local [hbm:s3], $0xF7A  }
0x26: {  	[smem:$0x3F91] =	sst s1;
	(tag) =	ssettag s2;
	_ =	strace s9  }
0x27: {  	s1 =	sld [smem:$0x3FA1]  }
0x28: {  	s2 =	sld [smem:$0x3FA2]  }
0x29: {  	s4 =	sld [smem:$0x3FA4]  }
0x2a: {  	p0 =	seq.s32 s5, $0x0;
	s5 =	sld [smem:$0x3FA5]  }
0x2b: {  	s6 =	sld [smem:$0x3FA6]  }
0x2c: {  	s7 =	sld [smem:$0x3FA7]  }
0x2d: {  	s3 =	simm.s32 $0x108;
	s8 =	sld [smem:$0x3FA8]  }
0x2e: {  	s3 =	simm.s32 @!p0 $0x1082;
	s9 =	sld [smem:$0x3FA9]  }
0x2f: {  	lr =	sadd.s32 s0, s3;
	s0 =	sld [smem:$0x3FA0]  }
0x30: {  	s3 =	sld [smem:$0x3FA3]  }
0x31: {  	[smem:$0x3FAC] =	sst s10  }
0x32: {  	s10 =	sld [smem:$0x3FAA];
	_ =	sdelay $0x3  }
0x33: {  	p0 =	seq.s32 s10, $0x1;
	s10 =	sld [smem:$0x3FAC];
	_ =	sdelay $0x3  }
0x34: {  	[smem:$0x3FAC] =	sst s10  }
0x35: {  	s10 =	sld [smem:$0x3FAB];
	_ =	sdelay $0x3  }
0x36: {  	p1 =	seq.s32 s10, $0x1;
	s10 =	sld [smem:$0x3FAC];
	_ =	sdelay $0x3  }
0x37: {  	[smem:$0x3FAC] =	sst s10  }
0x38: {  	s10 =	sld [smem:$0x3FAD]  }
0x39: {  	_ = 	snop;
	(pc) =	sbr.ind lr, $3  }
0x3a: {  	_ = 	snop  }
0x3b: {  	_ = 	snop  }
0x3c: {  	p2 =	seq.s32 s10, $0x1;
	s10 =	sld [smem:$0x3FAC]  }
0x3d: {  	_ =	shalt  }
0x3e: {  	_ =	shalt  }
0x3f: {  	_ =	shalt  }
0x40: {  	_ =	shalt  }
0x41: {  	_ =	shalt  }
0x42: {  	_ =	shalt  }
0x43: {  	_ =	shalt  }
0x44: {  	_ =	shalt  }
0x45: {  	_ =	shalt  }
0x46: {  	_ =	shalt  }
0x47: {  	_ =	shalt  }
0x48: {  	_ =	shalt  }
0x49: {  	_ =	shalt  }
0x4a: {  	_ =	shalt  }
0x4b: {  	_ =	shalt  }
0x4c: {  	_ =	shalt  }
0x4d: {  	_ =	shalt  }
0x4e: {  	_ =	shalt  }
0x4f: {  	_ =	shalt  }
0x50: {  	_ =	shalt  }
0x51: {  	_ =	shalt  }
0x52: {  	_ =	shalt  }
0x53: {  	_ =	shalt  }
0x54: {  	_ =	shalt  }
0x55: {  	_ =	shalt  }
0x56: {  	_ =	shalt  }
0x57: {  	_ =	shalt  }
0x58: {  	_ =	shalt  }
0x59: {  	_ =	shalt  }
0x5a: {  	_ =	shalt  }
0x5b: {  	_ =	shalt  }
0x5c: {  	_ =	shalt  }
0x5d: {  	_ =	shalt  }
0x5e: {  	_ =	shalt  }
0x5f: {  	_ =	shalt  }
0x60: {  	_ =	shalt  }
0x61: {  	_ =	shalt  }
0x62: {  	_ =	shalt  }
0x63: {  	_ =	shalt  }
0x64: {  	_ =	shalt  }
0x65: {  	_ =	shalt  }
0x66: {  	_ =	shalt  }
0x67: {  	_ =	shalt  }
0x68: {  	_ =	shalt  }
0x69: {  	_ =	shalt  }
0x6a: {  	_ =	shalt  }
0x6b: {  	_ =	shalt  }
0x6c: {  	_ =	shalt  }
0x6d: {  	_ =	shalt  }
0x6e: {  	_ =	shalt  }
0x6f: {  	_ =	shalt  }
0x70: {  	_ =	shalt  }
0x71: {  	_ =	shalt  }
0x72: {  	_ =	shalt  }
0x73: {  	_ =	shalt  }
0x74: {  	_ =	shalt  }
0x75: {  	_ =	shalt  }
0x76: {  	_ =	shalt  }
0x77: {  	_ =	shalt  }
0x78: {  	_ =	shalt  }
0x79: {  	_ =	shalt  }
0x7a: {  	_ =	shalt  }
0x7b: {  	_ =	shalt  }
0x7c: {  	_ =	shalt  }
0x7d: {  	_ =	shalt  }
0x7e: {  	_ =	shalt  }
0x7f: {  	_ =	shalt  }
0x80: {  	_ =	shalt  }
0x81: {  	_ =	shalt  }
0x82: {  	_ =	shalt  }
0x83: {  	_ =	shalt  }
0x84: {  	_ =	shalt  }
0x85: {  	_ =	shalt  }
0x86: {  	_ =	shalt  }
0x87: {  	_ =	shalt  }
.Lfunc_end0:
.L_simem_size_0:
called_computation.3_lowered:
.L_overlay_start_0:
0x88: {  	s2 =	sld [smem:$0x3FD9]  }
0x89: {  	s3 =	sld [smem:$0x3FFE];
	_ =	sdelay $0x1  }
0x8a: {  	s1 =	srdreg.scid  }
0x8b: {  	s0 =	sand.u32 $0x1, s1  }
0x8c: {  	s16 =	sshll.u32 s0, $0xA;
	s2 =	sadd.s32 s3, s2  }
0x8d: {  	s2 =	sadd.s32 s2, s16  }
0x8e: {  	[smem:$0x3FB8] =	sst s2  }
0x8f: {  	_ = 	snop  }
0x90: {  	(tm) =	ssettm $0x1  }
0x91: {  	s17 =	sld [smem:$0x3FFB];
	_ =	sdelay $0x3  }
0x92: {  	_ =	strace s17  }
0x93: {  	s2 =	sld [smem:$0x3FFC];
	_ =	sdelay $0x3  }
0x94: {  	_ =	strace s2  }
0x95: {  	s2 =	sld [smem:$0x3FFD];
	_ =	sdelay $0x3  }
0x96: {  	_ =	strace s2  }
0x97: {  	_ =	strace $0x8FFFFFFF  }
0x98: {  	s18 =	sld [smem:$0x3FDB];
	_ =	sdelay $0x1  }
0x99: {  	s19 =	simm.s32 $_scs_section_size  }
0x9a: {  	s4 =	simm.s32 $_size__tile_overlayer_lowered;
	s5 =	simm.s32 $_tile_overlayer_lowered  }
0x9b: {  	s22 =	simm.s32 $0x1BFF;
	s21 =	sshll.u32 s5, $0x1;
	s2 =	sadd.s32 s19, s18  }
0x9c: {  	s6 =	simm.s32 $0x0;
	s20 =	sshll.u32 s4, $0x1;
	s4 =	sadd.s32 s21, s2  }
0x9d: {  	[timem:s6], [sflag:s22] =	dma.local [hbm:s4], s20  }
0x9e: {  	_ =	swait.ge [sflag:s22], s20  }
0x9f: {  	s3 =	ssub.s32 $0x0, s20;
	[sflag:s22] =	ssyncset.done $0x0  }
0xa0: {  	[sflag:s22] =	ssyncadd.s32 s3;
	_ =	sdelay $0x1  }
0xa1: {  	s23 =	simm.s32 $0x1B8B  }
0xa2: {  	_ =	swait.ge [sflag:s23], $0x1  }
0xa3: {  	[sflag:s23] =	ssyncset.done $0x0  }
0xa4: {  	s25 =	simm.s32 $0x1B8E;
	s24 =	sld [smem:$0x3FFE];
	[sflag:s23] =	ssyncadd.s32 $0xFFFFFFFF  }
0xa5: {  	s26 =	simm.s32 $execute0_lowered;
	[smem:$0x3FD2] =	sst s25  }
0xa6: {  	s4 =	sshll.u32 s26, $0x1;
	_ =	strace $0x8000004F;
	[dreg:$0x1] =	wrdreg $0xFFFFFFFF  }
0xa7: {  	s28 =	simm.s32 $_size_execute0_lowered;
	s2 =	sadd.s32 s2, s4;
	[dreg:$0x0] =	wrdreg $0x0  }
0xa8: {  	s4 =	sshll.u32 s28, $0x1;
	[dreg:$0x2] =	wrdreg s2  }
0xa9: {  	[dreg:$0x3] =	wrdreg s4  }
0xaa: {  	[dreg:$0x4] =	wrdreg $0xC0  }
0xab: {  	_ =	task [dreg:s6], $0x5FFFF  }
0xac: {  	[dreg:$0x1] =	wrdreg $0xFFFFFFFF  }
0xad: {  	[dreg:$0x0] =	wrdreg $0x60  }
0xae: {  	[dreg:$0x2] =	wrdreg s24  }
0xaf: {  	[dreg:$0x3] =	wrdreg $0x9000  }
0xb0: {  	[dreg:$0x4] =	wrdreg $0x9  }
0xb1: {  	_ =	task.clear_ibuf [dreg:s6], $0x5FFFF;
	_ =	strace $0x9000004F  }
0xb2: {  	s29 =	simm.s32 $0x9;
	_ =	strace $0x80000051  }
0xb3: {  	_ =	swait.ge [sflag:s29], $0x1  }
0xb4: {  	[sflag:s29] =	ssyncadd.s32 $0xFFFFFFFF  }
0xb5: {  	_ =	strace $0x90000051  }
0xb6: {  	_ =	sfence  }
0xb7: {  	s30 =	sld [smem:$0x0];
	_ =	sdelay $0x2  }
0xb8: {  	s31 =	sshll.u32 s1, $0xD;
	s1 =	sshrl.u32 s1, $0x2  }
0xb9: {  	s3 =	sand.u32 $0x4000, s31;
	s1 =	sadd.s32 s1, s30  }
0xba: {  	s0 =	sor.u32 s3, s0;
	s1 =	sshll.u32 s1, $0x11  }
0xbb: {  	s0 =	sor.u32 s1, s0  }
0xbc: {  	s0 =	sadd.s32 $0x8F2B, s0  }
0xbd: {  	[sflag:s0] =	ssyncadd.remote.s32 $0x1  }
0xbe: {  	_ =	sfence.sel $0xFFFF  }
0xbf: {  	[dreg:$0x0] =	wrdreg $0xFFFFFFFF;
	(pc) =	sbr.abs _section_cstart, $3  }
0xc0: {  	[dreg:$0x1] =	wrdreg $0xFFFFFFFF  }
0xc1: {  	_ =	task.clear_ibuf [dreg:s6], $0x2FFFF;
	_ =	strace $0x9FFFFFFF  }
0xc2: {  	(tm) =	ssettm $0x7FFFFFFF  }
0xc3: {  	_ =	shalt  }
tec
execute0_lowered:
.L_overlay_start_1:
0x0: {  	(tag) =	ssettag $0x1  }
0x1: {  	s5 =	rddreg [dreg:$0x0]  }
0x2: {  	s0 =	srdreg.scid;
	s2 =	rddreg [dreg:$0x1]  }
0x3: {  	s1 =	rddreg [dreg:$0x2];
	s3 =	simm.s32 $0x0;
	s6 =	sand.u32 $0x1, s0  }
0x4: {  	s12 =	simm.s32 $0x80;
	s0 =	stileid.u32;
	s7 =	smul.u32 $0xC3800, s6  }
0x5: {  	s13 =	simm.s32 $0x1;
	s16 =	simm.s32 $0x0;
	s8 =	smul.u32 $0xC380, s0  }
0x6: {  	[smem:$0x7FF] =	sst s3;
	s4 =	sadd.s32 $0x190000, s5;
	s9 =	smul.u32 $0x188000, s6  }
0x7: {  	s10 =	smul.u32 $0x18800, s0;
	_ =	strace $0x80000050;
	s6 =	ssub.s32 $0x2, s6  }
0x8: {  	s26 =	smul.u32 $0x62000, s0;
	s14 =	sshll.u32 s0, $0x6;
	s29 =	sshrl.u32 s6, $0x1  }
0x9: {  	s14 =	sor.u32 $0x1C02, s14;
	s7 =	sadd.s32 s8, s7;
	s25 =	sadd.s32 s10, s9  }
0xa: {  	s30 =	sshrl.u32 s26, $0x2;
	s31 =	ssub.s32 s6, s29;
	s15 =	sadd.s32 s10, s2  }
0xb: {  	s10 =	simm.s32 $0x100;
	s7 =	sshrl.u32 s7, $0x3;
	s28 =	sshrl.u32 s25, $0x3  }
0xc: {  	s15 =	sshrl.u32 s15, $0x3;
	s11 =	sadd.s32 s7, s5;
	s7 =	sadd.s32 s28, s5  }
0xd: {  	s5 =	sadd.s32 s30, s2;
	s6 =	sadd.s32 $0x625000, s7;
	s7 =	smax.u32 s31, $0x1  }
0xe: {  	v0 =	vimm.f32 $0.0e+00;
	s8 =	sadd.s32 $0x222E00, s11;
	s9 =	sadd.s32 $0x1F2000, s11;
	s11 =	simm.s32 $0x2  }
.LBB2_1:
0xf: {  	s17 =	simm.s32 $0x0  }
.LBB2_2:
0x10: {  	p0 =	sne.s32 s17, $0x1FC0  }
.Ltmp0:
0x11: {  	_ = 	snop;
	(pc) =	sbr.rel @p0 .LBB2_2-.Ltmp0, $3  }
0x12: {  	_ =	sdelay $0x1  }
0x13: {  	s18 =	sshra.s32 s17, $0x2  }
0x14: {  	s17 =	sadd.s32 $0x40, s17;
	[tilespmem:s18+$0x100] =	vst v0  }
0x15: {  	s17 =	sadd.s32 $0x0, s5  }
0x16: {  	[spmem:s17] =	stream.linear.scatter [tilespmem:s10], [sflag:$0x2], $0x800, $0x38;
	[tilespmem:$0x19100] =	vst v63  }
0x17: {  	s17 =	simm.s32 $0x2000;
	_ =	swait.ge [sflag:s11], $0x800  }
.LBB2_4:
0x18: {  	s18 =	sshra.s32 s17, $0x2;
	[sflag:s11] =	ssyncset.done $0x0;
	p0 =	sne.s32 s17, $0x60000  }
.Ltmp1:
0x19: {  	s18 =	sadd.s32 s18, s5;
	[sflag:s11] =	ssyncadd.s32 $0xFFFFF800;
	(pc) =	sbr.rel @p0 .LBB2_4-.Ltmp1, $3  }
0x1a: {  	[spmem:s18] =	stream.linear.scatter [tilespmem:s10], [sflag:$0x2], $0x800, $0x38;
	[tilespmem:$0x19100] =	vst v63  }
0x1b: {  	s17 =	sadd.s32 $0x2000, s17;
	_ =	sdelay $0x1  }
0x1c: {  	_ =	swait.ge [sflag:s11], $0x800  }
0x1d: {  	[sflag:s11] =	ssyncset.done $0x0  }
0x1e: {  	[sflag:s11] =	ssyncadd.s32 $0xFFFFF800  }
0x1f: {  	s17 =	sadd.s32 $0x0, s9;
	[bflag:$0x0] =	sbarrier.arrive $0xFFFF  }
0x20: {  	[tilespmem:s3], [sflag:$0x2] =	stream.linear.gather [hbm4b:s17+s3], $0x80, $0x38;
	[tilespmem:$0x19100] =	vst v63  }
0x21: {  	_ =	swait.ge [sflag:s11], $0x80  }
0x22: {  	[sflag:s11] =	ssyncset.done $0x0  }
0x23: {  	s31 =	sadd.s32 $0x0, s8;
	[sflag:s11] =	ssyncadd.s32 $0xFFFFFF80  }
0x24: {  	[tilespmem:s12], [sflag:$0x2] =	stream.linear.gather [hbm4b:s31+s3], $0x80, $0x38;
	[tilespmem:$0x19100] =	vst v63  }
0x25: {  	_ =	swait.ge [sflag:s11], $0x80  }
0x26: {  	[sflag:s11] =	ssyncset.done $0x0  }
0x27: {  	[sflag:s11] =	ssyncadd.s32 $0xFFFFFF80  }
0x28: {  	[tilespmem:s10], [sflag:$0x1] =	stream.indirect.gather [hbm4b:s4+s12], $0x10, s3, s12, $0xb8;
	[tilespmem:$0x19100] =	vst v63  }
0x29: {  	_ =	swait.ge [sflag:s13], $0x800  }
0x2a: {  	[sflag:s13] =	ssyncset.done $0x0  }
0x2b: {  	[sflag:s13] =	ssyncadd.s32 $0xFFFFF800  }
0x2c: {  	[spmem:s2] =	stream.indirect.scatter.add.f32 [tilespmem:s10], [sflag:$0x2], $0x10, s12, s12, $0xb8;
	[tilespmem:$0x19100] =	vst v63  }
0x2d: {  	_ =	swait.ge [sflag:s11], $0x800  }
0x2e: {  	s18 =	simm.s32 $0x20;
	s17 =	simm.s32 $0x10;
	[sflag:s11] =	ssyncset.done $0x0  }
.LBB2_6:
0x2f: {  	s19 =	sadd.s32 s17, s9  }
0x30: {  	[sflag:s11] =	ssyncadd.s32 $0xFFFFF800;
	s20 =	smov.u32 s18;
	s21 =	sadd.s32 $0x10, s18  }
0x31: {  	[tilespmem:s3], [sflag:$0x2] =	stream.linear.gather [hbm4b:s19+s3], $0x80, $0x38;
	[tilespmem:$0x19100] =	vst v63  }
0x32: {  	p0 =	sne.s32 s18, $0x1860;
	_ =	swait.ge [sflag:s11], $0x80  }
0x33: {  	[sflag:s11] =	ssyncset.done $0x0  }
0x34: {  	s18 =	sadd.s32 s17, s8;
	s17 =	smov.u32 s20;
	[sflag:s11] =	ssyncadd.s32 $0xFFFFFF80  }
0x35: {  	[tilespmem:s12], [sflag:$0x2] =	stream.linear.gather [hbm4b:s18+s3], $0x80, $0x38;
	[tilespmem:$0x19100] =	vst v63  }
0x36: {  	_ =	swait.ge [sflag:s11], $0x80  }
0x37: {  	[sflag:s11] =	ssyncset.done $0x0  }
0x38: {  	[sflag:s11] =	ssyncadd.s32 $0xFFFFFF80  }
0x39: {  	[tilespmem:s10], [sflag:$0x1] =	stream.indirect.gather [hbm4b:s4+s12], $0x10, s3, s12, $0xb8;
	[tilespmem:$0x19100] =	vst v63  }
0x3a: {  	_ =	swait.ge [sflag:s13], $0x800  }
.Ltmp2:
0x3b: {  	[sflag:s13] =	ssyncset.done $0x0;
	(pc) =	sbr.rel @p0 .LBB2_6-.Ltmp2, $4  }
0x3c: {  	[sflag:s13] =	ssyncadd.s32 $0xFFFFF800  }
0x3d: {  	[spmem:s2] =	stream.indirect.scatter.add.f32 [tilespmem:s10], [sflag:$0x2], $0x10, s12, s12, $0xb8;
	[tilespmem:$0x19100] =	vst v63  }
0x3e: {  	_ =	swait.ge [sflag:s11], $0x800  }
0x3f: {  	s18 =	smov.u32 s21;
	[sflag:s11] =	ssyncset.done $0x0  }
0x40: {  	s18 =	sadd.s32 s17, s9;
	[sflag:s11] =	ssyncadd.s32 $0xFFFFF800  }
0x41: {  	[tilespmem:s3], [sflag:$0x2] =	stream.linear.gather [hbm4b:s18+s3], $0x80, $0x38;
	[tilespmem:$0x19100] =	vst v63  }
0x42: {  	_ =	swait.ge [sflag:s11], $0x80  }
0x43: {  	[sflag:s11] =	ssyncset.done $0x0  }
0x44: {  	s31 =	sadd.s32 s17, s8;
	[sflag:s11] =	ssyncadd.s32 $0xFFFFFF80  }
0x45: {  	[tilespmem:s12], [sflag:$0x2] =	stream.linear.gather [hbm4b:s31+s3], $0x80, $0x38;
	[tilespmem:$0x19100] =	vst v63  }
0x46: {  	_ =	swait.ge [sflag:s11], $0x80  }
0x47: {  	[sflag:s11] =	ssyncset.done $0x0  }
0x48: {  	[sflag:s11] =	ssyncadd.s32 $0xFFFFFF80  }
0x49: {  	[tilespmem:s10], [sflag:$0x1] =	stream.indirect.gather [hbm4b:s4+s12], $0x10, s3, s12, $0xb8;
	[tilespmem:$0x19100] =	vst v63  }
0x4a: {  	_ =	swait.ge [sflag:s13], $0x800  }
0x4b: {  	[sflag:s13] =	ssyncset.done $0x0  }
0x4c: {  	[sflag:s13] =	ssyncadd.s32 $0xFFFFF800  }
0x4d: {  	[spmem:s2] =	stream.indirect.scatter.add.f32 [tilespmem:s10], [sflag:$0x2], $0x10, s12, s12, $0xb8;
	[tilespmem:$0x19100] =	vst v63  }
0x4e: {  	_ =	swait.ge [sflag:s11], $0x800  }
0x4f: {  	s16 =	sadd.s32 $0x1, s16;
	[sflag:s11] =	ssyncset.done $0x0  }
0x50: {  	p0 =	sne.s32 s16, s7;
	[sflag:s11] =	ssyncadd.s32 $0xFFFFF800  }
.Ltmp3:
0x51: {  	[bflag:$0x0] =	sbarrier.arrive $0xFFFF;
	(pc) =	sbr.rel @p0 .LBB2_1-.Ltmp3, $4  }
0x52: {  	[hbm:s6], [sflag:s14] =	dma.local [spmem:s15], $0x3100  }
0x53: {  	_ =	swait.ge [sflag:s11], $0x3100  }
0x54: {  	[sflag:s11] =	ssyncset.done $0x0  }
0x55: {  	[sflag:s11] =	ssyncadd.s32 $0xFFFFCF00  }
0x56: {  	_ =	sfence.sel $0x180000  }
0x57: {  	[bflag:$0x0] =	sbarrier.arrive $0xFFFF  }
0x58: {  	p0 =	sne.s32 s0, $0x0;
	_ =	strace $0x90000050  }
0x59: {  	s0 =	sadd.s32 @!p0 $0x100000, s1;
	[bflag:$0x2] =	sbarrier.arrive $0xFFFF  }
0x5a: {  	[sflag:s0] =	ssyncadd.tile.s32 @!p0 $0x1;
	_ =	shalt  }
.Lfunc_end2:
_tile_overlayer_lowered:
.L_overlay_start_2:
0x5b: {  	(tag) =	ssettag $0x2  }
0x5c: {  	s0 =	rddreg [dreg:$0x0];
	s2 =	stileid.u32  }
0x5d: {  	s1 =	rddreg [dreg:$0x1];
	p0 =	sne.s32 s2, $0x0  }
0x5e: {  	s3 =	rddreg [dreg:$0x2];
	[bflag:$0x3] =	sbarrier.arrive $0xFFFF;
	s2 =	simm.s32 @!p0 $0x1C02  }
0x5f: {  	[timem:s3], [sflag:s2] =	dma.local @!p0 [hbm:s0], s1  }
0x60: {  	s0 =	simm.s32 @!p0 $0x2  }
0x61: {  	_ =	swait.ge @!p0 [sflag:s0], s1  }
0x62: {  	s1 =	ssub.s32 @!p0 $0x0, s1;
	[sflag:s0] =	ssyncset.done @!p0 $0x0  }
0x63: {  	[sflag:s0] =	ssyncadd.s32 @!p0 s1  }
0x64: {  	[bflag:$0x3] =	sbarrier.arrive $0xFFFF  }
0x65: {  	_ =	shalt  }

</sc_bundles>
